<compile_context>
chip_gen: v7x
topology: tpu7x:2x2x1
jax: 0.10.2.dev20260603
libtpu: 0.0.44.dev20260713+nightly
codegen_flags: <defaults>
</compile_context>

<pallas_src>
import functools

import jax
import jax.numpy as jnp
from jax import lax
from jax.experimental import pallas as pl
from jax.experimental.pallas import tpu as pltpu
from jax.experimental.pallas import tpu_sc as plsc

B = 16384
D = 16
NC = 2
NS = 16
NW = NC * NS
RPW = B // NW
L = 16
NG = RPW // L


def _fire_group(tbl_hbm, idx_v, chunk_v, sem, j, jb):
    g = idx_v[pl.ds(j * L, L)]
    cvec = (g >> 7) << 7
    for r in range(L):
        c = pl.multiple_of(cvec[r], 128)
        pltpu.async_copy(
            tbl_hbm.at[:, pl.ds(c, 128)], chunk_v.at[jb, r], sem)


def _drain_group(tbl_hbm, chunk_v, sem):
    for _ in range(L):
        pltpu.make_async_copy(
            tbl_hbm.at[:, pl.ds(0, 128)], chunk_v.at[0, 0], sem).wait()


def _body(uidx_hbm, iidx_hbm, uet_hbm, iet_hbm, ub_hbm, ib_hbm, out_hbm,
          uidx_v, iidx_v, chunk_v, ut_v, ub_v, ib_v, out_v,
          sem_d, sem_b):
    wid = lax.axis_index("s") * NC + lax.axis_index("c") if NC > 1 else (
        lax.axis_index("s"))
    base = wid * RPW

    pltpu.sync_copy(uidx_hbm.at[pl.ds(base, RPW)], uidx_v)
    pltpu.sync_copy(iidx_hbm.at[pl.ds(base, RPW)], iidx_v)

    cpb0 = pltpu.async_copy(ub_hbm.at[uidx_v], ub_v, sem_b)
    cpb1 = pltpu.async_copy(ib_hbm.at[iidx_v], ib_v, sem_b)

    lanes = lax.iota(jnp.int32, L)
    inv_d = jnp.float32(1.0 / D)

    _fire_group(uet_hbm, uidx_v, chunk_v, sem_d, 0, 0)

    def u_group(j, carry):
        jb = j & 1

        @pl.when(j < NG - 1)
        def _():
            _fire_group(uet_hbm, uidx_v, chunk_v, sem_d, j + 1, (j + 1) & 1)

        _drain_group(uet_hbm, chunk_v, sem_d)
        g = uidx_v[pl.ds(j * L, L)]
        lvec = g & 127
        jbv = jnp.full((L,), jb, jnp.int32)
        off = j * L
        for d in range(D):
            dvec = jnp.full((L,), d, jnp.int32)
            ut_v[d, pl.ds(off, L)] = plsc.load_gather(
                chunk_v, [jbv, lanes, dvec, lvec])
        return carry

    lax.fori_loop(0, NG, u_group, 0)

    cpb0.wait()
    cpb1.wait()

    _fire_group(iet_hbm, iidx_v, chunk_v, sem_d, 0, 0)

    def i_group(j, carry):
        jb = j & 1

        @pl.when(j < NG - 1)
        def _():
            _fire_group(iet_hbm, iidx_v, chunk_v, sem_d, j + 1, (j + 1) & 1)

        _drain_group(iet_hbm, chunk_v, sem_d)
        g = iidx_v[pl.ds(j * L, L)]
        lvec = g & 127
        jbv = jnp.full((L,), jb, jnp.int32)
        off = j * L
        acc = ub_v[pl.ds(off, L)] + ib_v[pl.ds(off, L)]
        for d in range(D):
            dvec = jnp.full((L,), d, jnp.int32)
            ivec = plsc.load_gather(chunk_v, [jbv, lanes, dvec, lvec])
            acc = acc + ut_v[d, pl.ds(off, L)] * (ivec + inv_d)
        out_v[pl.ds(off, L)] = 1.0 / (1.0 + jnp.exp(-acc))
        return carry

    lax.fori_loop(0, NG, i_group, 0)

    pltpu.sync_copy(out_v, out_hbm.at[pl.ds(base, RPW)])


def _half(uidx, iidx, uet, iet, ub, ib):
    mesh = plsc.VectorSubcoreMesh(
        core_axis_name="c", subcore_axis_name="s", num_cores=NC)
    f = functools.partial(
        pl.kernel,
        out_type=jax.ShapeDtypeStruct((B,), jnp.float32),
        mesh=mesh,
        scratch_types=[
            pltpu.VMEM((RPW,), jnp.int32),
            pltpu.VMEM((RPW,), jnp.int32),
            pltpu.VMEM((2, L, D, 128), jnp.float32),
            pltpu.VMEM((D, RPW), jnp.float32),
            pltpu.VMEM((RPW,), jnp.float32),
            pltpu.VMEM((RPW,), jnp.float32),
            pltpu.VMEM((RPW,), jnp.float32),
            pltpu.SemaphoreType.DMA,
            pltpu.SemaphoreType.DMA,
        ],
        compiler_params=pltpu.CompilerParams(needs_layout_passes=False),
    )(_body)
    return f(uidx, iidx, uet, iet, ub, ib)


@jax.jit
def _svdpp(uidx, iidx, uet, iet, ub, ib):
    return _half(uidx, iidx, uet, iet, ub, ib)


def kernel(x, user_emb, item_emb, user_bias, item_bias):
    uidx = x[:, 0]
    iidx = x[:, 1]
    uet = user_emb.T
    iet = item_emb.T
    ub = jnp.reshape(user_bias, (-1,))
    ib = jnp.reshape(item_bias, (-1,))
    return _svdpp(uidx, iidx, uet, iet, ub, ib)

# --- scband reference (transcript-rebuilt; emitter-appended) ---
"""Pipeline reference for scband-svdpp-26534307955343 (READ-ONLY COPY).

The authoritative reference and input builder live on the scoring server;
editing this copy changes nothing except your own understanding.
"""

import jax, jax.numpy as jnp
import numpy as np

USER_NUM = 1000000
ITEM_NUM = 1000000
D = 16
B = 16384


def _xavier_uniform(key, shape):
    fan_in, fan_out = shape[0], shape[1]
    limit = float(np.sqrt(6.0 / (fan_in + fan_out)))
    return jax.random.uniform(key, shape, minval=-limit, maxval=limit, dtype=jnp.float32)


def setup_inputs(seed: int = 0) -> dict:
    key = jax.random.key(seed)
    k1, k2, k3, k4, k5 = jax.random.split(key, 5)
    x = jax.random.randint(k1, (B, 2), 0, min(USER_NUM, ITEM_NUM), dtype=jnp.int32)
    user_emb = _xavier_uniform(k2, (USER_NUM, D))
    item_emb = _xavier_uniform(k3, (ITEM_NUM, D))
    user_bias = _xavier_uniform(k4, (USER_NUM, 1))
    item_bias = _xavier_uniform(k5, (ITEM_NUM, 1))
    return {"x": x, "user_emb": user_emb, "item_emb": item_emb, "user_bias": user_bias, "item_bias": item_bias}


def reference(x, user_emb, item_emb, user_bias, item_bias):
    user_id = x[:, 0]
    item_id = x[:, 1]
    ue = jnp.take(user_emb, user_id, axis=0)          # [B, D]
    ie = jnp.take(item_emb, item_id, axis=0)          # [B, D]
    ub = jnp.take(user_bias, user_id, axis=0)[:, 0]   # [B]
    ib = jnp.take(item_bias, item_id, axis=0)[:, 0]   # [B]
    user_avg = ue.mean(axis=1)                         # [B]
    # bmm([B,1,D] x [B,D,1]).squeeze() == per-row dot product
    user_preference = jnp.sum(ue * ie, axis=-1)
    user_preference = user_preference + ib + ub + user_avg
    pred = jax.nn.sigmoid(user_preference)
    return pred

if __name__ == "__main__":
    import jax
    _d = setup_inputs()
    print(jax.jit(kernel)(*tuple(_d.values())))

</pallas_src>

<mosaic_0001>
#map = affine_map<(d0, d1) -> (0)>
#map1 = affine_map<(d0, d1) -> (0, 0)>
module attributes {stable_mosaic.version = 14 : i64} {
  func.func @_body(%arg0: i32, %arg1: i32, %arg2: memref<16384xi32, #tpu.memory_space<hbm>>, %arg3: memref<16384xi32, #tpu.memory_space<hbm>>, %arg4: memref<16x1000000xf32, #tpu.memory_space<hbm>>, %arg5: memref<16x1000000xf32, #tpu.memory_space<hbm>>, %arg6: memref<1000000xf32, #tpu.memory_space<hbm>>, %arg7: memref<1000000xf32, #tpu.memory_space<hbm>>, %arg8: memref<16384xf32, #tpu.memory_space<hbm>>, %arg9: memref<512xi32, #tpu.memory_space<vmem>>, %arg10: memref<512xi32, #tpu.memory_space<vmem>>, %arg11: memref<2x16x16x128xf32, #tpu.memory_space<vmem>>, %arg12: memref<16x512xf32, #tpu.memory_space<vmem>>, %arg13: memref<512xf32, #tpu.memory_space<vmem>>, %arg14: memref<512xf32, #tpu.memory_space<vmem>>, %arg15: memref<512xf32, #tpu.memory_space<vmem>>, %arg16: memref<!tpu.dma_semaphore, #tpu.memory_space<semaphore_mem>>, %arg17: memref<!tpu.dma_semaphore, #tpu.memory_space<semaphore_mem>>) attributes {dimension_semantics = [#tpu.dimension_semantics<core_parallel>, #tpu.dimension_semantics<subcore_parallel>], iteration_bounds = array<i64: 2, 16>, scalar_prefetch = 0 : i64, scratch_operands = 9 : i64, tpu.core_type = #tpu.core_type<sc_vector_subcore>, window_params = [{transform_indices = #map}, {transform_indices = #map}, {transform_indices = #map1}, {transform_indices = #map1}, {transform_indices = #map}, {transform_indices = #map}, {transform_indices = #map}]} {
    %mul3A = arith.constant 2 : i32
    %mul3A_0 = arith.muli %arg1, %mul3A : i32
    %add3A = arith.addi %mul3A_0, %arg0 : i32
    %mul3A_1 = arith.constant 512 : i32
    %mul3A_2 = arith.muli %add3A, %mul3A_1 : i32
    "tpu.region"() ({
      %run_scoped3A = tpu.sem_alloc : memref<!tpu.dma_semaphore, #tpu.memory_space<semaphore_mem>>
      %dma_start3A_575 = tpu.memref_slice %arg2[%mul3A_2] : memref<16384xi32, #tpu.memory_space<hbm>> -> memref<512xi32, #tpu.memory_space<hbm>>
      %dma_start3A_576 = tpu.memref_slice %arg2[%mul3A_2] : memref<16384xi32, #tpu.memory_space<hbm>> -> memref<512xi32, #tpu.memory_space<hbm>>
      tpu.enqueue_dma source(%dma_start3A_576 : memref<512xi32, #tpu.memory_space<hbm>>) target(%arg9 : memref<512xi32, #tpu.memory_space<vmem>>) target_semaphore(%run_scoped3A : memref<!tpu.dma_semaphore, #tpu.memory_space<semaphore_mem>>)
      %dma_wait3A_577 = tpu.memref_slice %arg2[%mul3A_2] : memref<16384xi32, #tpu.memory_space<hbm>> -> memref<512xi32, #tpu.memory_space<hbm>>
      %dma_wait3A_578 = tpu.memref_slice %arg2[%mul3A_2] : memref<16384xi32, #tpu.memory_space<hbm>> -> memref<512xi32, #tpu.memory_space<hbm>>
      tpu.wait_dma2 semaphore(%run_scoped3A : memref<!tpu.dma_semaphore, #tpu.memory_space<semaphore_mem>>) src(%dma_wait3A_578 : memref<512xi32, #tpu.memory_space<hbm>>) dst(%arg9 : memref<512xi32, #tpu.memory_space<vmem>>)
      tpu.yield
    }) : () -> ()
    "tpu.region"() ({
      %run_scoped3A = tpu.sem_alloc : memref<!tpu.dma_semaphore, #tpu.memory_space<semaphore_mem>>
      %dma_start3A_575 = tpu.memref_slice %arg3[%mul3A_2] : memref<16384xi32, #tpu.memory_space<hbm>> -> memref<512xi32, #tpu.memory_space<hbm>>
      %dma_start3A_576 = tpu.memref_slice %arg3[%mul3A_2] : memref<16384xi32, #tpu.memory_space<hbm>> -> memref<512xi32, #tpu.memory_space<hbm>>
      tpu.enqueue_dma source(%dma_start3A_576 : memref<512xi32, #tpu.memory_space<hbm>>) target(%arg10 : memref<512xi32, #tpu.memory_space<vmem>>) target_semaphore(%run_scoped3A : memref<!tpu.dma_semaphore, #tpu.memory_space<semaphore_mem>>)
      %dma_wait3A_577 = tpu.memref_slice %arg3[%mul3A_2] : memref<16384xi32, #tpu.memory_space<hbm>> -> memref<512xi32, #tpu.memory_space<hbm>>
      %dma_wait3A_578 = tpu.memref_slice %arg3[%mul3A_2] : memref<16384xi32, #tpu.memory_space<hbm>> -> memref<512xi32, #tpu.memory_space<hbm>>
      tpu.wait_dma2 semaphore(%run_scoped3A : memref<!tpu.dma_semaphore, #tpu.memory_space<semaphore_mem>>) src(%dma_wait3A_578 : memref<512xi32, #tpu.memory_space<hbm>>) dst(%arg10 : memref<512xi32, #tpu.memory_space<vmem>>)
      tpu.yield
    }) : () -> ()
    %dma_start3A = arith.constant 0 : i32
    %dma_start3A_3 = tpu.memref_slice %arg6[%dma_start3A] : memref<1000000xf32, #tpu.memory_space<hbm>> -> memref<1000000xf32, #tpu.memory_space<hbm>>
    tpu.enqueue_indirect_dma source(%dma_start3A_3 : memref<1000000xf32, #tpu.memory_space<hbm>>) target(%arg13 : memref<512xf32, #tpu.memory_space<vmem>>) offsets(%arg9 : memref<512xi32, #tpu.memory_space<vmem>>) semaphore(%arg17 : memref<!tpu.dma_semaphore, #tpu.memory_space<semaphore_mem>>)
    %dma_start3A_4 = arith.constant 0 : i32
    %dma_start3A_5 = tpu.memref_slice %arg7[%dma_start3A_4] : memref<1000000xf32, #tpu.memory_space<hbm>> -> memref<1000000xf32, #tpu.memory_space<hbm>>
    tpu.enqueue_indirect_dma source(%dma_start3A_5 : memref<1000000xf32, #tpu.memory_space<hbm>>) target(%arg14 : memref<512xf32, #tpu.memory_space<vmem>>) offsets(%arg10 : memref<512xi32, #tpu.memory_space<vmem>>) semaphore(%arg17 : memref<!tpu.dma_semaphore, #tpu.memory_space<semaphore_mem>>)
    %iota3A = tpu.iota {dimensions = array<i32: 0>} : vector<16xi32>
    %get3A = arith.constant 0 : index
    %get3A_6 = tpu.vector_load %arg9[%get3A] {strides = array<i32>} : memref<512xi32, #tpu.memory_space<vmem>>, vector<16xi32>,
    %shift_right_arithmetic3A = arith.constant 7 : i32
    %shift_right_arithmetic3A_7 = vector.broadcast %shift_right_arithmetic3A : i32 to vector<16xi32>
    %shift_right_arithmetic3A_8 = arith.shrsi %get3A_6, %shift_right_arithmetic3A_7 : vector<16xi32>
    %shift_left3A = arith.constant 7 : i32
    %shift_left3A_9 = vector.broadcast %shift_left3A : i32 to vector<16xi32>
    %shift_left3A_10 = arith.shli %shift_right_arithmetic3A_8, %shift_left3A_9 : vector<16xi32>
    %slice3A = vector.extract_strided_slice %shift_left3A_10 {offsets = [0], sizes = [1], strides = [1]} : vector<16xi32> to vector<1xi32>
    %squeeze3A = vector.extract %slice3A[0] : i32 from vector<1xi32>
    %multiple_of3A = tpu.assume_multiple %squeeze3A, 128 : i32
    %dma_start3A_11 = arith.constant 0 : i32
    %dma_start3A_12 = arith.constant 0 : i32
    %dma_start3A_13 = arith.constant 0 : i32
    %dma_start3A_14 = arith.constant 0 : i32
    %dma_start3A_15 = tpu.memref_slice %arg11[%dma_start3A_11, %dma_start3A_12, %dma_start3A_13, %dma_start3A_14] : memref<2x16x16x128xf32, #tpu.memory_space<vmem>> -> memref<1x1x16x128xf32, #tpu.memory_space<vmem>>
    %dma_start3A_16 = tpu.memref_squeeze %dma_start3A_15 : memref<1x1x16x128xf32, #tpu.memory_space<vmem>> -> memref<16x128xf32, #tpu.memory_space<vmem>>
    %dma_start3A_17 = arith.constant 0 : i32
    %dma_start3A_18 = tpu.memref_slice %arg4[%dma_start3A_17, %multiple_of3A] : memref<16x1000000xf32, #tpu.memory_space<hbm>> -> memref<16x128xf32, #tpu.memory_space<hbm>>
    %dma_start3A_19 = arith.constant 0 : i32
    %dma_start3A_20 = arith.constant 0 : i32
    %dma_start3A_21 = tpu.memref_slice %arg11[%dma_start3A_11, %dma_start3A_12, %dma_start3A_19, %dma_start3A_20] : memref<2x16x16x128xf32, #tpu.memory_space<vmem>> -> memref<1x1x16x128xf32, #tpu.memory_space<vmem>>
    %dma_start3A_22 = tpu.memref_squeeze %dma_start3A_21 : memref<1x1x16x128xf32, #tpu.memory_space<vmem>> -> memref<16x128xf32, #tpu.memory_space<vmem>>
    %dma_start3A_23 = arith.constant 0 : i32
    %dma_start3A_24 = tpu.memref_slice %arg4[%dma_start3A_23, %multiple_of3A] : memref<16x1000000xf32, #tpu.memory_space<hbm>> -> memref<16x128xf32, #tpu.memory_space<hbm>>
    tpu.enqueue_dma source(%dma_start3A_24 : memref<16x128xf32, #tpu.memory_space<hbm>>) target(%dma_start3A_22 : memref<16x128xf32, #tpu.memory_space<vmem>>) target_semaphore(%arg16 : memref<!tpu.dma_semaphore, #tpu.memory_space<semaphore_mem>>)
    %slice3A_25 = vector.extract_strided_slice %shift_left3A_10 {offsets = [1], sizes = [1], strides = [1]} : vector<16xi32> to vector<1xi32>
    %squeeze3A_26 = vector.extract %slice3A_25[0] : i32 from vector<1xi32>
    %multiple_of3A_27 = tpu.assume_multiple %squeeze3A_26, 128 : i32
    %dma_start3A_28 = arith.constant 0 : i32
    %dma_start3A_29 = arith.constant 1 : i32
    %dma_start3A_30 = arith.constant 0 : i32
    %dma_start3A_31 = arith.constant 0 : i32
    %dma_start3A_32 = tpu.memref_slice %arg11[%dma_start3A_28, %dma_start3A_29, %dma_start3A_30, %dma_start3A_31] : memref<2x16x16x128xf32, #tpu.memory_space<vmem>> -> memref<1x1x16x128xf32, #tpu.memory_space<vmem>>
    %dma_start3A_33 = tpu.memref_squeeze %dma_start3A_32 : memref<1x1x16x128xf32, #tpu.memory_space<vmem>> -> memref<16x128xf32, #tpu.memory_space<vmem>>
    %dma_start3A_34 = arith.constant 0 : i32
    %dma_start3A_35 = tpu.memref_slice %arg4[%dma_start3A_34, %multiple_of3A_27] : memref<16x1000000xf32, #tpu.memory_space<hbm>> -> memref<16x128xf32, #tpu.memory_space<hbm>>
    %dma_start3A_36 = arith.constant 0 : i32
    %dma_start3A_37 = arith.constant 0 : i32
    %dma_start3A_38 = tpu.memref_slice %arg11[%dma_start3A_28, %dma_start3A_29, %dma_start3A_36, %dma_start3A_37] : memref<2x16x16x128xf32, #tpu.memory_space<vmem>> -> memref<1x1x16x128xf32, #tpu.memory_space<vmem>>
    %dma_start3A_39 = tpu.memref_squeeze %dma_start3A_38 : memref<1x1x16x128xf32, #tpu.memory_space<vmem>> -> memref<16x128xf32, #tpu.memory_space<vmem>>
    %dma_start3A_40 = arith.constant 0 : i32
    %dma_start3A_41 = tpu.memref_slice %arg4[%dma_start3A_40, %multiple_of3A_27] : memref<16x1000000xf32, #tpu.memory_space<hbm>> -> memref<16x128xf32, #tpu.memory_space<hbm>>
    tpu.enqueue_dma source(%dma_start3A_41 : memref<16x128xf32, #tpu.memory_space<hbm>>) target(%dma_start3A_39 : memref<16x128xf32, #tpu.memory_space<vmem>>) target_semaphore(%arg16 : memref<!tpu.dma_semaphore, #tpu.memory_space<semaphore_mem>>)
    %slice3A_42 = vector.extract_strided_slice %shift_left3A_10 {offsets = [2], sizes = [1], strides = [1]} : vector<16xi32> to vector<1xi32>
    %squeeze3A_43 = vector.extract %slice3A_42[0] : i32 from vector<1xi32>
    %multiple_of3A_44 = tpu.assume_multiple %squeeze3A_43, 128 : i32
    %dma_start3A_45 = arith.constant 0 : i32
    %dma_start3A_46 = arith.constant 2 : i32
    %dma_start3A_47 = arith.constant 0 : i32
    %dma_start3A_48 = arith.constant 0 : i32
    %dma_start3A_49 = tpu.memref_slice %arg11[%dma_start3A_45, %dma_start3A_46, %dma_start3A_47, %dma_start3A_48] : memref<2x16x16x128xf32, #tpu.memory_space<vmem>> -> memref<1x1x16x128xf32, #tpu.memory_space<vmem>>
    %dma_start3A_50 = tpu.memref_squeeze %dma_start3A_49 : memref<1x1x16x128xf32, #tpu.memory_space<vmem>> -> memref<16x128xf32, #tpu.memory_space<vmem>>
    %dma_start3A_51 = arith.constant 0 : i32
    %dma_start3A_52 = tpu.memref_slice %arg4[%dma_start3A_51, %multiple_of3A_44] : memref<16x1000000xf32, #tpu.memory_space<hbm>> -> memref<16x128xf32, #tpu.memory_space<hbm>>
    %dma_start3A_53 = arith.constant 0 : i32
    %dma_start3A_54 = arith.constant 0 : i32
    %dma_start3A_55 = tpu.memref_slice %arg11[%dma_start3A_45, %dma_start3A_46, %dma_start3A_53, %dma_start3A_54] : memref<2x16x16x128xf32, #tpu.memory_space<vmem>> -> memref<1x1x16x128xf32, #tpu.memory_space<vmem>>
    %dma_start3A_56 = tpu.memref_squeeze %dma_start3A_55 : memref<1x1x16x128xf32, #tpu.memory_space<vmem>> -> memref<16x128xf32, #tpu.memory_space<vmem>>
    %dma_start3A_57 = arith.constant 0 : i32
    %dma_start3A_58 = tpu.memref_slice %arg4[%dma_start3A_57, %multiple_of3A_44] : memref<16x1000000xf32, #tpu.memory_space<hbm>> -> memref<16x128xf32, #tpu.memory_space<hbm>>
    tpu.enqueue_dma source(%dma_start3A_58 : memref<16x128xf32, #tpu.memory_space<hbm>>) target(%dma_start3A_56 : memref<16x128xf32, #tpu.memory_space<vmem>>) target_semaphore(%arg16 : memref<!tpu.dma_semaphore, #tpu.memory_space<semaphore_mem>>)
    %slice3A_59 = vector.extract_strided_slice %shift_left3A_10 {offsets = [3], sizes = [1], strides = [1]} : vector<16xi32> to vector<1xi32>
    %squeeze3A_60 = vector.extract %slice3A_59[0] : i32 from vector<1xi32>
    %multiple_of3A_61 = tpu.assume_multiple %squeeze3A_60, 128 : i32
    %dma_start3A_62 = arith.constant 0 : i32
    %dma_start3A_63 = arith.constant 3 : i32
    %dma_start3A_64 = arith.constant 0 : i32
    %dma_start3A_65 = arith.constant 0 : i32
    %dma_start3A_66 = tpu.memref_slice %arg11[%dma_start3A_62, %dma_start3A_63, %dma_start3A_64, %dma_start3A_65] : memref<2x16x16x128xf32, #tpu.memory_space<vmem>> -> memref<1x1x16x128xf32, #tpu.memory_space<vmem>>
    %dma_start3A_67 = tpu.memref_squeeze %dma_start3A_66 : memref<1x1x16x128xf32, #tpu.memory_space<vmem>> -> memref<16x128xf32, #tpu.memory_space<vmem>>
    %dma_start3A_68 = arith.constant 0 : i32
    %dma_start3A_69 = tpu.memref_slice %arg4[%dma_start3A_68, %multiple_of3A_61] : memref<16x1000000xf32, #tpu.memory_space<hbm>> -> memref<16x128xf32, #tpu.memory_space<hbm>>
    %dma_start3A_70 = arith.constant 0 : i32
    %dma_start3A_71 = arith.constant 0 : i32
    %dma_start3A_72 = tpu.memref_slice %arg11[%dma_start3A_62, %dma_start3A_63, %dma_start3A_70, %dma_start3A_71] : memref<2x16x16x128xf32, #tpu.memory_space<vmem>> -> memref<1x1x16x128xf32, #tpu.memory_space<vmem>>
    %dma_start3A_73 = tpu.memref_squeeze %dma_start3A_72 : memref<1x1x16x128xf32, #tpu.memory_space<vmem>> -> memref<16x128xf32, #tpu.memory_space<vmem>>
    %dma_start3A_74 = arith.constant 0 : i32
    %dma_start3A_75 = tpu.memref_slice %arg4[%dma_start3A_74, %multiple_of3A_61] : memref<16x1000000xf32, #tpu.memory_space<hbm>> -> memref<16x128xf32, #tpu.memory_space<hbm>>
    tpu.enqueue_dma source(%dma_start3A_75 : memref<16x128xf32, #tpu.memory_space<hbm>>) target(%dma_start3A_73 : memref<16x128xf32, #tpu.memory_space<vmem>>) target_semaphore(%arg16 : memref<!tpu.dma_semaphore, #tpu.memory_space<semaphore_mem>>)
    %slice3A_76 = vector.extract_strided_slice %shift_left3A_10 {offsets = [4], sizes = [1], strides = [1]} : vector<16xi32> to vector<1xi32>
    %squeeze3A_77 = vector.extract %slice3A_76[0] : i32 from vector<1xi32>
    %multiple_of3A_78 = tpu.assume_multiple %squeeze3A_77, 128 : i32
    %dma_start3A_79 = arith.constant 0 : i32
    %dma_start3A_80 = arith.constant 4 : i32
    %dma_start3A_81 = arith.constant 0 : i32
    %dma_start3A_82 = arith.constant 0 : i32
    %dma_start3A_83 = tpu.memref_slice %arg11[%dma_start3A_79, %dma_start3A_80, %dma_start3A_81, %dma_start3A_82] : memref<2x16x16x128xf32, #tpu.memory_space<vmem>> -> memref<1x1x16x128xf32, #tpu.memory_space<vmem>>
    %dma_start3A_84 = tpu.memref_squeeze %dma_start3A_83 : memref<1x1x16x128xf32, #tpu.memory_space<vmem>> -> memref<16x128xf32, #tpu.memory_space<vmem>>
    %dma_start3A_85 = arith.constant 0 : i32
    %dma_start3A_86 = tpu.memref_slice %arg4[%dma_start3A_85, %multiple_of3A_78] : memref<16x1000000xf32, #tpu.memory_space<hbm>> -> memref<16x128xf32, #tpu.memory_space<hbm>>
    %dma_start3A_87 = arith.constant 0 : i32
    %dma_start3A_88 = arith.constant 0 : i32
    %dma_start3A_89 = tpu.memref_slice %arg11[%dma_start3A_79, %dma_start3A_80, %dma_start3A_87, %dma_start3A_88] : memref<2x16x16x128xf32, #tpu.memory_space<vmem>> -> memref<1x1x16x128xf32, #tpu.memory_space<vmem>>
    %dma_start3A_90 = tpu.memref_squeeze %dma_start3A_89 : memref<1x1x16x128xf32, #tpu.memory_space<vmem>> -> memref<16x128xf32, #tpu.memory_space<vmem>>
    %dma_start3A_91 = arith.constant 0 : i32
    %dma_start3A_92 = tpu.memref_slice %arg4[%dma_start3A_91, %multiple_of3A_78] : memref<16x1000000xf32, #tpu.memory_space<hbm>> -> memref<16x128xf32, #tpu.memory_space<hbm>>
    tpu.enqueue_dma source(%dma_start3A_92 : memref<16x128xf32, #tpu.memory_space<hbm>>) target(%dma_start3A_90 : memref<16x128xf32, #tpu.memory_space<vmem>>) target_semaphore(%arg16 : memref<!tpu.dma_semaphore, #tpu.memory_space<semaphore_mem>>)
    %slice3A_93 = vector.extract_strided_slice %shift_left3A_10 {offsets = [5], sizes = [1], strides = [1]} : vector<16xi32> to vector<1xi32>
    %squeeze3A_94 = vector.extract %slice3A_93[0] : i32 from vector<1xi32>
    %multiple_of3A_95 = tpu.assume_multiple %squeeze3A_94, 128 : i32
    %dma_start3A_96 = arith.constant 0 : i32
    %dma_start3A_97 = arith.constant 5 : i32
    %dma_start3A_98 = arith.constant 0 : i32
    %dma_start3A_99 = arith.constant 0 : i32
    %dma_start3A_100 = tpu.memref_slice %arg11[%dma_start3A_96, %dma_start3A_97, %dma_start3A_98, %dma_start3A_99] : memref<2x16x16x128xf32, #tpu.memory_space<vmem>> -> memref<1x1x16x128xf32, #tpu.memory_space<vmem>>
    %dma_start3A_101 = tpu.memref_squeeze %dma_start3A_100 : memref<1x1x16x128xf32, #tpu.memory_space<vmem>> -> memref<16x128xf32, #tpu.memory_space<vmem>>
    %dma_start3A_102 = arith.constant 0 : i32
    %dma_start3A_103 = tpu.memref_slice %arg4[%dma_start3A_102, %multiple_of3A_95] : memref<16x1000000xf32, #tpu.memory_space<hbm>> -> memref<16x128xf32, #tpu.memory_space<hbm>>
    %dma_start3A_104 = arith.constant 0 : i32
    %dma_start3A_105 = arith.constant 0 : i32
    %dma_start3A_106 = tpu.memref_slice %arg11[%dma_start3A_96, %dma_start3A_97, %dma_start3A_104, %dma_start3A_105] : memref<2x16x16x128xf32, #tpu.memory_space<vmem>> -> memref<1x1x16x128xf32, #tpu.memory_space<vmem>>
    %dma_start3A_107 = tpu.memref_squeeze %dma_start3A_106 : memref<1x1x16x128xf32, #tpu.memory_space<vmem>> -> memref<16x128xf32, #tpu.memory_space<vmem>>
    %dma_start3A_108 = arith.constant 0 : i32
    %dma_start3A_109 = tpu.memref_slice %arg4[%dma_start3A_108, %multiple_of3A_95] : memref<16x1000000xf32, #tpu.memory_space<hbm>> -> memref<16x128xf32, #tpu.memory_space<hbm>>
    tpu.enqueue_dma source(%dma_start3A_109 : memref<16x128xf32, #tpu.memory_space<hbm>>) target(%dma_start3A_107 : memref<16x128xf32, #tpu.memory_space<vmem>>) target_semaphore(%arg16 : memref<!tpu.dma_semaphore, #tpu.memory_space<semaphore_mem>>)
    %slice3A_110 = vector.extract_strided_slice %shift_left3A_10 {offsets = [6], sizes = [1], strides = [1]} : vector<16xi32> to vector<1xi32>
    %squeeze3A_111 = vector.extract %slice3A_110[0] : i32 from vector<1xi32>
    %multiple_of3A_112 = tpu.assume_multiple %squeeze3A_111, 128 : i32
    %dma_start3A_113 = arith.constant 0 : i32
    %dma_start3A_114 = arith.constant 6 : i32
    %dma_start3A_115 = arith.constant 0 : i32
    %dma_start3A_116 = arith.constant 0 : i32
    %dma_start3A_117 = tpu.memref_slice %arg11[%dma_start3A_113, %dma_start3A_114, %dma_start3A_115, %dma_start3A_116] : memref<2x16x16x128xf32, #tpu.memory_space<vmem>> -> memref<1x1x16x128xf32, #tpu.memory_space<vmem>>
    %dma_start3A_118 = tpu.memref_squeeze %dma_start3A_117 : memref<1x1x16x128xf32, #tpu.memory_space<vmem>> -> memref<16x128xf32, #tpu.memory_space<vmem>>
    %dma_start3A_119 = arith.constant 0 : i32
    %dma_start3A_120 = tpu.memref_slice %arg4[%dma_start3A_119, %multiple_of3A_112] : memref<16x1000000xf32, #tpu.memory_space<hbm>> -> memref<16x128xf32, #tpu.memory_space<hbm>>
    %dma_start3A_121 = arith.constant 0 : i32
    %dma_start3A_122 = arith.constant 0 : i32
    %dma_start3A_123 = tpu.memref_slice %arg11[%dma_start3A_113, %dma_start3A_114, %dma_start3A_121, %dma_start3A_122] : memref<2x16x16x128xf32, #tpu.memory_space<vmem>> -> memref<1x1x16x128xf32, #tpu.memory_space<vmem>>
    %dma_start3A_124 = tpu.memref_squeeze %dma_start3A_123 : memref<1x1x16x128xf32, #tpu.memory_space<vmem>> -> memref<16x128xf32, #tpu.memory_space<vmem>>
    %dma_start3A_125 = arith.constant 0 : i32
    %dma_start3A_126 = tpu.memref_slice %arg4[%dma_start3A_125, %multiple_of3A_112] : memref<16x1000000xf32, #tpu.memory_space<hbm>> -> memref<16x128xf32, #tpu.memory_space<hbm>>
    tpu.enqueue_dma source(%dma_start3A_126 : memref<16x128xf32, #tpu.memory_space<hbm>>) target(%dma_start3A_124 : memref<16x128xf32, #tpu.memory_space<vmem>>) target_semaphore(%arg16 : memref<!tpu.dma_semaphore, #tpu.memory_space<semaphore_mem>>)
    %slice3A_127 = vector.extract_strided_slice %shift_left3A_10 {offsets = [7], sizes = [1], strides = [1]} : vector<16xi32> to vector<1xi32>
    %squeeze3A_128 = vector.extract %slice3A_127[0] : i32 from vector<1xi32>
    %multiple_of3A_129 = tpu.assume_multiple %squeeze3A_128, 128 : i32
    %dma_start3A_130 = arith.constant 0 : i32
    %dma_start3A_131 = arith.constant 7 : i32
    %dma_start3A_132 = arith.constant 0 : i32
    %dma_start3A_133 = arith.constant 0 : i32
    %dma_start3A_134 = tpu.memref_slice %arg11[%dma_start3A_130, %dma_start3A_131, %dma_start3A_132, %dma_start3A_133] : memref<2x16x16x128xf32, #tpu.memory_space<vmem>> -> memref<1x1x16x128xf32, #tpu.memory_space<vmem>>
    %dma_start3A_135 = tpu.memref_squeeze %dma_start3A_134 : memref<1x1x16x128xf32, #tpu.memory_space<vmem>> -> memref<16x128xf32, #tpu.memory_space<vmem>>
    %dma_start3A_136 = arith.constant 0 : i32
    %dma_start3A_137 = tpu.memref_slice %arg4[%dma_start3A_136, %multiple_of3A_129] : memref<16x1000000xf32, #tpu.memory_space<hbm>> -> memref<16x128xf32, #tpu.memory_space<hbm>>
    %dma_start3A_138 = arith.constant 0 : i32
    %dma_start3A_139 = arith.constant 0 : i32
    %dma_start3A_140 = tpu.memref_slice %arg11[%dma_start3A_130, %dma_start3A_131, %dma_start3A_138, %dma_start3A_139] : memref<2x16x16x128xf32, #tpu.memory_space<vmem>> -> memref<1x1x16x128xf32, #tpu.memory_space<vmem>>
    %dma_start3A_141 = tpu.memref_squeeze %dma_start3A_140 : memref<1x1x16x128xf32, #tpu.memory_space<vmem>> -> memref<16x128xf32, #tpu.memory_space<vmem>>
    %dma_start3A_142 = arith.constant 0 : i32
    %dma_start3A_143 = tpu.memref_slice %arg4[%dma_start3A_142, %multiple_of3A_129] : memref<16x1000000xf32, #tpu.memory_space<hbm>> -> memref<16x128xf32, #tpu.memory_space<hbm>>
    tpu.enqueue_dma source(%dma_start3A_143 : memref<16x128xf32, #tpu.memory_space<hbm>>) target(%dma_start3A_141 : memref<16x128xf32, #tpu.memory_space<vmem>>) target_semaphore(%arg16 : memref<!tpu.dma_semaphore, #tpu.memory_space<semaphore_mem>>)
    %slice3A_144 = vector.extract_strided_slice %shift_left3A_10 {offsets = [8], sizes = [1], strides = [1]} : vector<16xi32> to vector<1xi32>
    %squeeze3A_145 = vector.extract %slice3A_144[0] : i32 from vector<1xi32>
    %multiple_of3A_146 = tpu.assume_multiple %squeeze3A_145, 128 : i32
    %dma_start3A_147 = arith.constant 0 : i32
    %dma_start3A_148 = arith.constant 8 : i32
    %dma_start3A_149 = arith.constant 0 : i32
    %dma_start3A_150 = arith.constant 0 : i32
    %dma_start3A_151 = tpu.memref_slice %arg11[%dma_start3A_147, %dma_start3A_148, %dma_start3A_149, %dma_start3A_150] : memref<2x16x16x128xf32, #tpu.memory_space<vmem>> -> memref<1x1x16x128xf32, #tpu.memory_space<vmem>>
    %dma_start3A_152 = tpu.memref_squeeze %dma_start3A_151 : memref<1x1x16x128xf32, #tpu.memory_space<vmem>> -> memref<16x128xf32, #tpu.memory_space<vmem>>
    %dma_start3A_153 = arith.constant 0 : i32
    %dma_start3A_154 = tpu.memref_slice %arg4[%dma_start3A_153, %multiple_of3A_146] : memref<16x1000000xf32, #tpu.memory_space<hbm>> -> memref<16x128xf32, #tpu.memory_space<hbm>>
    %dma_start3A_155 = arith.constant 0 : i32
    %dma_start3A_156 = arith.constant 0 : i32
    %dma_start3A_157 = tpu.memref_slice %arg11[%dma_start3A_147, %dma_start3A_148, %dma_start3A_155, %dma_start3A_156] : memref<2x16x16x128xf32, #tpu.memory_space<vmem>> -> memref<1x1x16x128xf32, #tpu.memory_space<vmem>>
    %dma_start3A_158 = tpu.memref_squeeze %dma_start3A_157 : memref<1x1x16x128xf32, #tpu.memory_space<vmem>> -> memref<16x128xf32, #tpu.memory_space<vmem>>
    %dma_start3A_159 = arith.constant 0 : i32
    %dma_start3A_160 = tpu.memref_slice %arg4[%dma_start3A_159, %multiple_of3A_146] : memref<16x1000000xf32, #tpu.memory_space<hbm>> -> memref<16x128xf32, #tpu.memory_space<hbm>>
    tpu.enqueue_dma source(%dma_start3A_160 : memref<16x128xf32, #tpu.memory_space<hbm>>) target(%dma_start3A_158 : memref<16x128xf32, #tpu.memory_space<vmem>>) target_semaphore(%arg16 : memref<!tpu.dma_semaphore, #tpu.memory_space<semaphore_mem>>)
    %slice3A_161 = vector.extract_strided_slice %shift_left3A_10 {offsets = [9], sizes = [1], strides = [1]} : vector<16xi32> to vector<1xi32>
    %squeeze3A_162 = vector.extract %slice3A_161[0] : i32 from vector<1xi32>
    %multiple_of3A_163 = tpu.assume_multiple %squeeze3A_162, 128 : i32
    %dma_start3A_164 = arith.constant 0 : i32
    %dma_start3A_165 = arith.constant 9 : i32
    %dma_start3A_166 = arith.constant 0 : i32
    %dma_start3A_167 = arith.constant 0 : i32
    %dma_start3A_168 = tpu.memref_slice %arg11[%dma_start3A_164, %dma_start3A_165, %dma_start3A_166, %dma_start3A_167] : memref<2x16x16x128xf32, #tpu.memory_space<vmem>> -> memref<1x1x16x128xf32, #tpu.memory_space<vmem>>
    %dma_start3A_169 = tpu.memref_squeeze %dma_start3A_168 : memref<1x1x16x128xf32, #tpu.memory_space<vmem>> -> memref<16x128xf32, #tpu.memory_space<vmem>>
    %dma_start3A_170 = arith.constant 0 : i32
    %dma_start3A_171 = tpu.memref_slice %arg4[%dma_start3A_170, %multiple_of3A_163] : memref<16x1000000xf32, #tpu.memory_space<hbm>> -> memref<16x128xf32, #tpu.memory_space<hbm>>
    %dma_start3A_172 = arith.constant 0 : i32
    %dma_start3A_173 = arith.constant 0 : i32
    %dma_start3A_174 = tpu.memref_slice %arg11[%dma_start3A_164, %dma_start3A_165, %dma_start3A_172, %dma_start3A_173] : memref<2x16x16x128xf32, #tpu.memory_space<vmem>> -> memref<1x1x16x128xf32, #tpu.memory_space<vmem>>
    %dma_start3A_175 = tpu.memref_squeeze %dma_start3A_174 : memref<1x1x16x128xf32, #tpu.memory_space<vmem>> -> memref<16x128xf32, #tpu.memory_space<vmem>>
    %dma_start3A_176 = arith.constant 0 : i32
    %dma_start3A_177 = tpu.memref_slice %arg4[%dma_start3A_176, %multiple_of3A_163] : memref<16x1000000xf32, #tpu.memory_space<hbm>> -> memref<16x128xf32, #tpu.memory_space<hbm>>
    tpu.enqueue_dma source(%dma_start3A_177 : memref<16x128xf32, #tpu.memory_space<hbm>>) target(%dma_start3A_175 : memref<16x128xf32, #tpu.memory_space<vmem>>) target_semaphore(%arg16 : memref<!tpu.dma_semaphore, #tpu.memory_space<semaphore_mem>>)
    %slice3A_178 = vector.extract_strided_slice %shift_left3A_10 {offsets = [10], sizes = [1], strides = [1]} : vector<16xi32> to vector<1xi32>
    %squeeze3A_179 = vector.extract %slice3A_178[0] : i32 from vector<1xi32>
    %multiple_of3A_180 = tpu.assume_multiple %squeeze3A_179, 128 : i32
    %dma_start3A_181 = arith.constant 0 : i32
    %dma_start3A_182 = arith.constant 10 : i32
    %dma_start3A_183 = arith.constant 0 : i32
    %dma_start3A_184 = arith.constant 0 : i32
    %dma_start3A_185 = tpu.memref_slice %arg11[%dma_start3A_181, %dma_start3A_182, %dma_start3A_183, %dma_start3A_184] : memref<2x16x16x128xf32, #tpu.memory_space<vmem>> -> memref<1x1x16x128xf32, #tpu.memory_space<vmem>>
    %dma_start3A_186 = tpu.memref_squeeze %dma_start3A_185 : memref<1x1x16x128xf32, #tpu.memory_space<vmem>> -> memref<16x128xf32, #tpu.memory_space<vmem>>
    %dma_start3A_187 = arith.constant 0 : i32
    %dma_start3A_188 = tpu.memref_slice %arg4[%dma_start3A_187, %multiple_of3A_180] : memref<16x1000000xf32, #tpu.memory_space<hbm>> -> memref<16x128xf32, #tpu.memory_space<hbm>>
    %dma_start3A_189 = arith.constant 0 : i32
    %dma_start3A_190 = arith.constant 0 : i32
    %dma_start3A_191 = tpu.memref_slice %arg11[%dma_start3A_181, %dma_start3A_182, %dma_start3A_189, %dma_start3A_190] : memref<2x16x16x128xf32, #tpu.memory_space<vmem>> -> memref<1x1x16x128xf32, #tpu.memory_space<vmem>>
    %dma_start3A_192 = tpu.memref_squeeze %dma_start3A_191 : memref<1x1x16x128xf32, #tpu.memory_space<vmem>> -> memref<16x128xf32, #tpu.memory_space<vmem>>
    %dma_start3A_193 = arith.constant 0 : i32
    %dma_start3A_194 = tpu.memref_slice %arg4[%dma_start3A_193, %multiple_of3A_180] : memref<16x1000000xf32, #tpu.memory_space<hbm>> -> memref<16x128xf32, #tpu.memory_space<hbm>>
    tpu.enqueue_dma source(%dma_start3A_194 : memref<16x128xf32, #tpu.memory_space<hbm>>) target(%dma_start3A_192 : memref<16x128xf32, #tpu.memory_space<vmem>>) target_semaphore(%arg16 : memref<!tpu.dma_semaphore, #tpu.memory_space<semaphore_mem>>)
    %slice3A_195 = vector.extract_strided_slice %shift_left3A_10 {offsets = [11], sizes = [1], strides = [1]} : vector<16xi32> to vector<1xi32>
    %squeeze3A_196 = vector.extract %slice3A_195[0] : i32 from vector<1xi32>
    %multiple_of3A_197 = tpu.assume_multiple %squeeze3A_196, 128 : i32
    %dma_start3A_198 = arith.constant 0 : i32
    %dma_start3A_199 = arith.constant 11 : i32
    %dma_start3A_200 = arith.constant 0 : i32
    %dma_start3A_201 = arith.constant 0 : i32
    %dma_start3A_202 = tpu.memref_slice %arg11[%dma_start3A_198, %dma_start3A_199, %dma_start3A_200, %dma_start3A_201] : memref<2x16x16x128xf32, #tpu.memory_space<vmem>> -> memref<1x1x16x128xf32, #tpu.memory_space<vmem>>
    %dma_start3A_203 = tpu.memref_squeeze %dma_start3A_202 : memref<1x1x16x128xf32, #tpu.memory_space<vmem>> -> memref<16x128xf32, #tpu.memory_space<vmem>>
    %dma_start3A_204 = arith.constant 0 : i32
    %dma_start3A_205 = tpu.memref_slice %arg4[%dma_start3A_204, %multiple_of3A_197] : memref<16x1000000xf32, #tpu.memory_space<hbm>> -> memref<16x128xf32, #tpu.memory_space<hbm>>
    %dma_start3A_206 = arith.constant 0 : i32
    %dma_start3A_207 = arith.constant 0 : i32
    %dma_start3A_208 = tpu.memref_slice %arg11[%dma_start3A_198, %dma_start3A_199, %dma_start3A_206, %dma_start3A_207] : memref<2x16x16x128xf32, #tpu.memory_space<vmem>> -> memref<1x1x16x128xf32, #tpu.memory_space<vmem>>
    %dma_start3A_209 = tpu.memref_squeeze %dma_start3A_208 : memref<1x1x16x128xf32, #tpu.memory_space<vmem>> -> memref<16x128xf32, #tpu.memory_space<vmem>>
    %dma_start3A_210 = arith.constant 0 : i32
    %dma_start3A_211 = tpu.memref_slice %arg4[%dma_start3A_210, %multiple_of3A_197] : memref<16x1000000xf32, #tpu.memory_space<hbm>> -> memref<16x128xf32, #tpu.memory_space<hbm>>
    tpu.enqueue_dma source(%dma_start3A_211 : memref<16x128xf32, #tpu.memory_space<hbm>>) target(%dma_start3A_209 : memref<16x128xf32, #tpu.memory_space<vmem>>) target_semaphore(%arg16 : memref<!tpu.dma_semaphore, #tpu.memory_space<semaphore_mem>>)
    %slice3A_212 = vector.extract_strided_slice %shift_left3A_10 {offsets = [12], sizes = [1], strides = [1]} : vector<16xi32> to vector<1xi32>
    %squeeze3A_213 = vector.extract %slice3A_212[0] : i32 from vector<1xi32>
    %multiple_of3A_214 = tpu.assume_multiple %squeeze3A_213, 128 : i32
    %dma_start3A_215 = arith.constant 0 : i32
    %dma_start3A_216 = arith.constant 12 : i32
    %dma_start3A_217 = arith.constant 0 : i32
    %dma_start3A_218 = arith.constant 0 : i32
    %dma_start3A_219 = tpu.memref_slice %arg11[%dma_start3A_215, %dma_start3A_216, %dma_start3A_217, %dma_start3A_218] : memref<2x16x16x128xf32, #tpu.memory_space<vmem>> -> memref<1x1x16x128xf32, #tpu.memory_space<vmem>>
    %dma_start3A_220 = tpu.memref_squeeze %dma_start3A_219 : memref<1x1x16x128xf32, #tpu.memory_space<vmem>> -> memref<16x128xf32, #tpu.memory_space<vmem>>
    %dma_start3A_221 = arith.constant 0 : i32
    %dma_start3A_222 = tpu.memref_slice %arg4[%dma_start3A_221, %multiple_of3A_214] : memref<16x1000000xf32, #tpu.memory_space<hbm>> -> memref<16x128xf32, #tpu.memory_space<hbm>>
    %dma_start3A_223 = arith.constant 0 : i32
    %dma_start3A_224 = arith.constant 0 : i32
    %dma_start3A_225 = tpu.memref_slice %arg11[%dma_start3A_215, %dma_start3A_216, %dma_start3A_223, %dma_start3A_224] : memref<2x16x16x128xf32, #tpu.memory_space<vmem>> -> memref<1x1x16x128xf32, #tpu.memory_space<vmem>>
    %dma_start3A_226 = tpu.memref_squeeze %dma_start3A_225 : memref<1x1x16x128xf32, #tpu.memory_space<vmem>> -> memref<16x128xf32, #tpu.memory_space<vmem>>
    %dma_start3A_227 = arith.constant 0 : i32
    %dma_start3A_228 = tpu.memref_slice %arg4[%dma_start3A_227, %multiple_of3A_214] : memref<16x1000000xf32, #tpu.memory_space<hbm>> -> memref<16x128xf32, #tpu.memory_space<hbm>>
    tpu.enqueue_dma source(%dma_start3A_228 : memref<16x128xf32, #tpu.memory_space<hbm>>) target(%dma_start3A_226 : memref<16x128xf32, #tpu.memory_space<vmem>>) target_semaphore(%arg16 : memref<!tpu.dma_semaphore, #tpu.memory_space<semaphore_mem>>)
    %slice3A_229 = vector.extract_strided_slice %shift_left3A_10 {offsets = [13], sizes = [1], strides = [1]} : vector<16xi32> to vector<1xi32>
    %squeeze3A_230 = vector.extract %slice3A_229[0] : i32 from vector<1xi32>
    %multiple_of3A_231 = tpu.assume_multiple %squeeze3A_230, 128 : i32
    %dma_start3A_232 = arith.constant 0 : i32
    %dma_start3A_233 = arith.constant 13 : i32
    %dma_start3A_234 = arith.constant 0 : i32
    %dma_start3A_235 = arith.constant 0 : i32
    %dma_start3A_236 = tpu.memref_slice %arg11[%dma_start3A_232, %dma_start3A_233, %dma_start3A_234, %dma_start3A_235] : memref<2x16x16x128xf32, #tpu.memory_space<vmem>> -> memref<1x1x16x128xf32, #tpu.memory_space<vmem>>
    %dma_start3A_237 = tpu.memref_squeeze %dma_start3A_236 : memref<1x1x16x128xf32, #tpu.memory_space<vmem>> -> memref<16x128xf32, #tpu.memory_space<vmem>>
    %dma_start3A_238 = arith.constant 0 : i32
    %dma_start3A_239 = tpu.memref_slice %arg4[%dma_start3A_238, %multiple_of3A_231] : memref<16x1000000xf32, #tpu.memory_space<hbm>> -> memref<16x128xf32, #tpu.memory_space<hbm>>
    %dma_start3A_240 = arith.constant 0 : i32
    %dma_start3A_241 = arith.constant 0 : i32
    %dma_start3A_242 = tpu.memref_slice %arg11[%dma_start3A_232, %dma_start3A_233, %dma_start3A_240, %dma_start3A_241] : memref<2x16x16x128xf32, #tpu.memory_space<vmem>> -> memref<1x1x16x128xf32, #tpu.memory_space<vmem>>
    %dma_start3A_243 = tpu.memref_squeeze %dma_start3A_242 : memref<1x1x16x128xf32, #tpu.memory_space<vmem>> -> memref<16x128xf32, #tpu.memory_space<vmem>>
    %dma_start3A_244 = arith.constant 0 : i32
    %dma_start3A_245 = tpu.memref_slice %arg4[%dma_start3A_244, %multiple_of3A_231] : memref<16x1000000xf32, #tpu.memory_space<hbm>> -> memref<16x128xf32, #tpu.memory_space<hbm>>
    tpu.enqueue_dma source(%dma_start3A_245 : memref<16x128xf32, #tpu.memory_space<hbm>>) target(%dma_start3A_243 : memref<16x128xf32, #tpu.memory_space<vmem>>) target_semaphore(%arg16 : memref<!tpu.dma_semaphore, #tpu.memory_space<semaphore_mem>>)
    %slice3A_246 = vector.extract_strided_slice %shift_left3A_10 {offsets = [14], sizes = [1], strides = [1]} : vector<16xi32> to vector<1xi32>
    %squeeze3A_247 = vector.extract %slice3A_246[0] : i32 from vector<1xi32>
    %multiple_of3A_248 = tpu.assume_multiple %squeeze3A_247, 128 : i32
    %dma_start3A_249 = arith.constant 0 : i32
    %dma_start3A_250 = arith.constant 14 : i32
    %dma_start3A_251 = arith.constant 0 : i32
    %dma_start3A_252 = arith.constant 0 : i32
    %dma_start3A_253 = tpu.memref_slice %arg11[%dma_start3A_249, %dma_start3A_250, %dma_start3A_251, %dma_start3A_252] : memref<2x16x16x128xf32, #tpu.memory_space<vmem>> -> memref<1x1x16x128xf32, #tpu.memory_space<vmem>>
    %dma_start3A_254 = tpu.memref_squeeze %dma_start3A_253 : memref<1x1x16x128xf32, #tpu.memory_space<vmem>> -> memref<16x128xf32, #tpu.memory_space<vmem>>
    %dma_start3A_255 = arith.constant 0 : i32
    %dma_start3A_256 = tpu.memref_slice %arg4[%dma_start3A_255, %multiple_of3A_248] : memref<16x1000000xf32, #tpu.memory_space<hbm>> -> memref<16x128xf32, #tpu.memory_space<hbm>>
    %dma_start3A_257 = arith.constant 0 : i32
    %dma_start3A_258 = arith.constant 0 : i32
    %dma_start3A_259 = tpu.memref_slice %arg11[%dma_start3A_249, %dma_start3A_250, %dma_start3A_257, %dma_start3A_258] : memref<2x16x16x128xf32, #tpu.memory_space<vmem>> -> memref<1x1x16x128xf32, #tpu.memory_space<vmem>>
    %dma_start3A_260 = tpu.memref_squeeze %dma_start3A_259 : memref<1x1x16x128xf32, #tpu.memory_space<vmem>> -> memref<16x128xf32, #tpu.memory_space<vmem>>
    %dma_start3A_261 = arith.constant 0 : i32
    %dma_start3A_262 = tpu.memref_slice %arg4[%dma_start3A_261, %multiple_of3A_248] : memref<16x1000000xf32, #tpu.memory_space<hbm>> -> memref<16x128xf32, #tpu.memory_space<hbm>>
    tpu.enqueue_dma source(%dma_start3A_262 : memref<16x128xf32, #tpu.memory_space<hbm>>) target(%dma_start3A_260 : memref<16x128xf32, #tpu.memory_space<vmem>>) target_semaphore(%arg16 : memref<!tpu.dma_semaphore, #tpu.memory_space<semaphore_mem>>)
    %slice3A_263 = vector.extract_strided_slice %shift_left3A_10 {offsets = [15], sizes = [1], strides = [1]} : vector<16xi32> to vector<1xi32>
    %squeeze3A_264 = vector.extract %slice3A_263[0] : i32 from vector<1xi32>
    %multiple_of3A_265 = tpu.assume_multiple %squeeze3A_264, 128 : i32
    %dma_start3A_266 = arith.constant 0 : i32
    %dma_start3A_267 = arith.constant 15 : i32
    %dma_start3A_268 = arith.constant 0 : i32
    %dma_start3A_269 = arith.constant 0 : i32
    %dma_start3A_270 = tpu.memref_slice %arg11[%dma_start3A_266, %dma_start3A_267, %dma_start3A_268, %dma_start3A_269] : memref<2x16x16x128xf32, #tpu.memory_space<vmem>> -> memref<1x1x16x128xf32, #tpu.memory_space<vmem>>
    %dma_start3A_271 = tpu.memref_squeeze %dma_start3A_270 : memref<1x1x16x128xf32, #tpu.memory_space<vmem>> -> memref<16x128xf32, #tpu.memory_space<vmem>>
    %dma_start3A_272 = arith.constant 0 : i32
    %dma_start3A_273 = tpu.memref_slice %arg4[%dma_start3A_272, %multiple_of3A_265] : memref<16x1000000xf32, #tpu.memory_space<hbm>> -> memref<16x128xf32, #tpu.memory_space<hbm>>
    %dma_start3A_274 = arith.constant 0 : i32
    %dma_start3A_275 = arith.constant 0 : i32
    %dma_start3A_276 = tpu.memref_slice %arg11[%dma_start3A_266, %dma_start3A_267, %dma_start3A_274, %dma_start3A_275] : memref<2x16x16x128xf32, #tpu.memory_space<vmem>> -> memref<1x1x16x128xf32, #tpu.memory_space<vmem>>
    %dma_start3A_277 = tpu.memref_squeeze %dma_start3A_276 : memref<1x1x16x128xf32, #tpu.memory_space<vmem>> -> memref<16x128xf32, #tpu.memory_space<vmem>>
    %dma_start3A_278 = arith.constant 0 : i32
    %dma_start3A_279 = tpu.memref_slice %arg4[%dma_start3A_278, %multiple_of3A_265] : memref<16x1000000xf32, #tpu.memory_space<hbm>> -> memref<16x128xf32, #tpu.memory_space<hbm>>
    tpu.enqueue_dma source(%dma_start3A_279 : memref<16x128xf32, #tpu.memory_space<hbm>>) target(%dma_start3A_277 : memref<16x128xf32, #tpu.memory_space<vmem>>) target_semaphore(%arg16 : memref<!tpu.dma_semaphore, #tpu.memory_space<semaphore_mem>>)
    %scan3A = arith.constant 0 : i32
    %scan3A_280 = arith.constant 0 : i32
    %scan3A_281 = arith.constant 32 : i32
    %scan3A_282 = arith.addi %scan3A_280, %scan3A_281 : i32
    %scan3A_283 = arith.constant 1 : i32
    scf.for %scan3A_575 = %scan3A_280 to %scan3A_282 step %scan3A_283  : i32 {
      %and3A = arith.constant 1 : i32
      %and3A_576 = arith.andi %scan3A_575, %and3A : i32
      %lt3A = arith.constant 31 : i32
      %lt3A_577 = arith.cmpi slt, %scan3A_575, %lt3A : i32
      %convert_element_type3A = arith.extui %lt3A_577 : i1 to i32
      %cond3A = arith.constant 0 : i32
      %cond3A_578 = arith.cmpi ne, %convert_element_type3A, %cond3A : i32
      scf.if %cond3A_578 {
        %add3A_954 = arith.constant 1 : i32
        %add3A_955 = arith.addi %scan3A_575, %add3A_954 : i32
        %add3A_956 = arith.constant 1 : i32
        %add3A_957 = arith.addi %scan3A_575, %add3A_956 : i32
        %and3A_958 = arith.constant 1 : i32
        %and3A_959 = arith.andi %add3A_957, %and3A_958 : i32
        %mul3A_960 = arith.constant 16 : i32
        %mul3A_961 = arith.muli %add3A_955, %mul3A_960 : i32
        %get3A_962 = arith.index_cast %mul3A_961 : i32 to index
        %get3A_963 = tpu.vector_load %arg9[%get3A_962] {strides = array<i32>} : memref<512xi32, #tpu.memory_space<vmem>>, vector<16xi32>,
        %shift_right_arithmetic3A_964 = arith.constant 7 : i32
        %shift_right_arithmetic3A_965 = vector.broadcast %shift_right_arithmetic3A_964 : i32 to vector<16xi32>
        %shift_right_arithmetic3A_966 = arith.shrsi %get3A_963, %shift_right_arithmetic3A_965 : vector<16xi32>
        %shift_left3A_967 = arith.constant 7 : i32
        %shift_left3A_968 = vector.broadcast %shift_left3A_967 : i32 to vector<16xi32>
        %shift_left3A_969 = arith.shli %shift_right_arithmetic3A_966, %shift_left3A_968 : vector<16xi32>
        %slice3A_970 = vector.extract_strided_slice %shift_left3A_969 {offsets = [0], sizes = [1], strides = [1]} : vector<16xi32> to vector<1xi32>
        %squeeze3A_971 = vector.extract %slice3A_970[0] : i32 from vector<1xi32>
        %multiple_of3A_972 = tpu.assume_multiple %squeeze3A_971, 128 : i32
        %dma_start3A_973 = arith.constant 0 : i32
        %dma_start3A_974 = arith.constant 0 : i32
        %dma_start3A_975 = arith.constant 0 : i32
        %dma_start3A_976 = tpu.memref_slice %arg11[%and3A_959, %dma_start3A_973, %dma_start3A_974, %dma_start3A_975] : memref<2x16x16x128xf32, #tpu.memory_space<vmem>> -> memref<1x1x16x128xf32, #tpu.memory_space<vmem>>
        %dma_start3A_977 = tpu.memref_squeeze %dma_start3A_976 : memref<1x1x16x128xf32, #tpu.memory_space<vmem>> -> memref<16x128xf32, #tpu.memory_space<vmem>>
        %dma_start3A_978 = arith.constant 0 : i32
        %dma_start3A_979 = tpu.memref_slice %arg4[%dma_start3A_978, %multiple_of3A_972] : memref<16x1000000xf32, #tpu.memory_space<hbm>> -> memref<16x128xf32, #tpu.memory_space<hbm>>
        %dma_start3A_980 = arith.constant 0 : i32
        %dma_start3A_981 = arith.constant 0 : i32
        %dma_start3A_982 = tpu.memref_slice %arg11[%and3A_959, %dma_start3A_973, %dma_start3A_980, %dma_start3A_981] : memref<2x16x16x128xf32, #tpu.memory_space<vmem>> -> memref<1x1x16x128xf32, #tpu.memory_space<vmem>>
        %dma_start3A_983 = tpu.memref_squeeze %dma_start3A_982 : memref<1x1x16x128xf32, #tpu.memory_space<vmem>> -> memref<16x128xf32, #tpu.memory_space<vmem>>
        %dma_start3A_984 = arith.constant 0 : i32
        %dma_start3A_985 = tpu.memref_slice %arg4[%dma_start3A_984, %multiple_of3A_972] : memref<16x1000000xf32, #tpu.memory_space<hbm>> -> memref<16x128xf32, #tpu.memory_space<hbm>>
        tpu.enqueue_dma source(%dma_start3A_985 : memref<16x128xf32, #tpu.memory_space<hbm>>) target(%dma_start3A_983 : memref<16x128xf32, #tpu.memory_space<vmem>>) target_semaphore(%arg16 : memref<!tpu.dma_semaphore, #tpu.memory_space<semaphore_mem>>)
        %slice3A_986 = vector.extract_strided_slice %shift_left3A_969 {offsets = [1], sizes = [1], strides = [1]} : vector<16xi32> to vector<1xi32>
        %squeeze3A_987 = vector.extract %slice3A_986[0] : i32 from vector<1xi32>
        %multiple_of3A_988 = tpu.assume_multiple %squeeze3A_987, 128 : i32
        %dma_start3A_989 = arith.constant 1 : i32
        %dma_start3A_990 = arith.constant 0 : i32
        %dma_start3A_991 = arith.constant 0 : i32
        %dma_start3A_992 = tpu.memref_slice %arg11[%and3A_959, %dma_start3A_989, %dma_start3A_990, %dma_start3A_991] : memref<2x16x16x128xf32, #tpu.memory_space<vmem>> -> memref<1x1x16x128xf32, #tpu.memory_space<vmem>>
        %dma_start3A_993 = tpu.memref_squeeze %dma_start3A_992 : memref<1x1x16x128xf32, #tpu.memory_space<vmem>> -> memref<16x128xf32, #tpu.memory_space<vmem>>
        %dma_start3A_994 = arith.constant 0 : i32
        %dma_start3A_995 = tpu.memref_slice %arg4[%dma_start3A_994, %multiple_of3A_988] : memref<16x1000000xf32, #tpu.memory_space<hbm>> -> memref<16x128xf32, #tpu.memory_space<hbm>>
        %dma_start3A_996 = arith.constant 0 : i32
        %dma_start3A_997 = arith.constant 0 : i32
        %dma_start3A_998 = tpu.memref_slice %arg11[%and3A_959, %dma_start3A_989, %dma_start3A_996, %dma_start3A_997] : memref<2x16x16x128xf32, #tpu.memory_space<vmem>> -> memref<1x1x16x128xf32, #tpu.memory_space<vmem>>
        %dma_start3A_999 = tpu.memref_squeeze %dma_start3A_998 : memref<1x1x16x128xf32, #tpu.memory_space<vmem>> -> memref<16x128xf32, #tpu.memory_space<vmem>>
        %dma_start3A_1000 = arith.constant 0 : i32
        %dma_start3A_1001 = tpu.memref_slice %arg4[%dma_start3A_1000, %multiple_of3A_988] : memref<16x1000000xf32, #tpu.memory_space<hbm>> -> memref<16x128xf32, #tpu.memory_space<hbm>>
        tpu.enqueue_dma source(%dma_start3A_1001 : memref<16x128xf32, #tpu.memory_space<hbm>>) target(%dma_start3A_999 : memref<16x128xf32, #tpu.memory_space<vmem>>) target_semaphore(%arg16 : memref<!tpu.dma_semaphore, #tpu.memory_space<semaphore_mem>>)
        %slice3A_1002 = vector.extract_strided_slice %shift_left3A_969 {offsets = [2], sizes = [1], strides = [1]} : vector<16xi32> to vector<1xi32>
        %squeeze3A_1003 = vector.extract %slice3A_1002[0] : i32 from vector<1xi32>
        %multiple_of3A_1004 = tpu.assume_multiple %squeeze3A_1003, 128 : i32
        %dma_start3A_1005 = arith.constant 2 : i32
        %dma_start3A_1006 = arith.constant 0 : i32
        %dma_start3A_1007 = arith.constant 0 : i32
        %dma_start3A_1008 = tpu.memref_slice %arg11[%and3A_959, %dma_start3A_1005, %dma_start3A_1006, %dma_start3A_1007] : memref<2x16x16x128xf32, #tpu.memory_space<vmem>> -> memref<1x1x16x128xf32, #tpu.memory_space<vmem>>
        %dma_start3A_1009 = tpu.memref_squeeze %dma_start3A_1008 : memref<1x1x16x128xf32, #tpu.memory_space<vmem>> -> memref<16x128xf32, #tpu.memory_space<vmem>>
        %dma_start3A_1010 = arith.constant 0 : i32
        %dma_start3A_1011 = tpu.memref_slice %arg4[%dma_start3A_1010, %multiple_of3A_1004] : memref<16x1000000xf32, #tpu.memory_space<hbm>> -> memref<16x128xf32, #tpu.memory_space<hbm>>
        %dma_start3A_1012 = arith.constant 0 : i32
        %dma_start3A_1013 = arith.constant 0 : i32
        %dma_start3A_1014 = tpu.memref_slice %arg11[%and3A_959, %dma_start3A_1005, %dma_start3A_1012, %dma_start3A_1013] : memref<2x16x16x128xf32, #tpu.memory_space<vmem>> -> memref<1x1x16x128xf32, #tpu.memory_space<vmem>>
        %dma_start3A_1015 = tpu.memref_squeeze %dma_start3A_1014 : memref<1x1x16x128xf32, #tpu.memory_space<vmem>> -> memref<16x128xf32, #tpu.memory_space<vmem>>
        %dma_start3A_1016 = arith.constant 0 : i32
        %dma_start3A_1017 = tpu.memref_slice %arg4[%dma_start3A_1016, %multiple_of3A_1004] : memref<16x1000000xf32, #tpu.memory_space<hbm>> -> memref<16x128xf32, #tpu.memory_space<hbm>>
        tpu.enqueue_dma source(%dma_start3A_1017 : memref<16x128xf32, #tpu.memory_space<hbm>>) target(%dma_start3A_1015 : memref<16x128xf32, #tpu.memory_space<vmem>>) target_semaphore(%arg16 : memref<!tpu.dma_semaphore, #tpu.memory_space<semaphore_mem>>)
        %slice3A_1018 = vector.extract_strided_slice %shift_left3A_969 {offsets = [3], sizes = [1], strides = [1]} : vector<16xi32> to vector<1xi32>
        %squeeze3A_1019 = vector.extract %slice3A_1018[0] : i32 from vector<1xi32>
        %multiple_of3A_1020 = tpu.assume_multiple %squeeze3A_1019, 128 : i32
        %dma_start3A_1021 = arith.constant 3 : i32
        %dma_start3A_1022 = arith.constant 0 : i32
        %dma_start3A_1023 = arith.constant 0 : i32
        %dma_start3A_1024 = tpu.memref_slice %arg11[%and3A_959, %dma_start3A_1021, %dma_start3A_1022, %dma_start3A_1023] : memref<2x16x16x128xf32, #tpu.memory_space<vmem>> -> memref<1x1x16x128xf32, #tpu.memory_space<vmem>>
        %dma_start3A_1025 = tpu.memref_squeeze %dma_start3A_1024 : memref<1x1x16x128xf32, #tpu.memory_space<vmem>> -> memref<16x128xf32, #tpu.memory_space<vmem>>
        %dma_start3A_1026 = arith.constant 0 : i32
        %dma_start3A_1027 = tpu.memref_slice %arg4[%dma_start3A_1026, %multiple_of3A_1020] : memref<16x1000000xf32, #tpu.memory_space<hbm>> -> memref<16x128xf32, #tpu.memory_space<hbm>>
        %dma_start3A_1028 = arith.constant 0 : i32
        %dma_start3A_1029 = arith.constant 0 : i32
        %dma_start3A_1030 = tpu.memref_slice %arg11[%and3A_959, %dma_start3A_1021, %dma_start3A_1028, %dma_start3A_1029] : memref<2x16x16x128xf32, #tpu.memory_space<vmem>> -> memref<1x1x16x128xf32, #tpu.memory_space<vmem>>
        %dma_start3A_1031 = tpu.memref_squeeze %dma_start3A_1030 : memref<1x1x16x128xf32, #tpu.memory_space<vmem>> -> memref<16x128xf32, #tpu.memory_space<vmem>>
        %dma_start3A_1032 = arith.constant 0 : i32
        %dma_start3A_1033 = tpu.memref_slice %arg4[%dma_start3A_1032, %multiple_of3A_1020] : memref<16x1000000xf32, #tpu.memory_space<hbm>> -> memref<16x128xf32, #tpu.memory_space<hbm>>
        tpu.enqueue_dma source(%dma_start3A_1033 : memref<16x128xf32, #tpu.memory_space<hbm>>) target(%dma_start3A_1031 : memref<16x128xf32, #tpu.memory_space<vmem>>) target_semaphore(%arg16 : memref<!tpu.dma_semaphore, #tpu.memory_space<semaphore_mem>>)
        %slice3A_1034 = vector.extract_strided_slice %shift_left3A_969 {offsets = [4], sizes = [1], strides = [1]} : vector<16xi32> to vector<1xi32>
        %squeeze3A_1035 = vector.extract %slice3A_1034[0] : i32 from vector<1xi32>
        %multiple_of3A_1036 = tpu.assume_multiple %squeeze3A_1035, 128 : i32
        %dma_start3A_1037 = arith.constant 4 : i32
        %dma_start3A_1038 = arith.constant 0 : i32
        %dma_start3A_1039 = arith.constant 0 : i32
        %dma_start3A_1040 = tpu.memref_slice %arg11[%and3A_959, %dma_start3A_1037, %dma_start3A_1038, %dma_start3A_1039] : memref<2x16x16x128xf32, #tpu.memory_space<vmem>> -> memref<1x1x16x128xf32, #tpu.memory_space<vmem>>
        %dma_start3A_1041 = tpu.memref_squeeze %dma_start3A_1040 : memref<1x1x16x128xf32, #tpu.memory_space<vmem>> -> memref<16x128xf32, #tpu.memory_space<vmem>>
        %dma_start3A_1042 = arith.constant 0 : i32
        %dma_start3A_1043 = tpu.memref_slice %arg4[%dma_start3A_1042, %multiple_of3A_1036] : memref<16x1000000xf32, #tpu.memory_space<hbm>> -> memref<16x128xf32, #tpu.memory_space<hbm>>
        %dma_start3A_1044 = arith.constant 0 : i32
        %dma_start3A_1045 = arith.constant 0 : i32
        %dma_start3A_1046 = tpu.memref_slice %arg11[%and3A_959, %dma_start3A_1037, %dma_start3A_1044, %dma_start3A_1045] : memref<2x16x16x128xf32, #tpu.memory_space<vmem>> -> memref<1x1x16x128xf32, #tpu.memory_space<vmem>>
        %dma_start3A_1047 = tpu.memref_squeeze %dma_start3A_1046 : memref<1x1x16x128xf32, #tpu.memory_space<vmem>> -> memref<16x128xf32, #tpu.memory_space<vmem>>
        %dma_start3A_1048 = arith.constant 0 : i32
        %dma_start3A_1049 = tpu.memref_slice %arg4[%dma_start3A_1048, %multiple_of3A_1036] : memref<16x1000000xf32, #tpu.memory_space<hbm>> -> memref<16x128xf32, #tpu.memory_space<hbm>>
        tpu.enqueue_dma source(%dma_start3A_1049 : memref<16x128xf32, #tpu.memory_space<hbm>>) target(%dma_start3A_1047 : memref<16x128xf32, #tpu.memory_space<vmem>>) target_semaphore(%arg16 : memref<!tpu.dma_semaphore, #tpu.memory_space<semaphore_mem>>)
        %slice3A_1050 = vector.extract_strided_slice %shift_left3A_969 {offsets = [5], sizes = [1], strides = [1]} : vector<16xi32> to vector<1xi32>
        %squeeze3A_1051 = vector.extract %slice3A_1050[0] : i32 from vector<1xi32>
        %multiple_of3A_1052 = tpu.assume_multiple %squeeze3A_1051, 128 : i32
        %dma_start3A_1053 = arith.constant 5 : i32
        %dma_start3A_1054 = arith.constant 0 : i32
        %dma_start3A_1055 = arith.constant 0 : i32
        %dma_start3A_1056 = tpu.memref_slice %arg11[%and3A_959, %dma_start3A_1053, %dma_start3A_1054, %dma_start3A_1055] : memref<2x16x16x128xf32, #tpu.memory_space<vmem>> -> memref<1x1x16x128xf32, #tpu.memory_space<vmem>>
        %dma_start3A_1057 = tpu.memref_squeeze %dma_start3A_1056 : memref<1x1x16x128xf32, #tpu.memory_space<vmem>> -> memref<16x128xf32, #tpu.memory_space<vmem>>
        %dma_start3A_1058 = arith.constant 0 : i32
        %dma_start3A_1059 = tpu.memref_slice %arg4[%dma_start3A_1058, %multiple_of3A_1052] : memref<16x1000000xf32, #tpu.memory_space<hbm>> -> memref<16x128xf32, #tpu.memory_space<hbm>>
        %dma_start3A_1060 = arith.constant 0 : i32
        %dma_start3A_1061 = arith.constant 0 : i32
        %dma_start3A_1062 = tpu.memref_slice %arg11[%and3A_959, %dma_start3A_1053, %dma_start3A_1060, %dma_start3A_1061] : memref<2x16x16x128xf32, #tpu.memory_space<vmem>> -> memref<1x1x16x128xf32, #tpu.memory_space<vmem>>
        %dma_start3A_1063 = tpu.memref_squeeze %dma_start3A_1062 : memref<1x1x16x128xf32, #tpu.memory_space<vmem>> -> memref<16x128xf32, #tpu.memory_space<vmem>>
        %dma_start3A_1064 = arith.constant 0 : i32
        %dma_start3A_1065 = tpu.memref_slice %arg4[%dma_start3A_1064, %multiple_of3A_1052] : memref<16x1000000xf32, #tpu.memory_space<hbm>> -> memref<16x128xf32, #tpu.memory_space<hbm>>
        tpu.enqueue_dma source(%dma_start3A_1065 : memref<16x128xf32, #tpu.memory_space<hbm>>) target(%dma_start3A_1063 : memref<16x128xf32, #tpu.memory_space<vmem>>) target_semaphore(%arg16 : memref<!tpu.dma_semaphore, #tpu.memory_space<semaphore_mem>>)
        %slice3A_1066 = vector.extract_strided_slice %shift_left3A_969 {offsets = [6], sizes = [1], strides = [1]} : vector<16xi32> to vector<1xi32>
        %squeeze3A_1067 = vector.extract %slice3A_1066[0] : i32 from vector<1xi32>
        %multiple_of3A_1068 = tpu.assume_multiple %squeeze3A_1067, 128 : i32
        %dma_start3A_1069 = arith.constant 6 : i32
        %dma_start3A_1070 = arith.constant 0 : i32
        %dma_start3A_1071 = arith.constant 0 : i32
        %dma_start3A_1072 = tpu.memref_slice %arg11[%and3A_959, %dma_start3A_1069, %dma_start3A_1070, %dma_start3A_1071] : memref<2x16x16x128xf32, #tpu.memory_space<vmem>> -> memref<1x1x16x128xf32, #tpu.memory_space<vmem>>
        %dma_start3A_1073 = tpu.memref_squeeze %dma_start3A_1072 : memref<1x1x16x128xf32, #tpu.memory_space<vmem>> -> memref<16x128xf32, #tpu.memory_space<vmem>>
        %dma_start3A_1074 = arith.constant 0 : i32
        %dma_start3A_1075 = tpu.memref_slice %arg4[%dma_start3A_1074, %multiple_of3A_1068] : memref<16x1000000xf32, #tpu.memory_space<hbm>> -> memref<16x128xf32, #tpu.memory_space<hbm>>
        %dma_start3A_1076 = arith.constant 0 : i32
        %dma_start3A_1077 = arith.constant 0 : i32
        %dma_start3A_1078 = tpu.memref_slice %arg11[%and3A_959, %dma_start3A_1069, %dma_start3A_1076, %dma_start3A_1077] : memref<2x16x16x128xf32, #tpu.memory_space<vmem>> -> memref<1x1x16x128xf32, #tpu.memory_space<vmem>>
        %dma_start3A_1079 = tpu.memref_squeeze %dma_start3A_1078 : memref<1x1x16x128xf32, #tpu.memory_space<vmem>> -> memref<16x128xf32, #tpu.memory_space<vmem>>
        %dma_start3A_1080 = arith.constant 0 : i32
        %dma_start3A_1081 = tpu.memref_slice %arg4[%dma_start3A_1080, %multiple_of3A_1068] : memref<16x1000000xf32, #tpu.memory_space<hbm>> -> memref<16x128xf32, #tpu.memory_space<hbm>>
        tpu.enqueue_dma source(%dma_start3A_1081 : memref<16x128xf32, #tpu.memory_space<hbm>>) target(%dma_start3A_1079 : memref<16x128xf32, #tpu.memory_space<vmem>>) target_semaphore(%arg16 : memref<!tpu.dma_semaphore, #tpu.memory_space<semaphore_mem>>)
        %slice3A_1082 = vector.extract_strided_slice %shift_left3A_969 {offsets = [7], sizes = [1], strides = [1]} : vector<16xi32> to vector<1xi32>
        %squeeze3A_1083 = vector.extract %slice3A_1082[0] : i32 from vector<1xi32>
        %multiple_of3A_1084 = tpu.assume_multiple %squeeze3A_1083, 128 : i32
        %dma_start3A_1085 = arith.constant 7 : i32
        %dma_start3A_1086 = arith.constant 0 : i32
        %dma_start3A_1087 = arith.constant 0 : i32
        %dma_start3A_1088 = tpu.memref_slice %arg11[%and3A_959, %dma_start3A_1085, %dma_start3A_1086, %dma_start3A_1087] : memref<2x16x16x128xf32, #tpu.memory_space<vmem>> -> memref<1x1x16x128xf32, #tpu.memory_space<vmem>>
        %dma_start3A_1089 = tpu.memref_squeeze %dma_start3A_1088 : memref<1x1x16x128xf32, #tpu.memory_space<vmem>> -> memref<16x128xf32, #tpu.memory_space<vmem>>
        %dma_start3A_1090 = arith.constant 0 : i32
        %dma_start3A_1091 = tpu.memref_slice %arg4[%dma_start3A_1090, %multiple_of3A_1084] : memref<16x1000000xf32, #tpu.memory_space<hbm>> -> memref<16x128xf32, #tpu.memory_space<hbm>>
        %dma_start3A_1092 = arith.constant 0 : i32
        %dma_start3A_1093 = arith.constant 0 : i32
        %dma_start3A_1094 = tpu.memref_slice %arg11[%and3A_959, %dma_start3A_1085, %dma_start3A_1092, %dma_start3A_1093] : memref<2x16x16x128xf32, #tpu.memory_space<vmem>> -> memref<1x1x16x128xf32, #tpu.memory_space<vmem>>
        %dma_start3A_1095 = tpu.memref_squeeze %dma_start3A_1094 : memref<1x1x16x128xf32, #tpu.memory_space<vmem>> -> memref<16x128xf32, #tpu.memory_space<vmem>>
        %dma_start3A_1096 = arith.constant 0 : i32
        %dma_start3A_1097 = tpu.memref_slice %arg4[%dma_start3A_1096, %multiple_of3A_1084] : memref<16x1000000xf32, #tpu.memory_space<hbm>> -> memref<16x128xf32, #tpu.memory_space<hbm>>
        tpu.enqueue_dma source(%dma_start3A_1097 : memref<16x128xf32, #tpu.memory_space<hbm>>) target(%dma_start3A_1095 : memref<16x128xf32, #tpu.memory_space<vmem>>) target_semaphore(%arg16 : memref<!tpu.dma_semaphore, #tpu.memory_space<semaphore_mem>>)
        %slice3A_1098 = vector.extract_strided_slice %shift_left3A_969 {offsets = [8], sizes = [1], strides = [1]} : vector<16xi32> to vector<1xi32>
        %squeeze3A_1099 = vector.extract %slice3A_1098[0] : i32 from vector<1xi32>
        %multiple_of3A_1100 = tpu.assume_multiple %squeeze3A_1099, 128 : i32
        %dma_start3A_1101 = arith.constant 8 : i32
        %dma_start3A_1102 = arith.constant 0 : i32
        %dma_start3A_1103 = arith.constant 0 : i32
        %dma_start3A_1104 = tpu.memref_slice %arg11[%and3A_959, %dma_start3A_1101, %dma_start3A_1102, %dma_start3A_1103] : memref<2x16x16x128xf32, #tpu.memory_space<vmem>> -> memref<1x1x16x128xf32, #tpu.memory_space<vmem>>
        %dma_start3A_1105 = tpu.memref_squeeze %dma_start3A_1104 : memref<1x1x16x128xf32, #tpu.memory_space<vmem>> -> memref<16x128xf32, #tpu.memory_space<vmem>>
        %dma_start3A_1106 = arith.constant 0 : i32
        %dma_start3A_1107 = tpu.memref_slice %arg4[%dma_start3A_1106, %multiple_of3A_1100] : memref<16x1000000xf32, #tpu.memory_space<hbm>> -> memref<16x128xf32, #tpu.memory_space<hbm>>
        %dma_start3A_1108 = arith.constant 0 : i32
        %dma_start3A_1109 = arith.constant 0 : i32
        %dma_start3A_1110 = tpu.memref_slice %arg11[%and3A_959, %dma_start3A_1101, %dma_start3A_1108, %dma_start3A_1109] : memref<2x16x16x128xf32, #tpu.memory_space<vmem>> -> memref<1x1x16x128xf32, #tpu.memory_space<vmem>>
        %dma_start3A_1111 = tpu.memref_squeeze %dma_start3A_1110 : memref<1x1x16x128xf32, #tpu.memory_space<vmem>> -> memref<16x128xf32, #tpu.memory_space<vmem>>
        %dma_start3A_1112 = arith.constant 0 : i32
        %dma_start3A_1113 = tpu.memref_slice %arg4[%dma_start3A_1112, %multiple_of3A_1100] : memref<16x1000000xf32, #tpu.memory_space<hbm>> -> memref<16x128xf32, #tpu.memory_space<hbm>>
        tpu.enqueue_dma source(%dma_start3A_1113 : memref<16x128xf32, #tpu.memory_space<hbm>>) target(%dma_start3A_1111 : memref<16x128xf32, #tpu.memory_space<vmem>>) target_semaphore(%arg16 : memref<!tpu.dma_semaphore, #tpu.memory_space<semaphore_mem>>)
        %slice3A_1114 = vector.extract_strided_slice %shift_left3A_969 {offsets = [9], sizes = [1], strides = [1]} : vector<16xi32> to vector<1xi32>
        %squeeze3A_1115 = vector.extract %slice3A_1114[0] : i32 from vector<1xi32>
        %multiple_of3A_1116 = tpu.assume_multiple %squeeze3A_1115, 128 : i32
        %dma_start3A_1117 = arith.constant 9 : i32
        %dma_start3A_1118 = arith.constant 0 : i32
        %dma_start3A_1119 = arith.constant 0 : i32
        %dma_start3A_1120 = tpu.memref_slice %arg11[%and3A_959, %dma_start3A_1117, %dma_start3A_1118, %dma_start3A_1119] : memref<2x16x16x128xf32, #tpu.memory_space<vmem>> -> memref<1x1x16x128xf32, #tpu.memory_space<vmem>>
        %dma_start3A_1121 = tpu.memref_squeeze %dma_start3A_1120 : memref<1x1x16x128xf32, #tpu.memory_space<vmem>> -> memref<16x128xf32, #tpu.memory_space<vmem>>
        %dma_start3A_1122 = arith.constant 0 : i32
        %dma_start3A_1123 = tpu.memref_slice %arg4[%dma_start3A_1122, %multiple_of3A_1116] : memref<16x1000000xf32, #tpu.memory_space<hbm>> -> memref<16x128xf32, #tpu.memory_space<hbm>>
        %dma_start3A_1124 = arith.constant 0 : i32
        %dma_start3A_1125 = arith.constant 0 : i32
        %dma_start3A_1126 = tpu.memref_slice %arg11[%and3A_959, %dma_start3A_1117, %dma_start3A_1124, %dma_start3A_1125] : memref<2x16x16x128xf32, #tpu.memory_space<vmem>> -> memref<1x1x16x128xf32, #tpu.memory_space<vmem>>
        %dma_start3A_1127 = tpu.memref_squeeze %dma_start3A_1126 : memref<1x1x16x128xf32, #tpu.memory_space<vmem>> -> memref<16x128xf32, #tpu.memory_space<vmem>>
        %dma_start3A_1128 = arith.constant 0 : i32
        %dma_start3A_1129 = tpu.memref_slice %arg4[%dma_start3A_1128, %multiple_of3A_1116] : memref<16x1000000xf32, #tpu.memory_space<hbm>> -> memref<16x128xf32, #tpu.memory_space<hbm>>
        tpu.enqueue_dma source(%dma_start3A_1129 : memref<16x128xf32, #tpu.memory_space<hbm>>) target(%dma_start3A_1127 : memref<16x128xf32, #tpu.memory_space<vmem>>) target_semaphore(%arg16 : memref<!tpu.dma_semaphore, #tpu.memory_space<semaphore_mem>>)
        %slice3A_1130 = vector.extract_strided_slice %shift_left3A_969 {offsets = [10], sizes = [1], strides = [1]} : vector<16xi32> to vector<1xi32>
        %squeeze3A_1131 = vector.extract %slice3A_1130[0] : i32 from vector<1xi32>
        %multiple_of3A_1132 = tpu.assume_multiple %squeeze3A_1131, 128 : i32
        %dma_start3A_1133 = arith.constant 10 : i32
        %dma_start3A_1134 = arith.constant 0 : i32
        %dma_start3A_1135 = arith.constant 0 : i32
        %dma_start3A_1136 = tpu.memref_slice %arg11[%and3A_959, %dma_start3A_1133, %dma_start3A_1134, %dma_start3A_1135] : memref<2x16x16x128xf32, #tpu.memory_space<vmem>> -> memref<1x1x16x128xf32, #tpu.memory_space<vmem>>
        %dma_start3A_1137 = tpu.memref_squeeze %dma_start3A_1136 : memref<1x1x16x128xf32, #tpu.memory_space<vmem>> -> memref<16x128xf32, #tpu.memory_space<vmem>>
        %dma_start3A_1138 = arith.constant 0 : i32
        %dma_start3A_1139 = tpu.memref_slice %arg4[%dma_start3A_1138, %multiple_of3A_1132] : memref<16x1000000xf32, #tpu.memory_space<hbm>> -> memref<16x128xf32, #tpu.memory_space<hbm>>
        %dma_start3A_1140 = arith.constant 0 : i32
        %dma_start3A_1141 = arith.constant 0 : i32
        %dma_start3A_1142 = tpu.memref_slice %arg11[%and3A_959, %dma_start3A_1133, %dma_start3A_1140, %dma_start3A_1141] : memref<2x16x16x128xf32, #tpu.memory_space<vmem>> -> memref<1x1x16x128xf32, #tpu.memory_space<vmem>>
        %dma_start3A_1143 = tpu.memref_squeeze %dma_start3A_1142 : memref<1x1x16x128xf32, #tpu.memory_space<vmem>> -> memref<16x128xf32, #tpu.memory_space<vmem>>
        %dma_start3A_1144 = arith.constant 0 : i32
        %dma_start3A_1145 = tpu.memref_slice %arg4[%dma_start3A_1144, %multiple_of3A_1132] : memref<16x1000000xf32, #tpu.memory_space<hbm>> -> memref<16x128xf32, #tpu.memory_space<hbm>>
        tpu.enqueue_dma source(%dma_start3A_1145 : memref<16x128xf32, #tpu.memory_space<hbm>>) target(%dma_start3A_1143 : memref<16x128xf32, #tpu.memory_space<vmem>>) target_semaphore(%arg16 : memref<!tpu.dma_semaphore, #tpu.memory_space<semaphore_mem>>)
        %slice3A_1146 = vector.extract_strided_slice %shift_left3A_969 {offsets = [11], sizes = [1], strides = [1]} : vector<16xi32> to vector<1xi32>
        %squeeze3A_1147 = vector.extract %slice3A_1146[0] : i32 from vector<1xi32>
        %multiple_of3A_1148 = tpu.assume_multiple %squeeze3A_1147, 128 : i32
        %dma_start3A_1149 = arith.constant 11 : i32
        %dma_start3A_1150 = arith.constant 0 : i32
        %dma_start3A_1151 = arith.constant 0 : i32
        %dma_start3A_1152 = tpu.memref_slice %arg11[%and3A_959, %dma_start3A_1149, %dma_start3A_1150, %dma_start3A_1151] : memref<2x16x16x128xf32, #tpu.memory_space<vmem>> -> memref<1x1x16x128xf32, #tpu.memory_space<vmem>>
        %dma_start3A_1153 = tpu.memref_squeeze %dma_start3A_1152 : memref<1x1x16x128xf32, #tpu.memory_space<vmem>> -> memref<16x128xf32, #tpu.memory_space<vmem>>
        %dma_start3A_1154 = arith.constant 0 : i32
        %dma_start3A_1155 = tpu.memref_slice %arg4[%dma_start3A_1154, %multiple_of3A_1148] : memref<16x1000000xf32, #tpu.memory_space<hbm>> -> memref<16x128xf32, #tpu.memory_space<hbm>>
        %dma_start3A_1156 = arith.constant 0 : i32
        %dma_start3A_1157 = arith.constant 0 : i32
        %dma_start3A_1158 = tpu.memref_slice %arg11[%and3A_959, %dma_start3A_1149, %dma_start3A_1156, %dma_start3A_1157] : memref<2x16x16x128xf32, #tpu.memory_space<vmem>> -> memref<1x1x16x128xf32, #tpu.memory_space<vmem>>
        %dma_start3A_1159 = tpu.memref_squeeze %dma_start3A_1158 : memref<1x1x16x128xf32, #tpu.memory_space<vmem>> -> memref<16x128xf32, #tpu.memory_space<vmem>>
        %dma_start3A_1160 = arith.constant 0 : i32
        %dma_start3A_1161 = tpu.memref_slice %arg4[%dma_start3A_1160, %multiple_of3A_1148] : memref<16x1000000xf32, #tpu.memory_space<hbm>> -> memref<16x128xf32, #tpu.memory_space<hbm>>
        tpu.enqueue_dma source(%dma_start3A_1161 : memref<16x128xf32, #tpu.memory_space<hbm>>) target(%dma_start3A_1159 : memref<16x128xf32, #tpu.memory_space<vmem>>) target_semaphore(%arg16 : memref<!tpu.dma_semaphore, #tpu.memory_space<semaphore_mem>>)
        %slice3A_1162 = vector.extract_strided_slice %shift_left3A_969 {offsets = [12], sizes = [1], strides = [1]} : vector<16xi32> to vector<1xi32>
        %squeeze3A_1163 = vector.extract %slice3A_1162[0] : i32 from vector<1xi32>
        %multiple_of3A_1164 = tpu.assume_multiple %squeeze3A_1163, 128 : i32
        %dma_start3A_1165 = arith.constant 12 : i32
        %dma_start3A_1166 = arith.constant 0 : i32
        %dma_start3A_1167 = arith.constant 0 : i32
        %dma_start3A_1168 = tpu.memref_slice %arg11[%and3A_959, %dma_start3A_1165, %dma_start3A_1166, %dma_start3A_1167] : memref<2x16x16x128xf32, #tpu.memory_space<vmem>> -> memref<1x1x16x128xf32, #tpu.memory_space<vmem>>
        %dma_start3A_1169 = tpu.memref_squeeze %dma_start3A_1168 : memref<1x1x16x128xf32, #tpu.memory_space<vmem>> -> memref<16x128xf32, #tpu.memory_space<vmem>>
        %dma_start3A_1170 = arith.constant 0 : i32
        %dma_start3A_1171 = tpu.memref_slice %arg4[%dma_start3A_1170, %multiple_of3A_1164] : memref<16x1000000xf32, #tpu.memory_space<hbm>> -> memref<16x128xf32, #tpu.memory_space<hbm>>
        %dma_start3A_1172 = arith.constant 0 : i32
        %dma_start3A_1173 = arith.constant 0 : i32
        %dma_start3A_1174 = tpu.memref_slice %arg11[%and3A_959, %dma_start3A_1165, %dma_start3A_1172, %dma_start3A_1173] : memref<2x16x16x128xf32, #tpu.memory_space<vmem>> -> memref<1x1x16x128xf32, #tpu.memory_space<vmem>>
        %dma_start3A_1175 = tpu.memref_squeeze %dma_start3A_1174 : memref<1x1x16x128xf32, #tpu.memory_space<vmem>> -> memref<16x128xf32, #tpu.memory_space<vmem>>
        %dma_start3A_1176 = arith.constant 0 : i32
        %dma_start3A_1177 = tpu.memref_slice %arg4[%dma_start3A_1176, %multiple_of3A_1164] : memref<16x1000000xf32, #tpu.memory_space<hbm>> -> memref<16x128xf32, #tpu.memory_space<hbm>>
        tpu.enqueue_dma source(%dma_start3A_1177 : memref<16x128xf32, #tpu.memory_space<hbm>>) target(%dma_start3A_1175 : memref<16x128xf32, #tpu.memory_space<vmem>>) target_semaphore(%arg16 : memref<!tpu.dma_semaphore, #tpu.memory_space<semaphore_mem>>)
        %slice3A_1178 = vector.extract_strided_slice %shift_left3A_969 {offsets = [13], sizes = [1], strides = [1]} : vector<16xi32> to vector<1xi32>
        %squeeze3A_1179 = vector.extract %slice3A_1178[0] : i32 from vector<1xi32>
        %multiple_of3A_1180 = tpu.assume_multiple %squeeze3A_1179, 128 : i32
        %dma_start3A_1181 = arith.constant 13 : i32
        %dma_start3A_1182 = arith.constant 0 : i32
        %dma_start3A_1183 = arith.constant 0 : i32
        %dma_start3A_1184 = tpu.memref_slice %arg11[%and3A_959, %dma_start3A_1181, %dma_start3A_1182, %dma_start3A_1183] : memref<2x16x16x128xf32, #tpu.memory_space<vmem>> -> memref<1x1x16x128xf32, #tpu.memory_space<vmem>>
        %dma_start3A_1185 = tpu.memref_squeeze %dma_start3A_1184 : memref<1x1x16x128xf32, #tpu.memory_space<vmem>> -> memref<16x128xf32, #tpu.memory_space<vmem>>
        %dma_start3A_1186 = arith.constant 0 : i32
        %dma_start3A_1187 = tpu.memref_slice %arg4[%dma_start3A_1186, %multiple_of3A_1180] : memref<16x1000000xf32, #tpu.memory_space<hbm>> -> memref<16x128xf32, #tpu.memory_space<hbm>>
        %dma_start3A_1188 = arith.constant 0 : i32
        %dma_start3A_1189 = arith.constant 0 : i32
        %dma_start3A_1190 = tpu.memref_slice %arg11[%and3A_959, %dma_start3A_1181, %dma_start3A_1188, %dma_start3A_1189] : memref<2x16x16x128xf32, #tpu.memory_space<vmem>> -> memref<1x1x16x128xf32, #tpu.memory_space<vmem>>
        %dma_start3A_1191 = tpu.memref_squeeze %dma_start3A_1190 : memref<1x1x16x128xf32, #tpu.memory_space<vmem>> -> memref<16x128xf32, #tpu.memory_space<vmem>>
        %dma_start3A_1192 = arith.constant 0 : i32
        %dma_start3A_1193 = tpu.memref_slice %arg4[%dma_start3A_1192, %multiple_of3A_1180] : memref<16x1000000xf32, #tpu.memory_space<hbm>> -> memref<16x128xf32, #tpu.memory_space<hbm>>
        tpu.enqueue_dma source(%dma_start3A_1193 : memref<16x128xf32, #tpu.memory_space<hbm>>) target(%dma_start3A_1191 : memref<16x128xf32, #tpu.memory_space<vmem>>) target_semaphore(%arg16 : memref<!tpu.dma_semaphore, #tpu.memory_space<semaphore_mem>>)
        %slice3A_1194 = vector.extract_strided_slice %shift_left3A_969 {offsets = [14], sizes = [1], strides = [1]} : vector<16xi32> to vector<1xi32>
        %squeeze3A_1195 = vector.extract %slice3A_1194[0] : i32 from vector<1xi32>
        %multiple_of3A_1196 = tpu.assume_multiple %squeeze3A_1195, 128 : i32
        %dma_start3A_1197 = arith.constant 14 : i32
        %dma_start3A_1198 = arith.constant 0 : i32
        %dma_start3A_1199 = arith.constant 0 : i32
        %dma_start3A_1200 = tpu.memref_slice %arg11[%and3A_959, %dma_start3A_1197, %dma_start3A_1198, %dma_start3A_1199] : memref<2x16x16x128xf32, #tpu.memory_space<vmem>> -> memref<1x1x16x128xf32, #tpu.memory_space<vmem>>
        %dma_start3A_1201 = tpu.memref_squeeze %dma_start3A_1200 : memref<1x1x16x128xf32, #tpu.memory_space<vmem>> -> memref<16x128xf32, #tpu.memory_space<vmem>>
        %dma_start3A_1202 = arith.constant 0 : i32
        %dma_start3A_1203 = tpu.memref_slice %arg4[%dma_start3A_1202, %multiple_of3A_1196] : memref<16x1000000xf32, #tpu.memory_space<hbm>> -> memref<16x128xf32, #tpu.memory_space<hbm>>
        %dma_start3A_1204 = arith.constant 0 : i32
        %dma_start3A_1205 = arith.constant 0 : i32
        %dma_start3A_1206 = tpu.memref_slice %arg11[%and3A_959, %dma_start3A_1197, %dma_start3A_1204, %dma_start3A_1205] : memref<2x16x16x128xf32, #tpu.memory_space<vmem>> -> memref<1x1x16x128xf32, #tpu.memory_space<vmem>>
        %dma_start3A_1207 = tpu.memref_squeeze %dma_start3A_1206 : memref<1x1x16x128xf32, #tpu.memory_space<vmem>> -> memref<16x128xf32, #tpu.memory_space<vmem>>
        %dma_start3A_1208 = arith.constant 0 : i32
        %dma_start3A_1209 = tpu.memref_slice %arg4[%dma_start3A_1208, %multiple_of3A_1196] : memref<16x1000000xf32, #tpu.memory_space<hbm>> -> memref<16x128xf32, #tpu.memory_space<hbm>>
        tpu.enqueue_dma source(%dma_start3A_1209 : memref<16x128xf32, #tpu.memory_space<hbm>>) target(%dma_start3A_1207 : memref<16x128xf32, #tpu.memory_space<vmem>>) target_semaphore(%arg16 : memref<!tpu.dma_semaphore, #tpu.memory_space<semaphore_mem>>)
        %slice3A_1210 = vector.extract_strided_slice %shift_left3A_969 {offsets = [15], sizes = [1], strides = [1]} : vector<16xi32> to vector<1xi32>
        %squeeze3A_1211 = vector.extract %slice3A_1210[0] : i32 from vector<1xi32>
        %multiple_of3A_1212 = tpu.assume_multiple %squeeze3A_1211, 128 : i32
        %dma_start3A_1213 = arith.constant 15 : i32
        %dma_start3A_1214 = arith.constant 0 : i32
        %dma_start3A_1215 = arith.constant 0 : i32
        %dma_start3A_1216 = tpu.memref_slice %arg11[%and3A_959, %dma_start3A_1213, %dma_start3A_1214, %dma_start3A_1215] : memref<2x16x16x128xf32, #tpu.memory_space<vmem>> -> memref<1x1x16x128xf32, #tpu.memory_space<vmem>>
        %dma_start3A_1217 = tpu.memref_squeeze %dma_start3A_1216 : memref<1x1x16x128xf32, #tpu.memory_space<vmem>> -> memref<16x128xf32, #tpu.memory_space<vmem>>
        %dma_start3A_1218 = arith.constant 0 : i32
        %dma_start3A_1219 = tpu.memref_slice %arg4[%dma_start3A_1218, %multiple_of3A_1212] : memref<16x1000000xf32, #tpu.memory_space<hbm>> -> memref<16x128xf32, #tpu.memory_space<hbm>>
        %dma_start3A_1220 = arith.constant 0 : i32
        %dma_start3A_1221 = arith.constant 0 : i32
        %dma_start3A_1222 = tpu.memref_slice %arg11[%and3A_959, %dma_start3A_1213, %dma_start3A_1220, %dma_start3A_1221] : memref<2x16x16x128xf32, #tpu.memory_space<vmem>> -> memref<1x1x16x128xf32, #tpu.memory_space<vmem>>
        %dma_start3A_1223 = tpu.memref_squeeze %dma_start3A_1222 : memref<1x1x16x128xf32, #tpu.memory_space<vmem>> -> memref<16x128xf32, #tpu.memory_space<vmem>>
        %dma_start3A_1224 = arith.constant 0 : i32
        %dma_start3A_1225 = tpu.memref_slice %arg4[%dma_start3A_1224, %multiple_of3A_1212] : memref<16x1000000xf32, #tpu.memory_space<hbm>> -> memref<16x128xf32, #tpu.memory_space<hbm>>
        tpu.enqueue_dma source(%dma_start3A_1225 : memref<16x128xf32, #tpu.memory_space<hbm>>) target(%dma_start3A_1223 : memref<16x128xf32, #tpu.memory_space<vmem>>) target_semaphore(%arg16 : memref<!tpu.dma_semaphore, #tpu.memory_space<semaphore_mem>>)
      } else {
      }
      %dma_wait3A_579 = arith.constant 0 : i32
      %dma_wait3A_580 = arith.constant 0 : i32
      %dma_wait3A_581 = arith.constant 0 : i32
      %dma_wait3A_582 = arith.constant 0 : i32
      %dma_wait3A_583 = tpu.memref_slice %arg11[%dma_wait3A_579, %dma_wait3A_580, %dma_wait3A_581, %dma_wait3A_582] : memref<2x16x16x128xf32, #tpu.memory_space<vmem>> -> memref<1x1x16x128xf32, #tpu.memory_space<vmem>>
      %dma_wait3A_584 = tpu.memref_squeeze %dma_wait3A_583 : memref<1x1x16x128xf32, #tpu.memory_space<vmem>> -> memref<16x128xf32, #tpu.memory_space<vmem>>
      %dma_wait3A_585 = arith.constant 0 : i32
      %dma_wait3A_586 = arith.constant 0 : i32
      %dma_wait3A_587 = tpu.memref_slice %arg4[%dma_wait3A_585, %dma_wait3A_586] : memref<16x1000000xf32, #tpu.memory_space<hbm>> -> memref<16x128xf32, #tpu.memory_space<hbm>>
      %dma_wait3A_588 = arith.constant 0 : i32
      %dma_wait3A_589 = arith.constant 0 : i32
      %dma_wait3A_590 = tpu.memref_slice %arg11[%dma_wait3A_579, %dma_wait3A_580, %dma_wait3A_588, %dma_wait3A_589] : memref<2x16x16x128xf32, #tpu.memory_space<vmem>> -> memref<1x1x16x128xf32, #tpu.memory_space<vmem>>
      %dma_wait3A_591 = tpu.memref_squeeze %dma_wait3A_590 : memref<1x1x16x128xf32, #tpu.memory_space<vmem>> -> memref<16x128xf32, #tpu.memory_space<vmem>>
      %dma_wait3A_592 = arith.constant 0 : i32
      %dma_wait3A_593 = arith.constant 0 : i32
      %dma_wait3A_594 = tpu.memref_slice %arg4[%dma_wait3A_592, %dma_wait3A_593] : memref<16x1000000xf32, #tpu.memory_space<hbm>> -> memref<16x128xf32, #tpu.memory_space<hbm>>
      tpu.wait_dma2 semaphore(%arg16 : memref<!tpu.dma_semaphore, #tpu.memory_space<semaphore_mem>>) src(%dma_wait3A_594 : memref<16x128xf32, #tpu.memory_space<hbm>>) dst(%dma_wait3A_591 : memref<16x128xf32, #tpu.memory_space<vmem>>)
      %dma_wait3A_595 = arith.constant 0 : i32
      %dma_wait3A_596 = arith.constant 0 : i32
      %dma_wait3A_597 = arith.constant 0 : i32
      %dma_wait3A_598 = arith.constant 0 : i32
      %dma_wait3A_599 = tpu.memref_slice %arg11[%dma_wait3A_595, %dma_wait3A_596, %dma_wait3A_597, %dma_wait3A_598] : memref<2x16x16x128xf32, #tpu.memory_space<vmem>> -> memref<1x1x16x128xf32, #tpu.memory_space<vmem>>
      %dma_wait3A_600 = tpu.memref_squeeze %dma_wait3A_599 : memref<1x1x16x128xf32, #tpu.memory_space<vmem>> -> memref<16x128xf32, #tpu.memory_space<vmem>>
      %dma_wait3A_601 = arith.constant 0 : i32
      %dma_wait3A_602 = arith.constant 0 : i32
      %dma_wait3A_603 = tpu.memref_slice %arg4[%dma_wait3A_601, %dma_wait3A_602] : memref<16x1000000xf32, #tpu.memory_space<hbm>> -> memref<16x128xf32, #tpu.memory_space<hbm>>
      %dma_wait3A_604 = arith.constant 0 : i32
      %dma_wait3A_605 = arith.constant 0 : i32
      %dma_wait3A_606 = tpu.memref_slice %arg11[%dma_wait3A_595, %dma_wait3A_596, %dma_wait3A_604, %dma_wait3A_605] : memref<2x16x16x128xf32, #tpu.memory_space<vmem>> -> memref<1x1x16x128xf32, #tpu.memory_space<vmem>>
      %dma_wait3A_607 = tpu.memref_squeeze %dma_wait3A_606 : memref<1x1x16x128xf32, #tpu.memory_space<vmem>> -> memref<16x128xf32, #tpu.memory_space<vmem>>
      %dma_wait3A_608 = arith.constant 0 : i32
      %dma_wait3A_609 = arith.constant 0 : i32
      %dma_wait3A_610 = tpu.memref_slice %arg4[%dma_wait3A_608, %dma_wait3A_609] : memref<16x1000000xf32, #tpu.memory_space<hbm>> -> memref<16x128xf32, #tpu.memory_space<hbm>>
      tpu.wait_dma2 semaphore(%arg16 : memref<!tpu.dma_semaphore, #tpu.memory_space<semaphore_mem>>) src(%dma_wait3A_610 : memref<16x128xf32, #tpu.memory_space<hbm>>) dst(%dma_wait3A_607 : memref<16x128xf32, #tpu.memory_space<vmem>>)
      %dma_wait3A_611 = arith.constant 0 : i32
      %dma_wait3A_612 = arith.constant 0 : i32
      %dma_wait3A_613 = arith.constant 0 : i32
      %dma_wait3A_614 = arith.constant 0 : i32
      %dma_wait3A_615 = tpu.memref_slice %arg11[%dma_wait3A_611, %dma_wait3A_612, %dma_wait3A_613, %dma_wait3A_614] : memref<2x16x16x128xf32, #tpu.memory_space<vmem>> -> memref<1x1x16x128xf32, #tpu.memory_space<vmem>>
      %dma_wait3A_616 = tpu.memref_squeeze %dma_wait3A_615 : memref<1x1x16x128xf32, #tpu.memory_space<vmem>> -> memref<16x128xf32, #tpu.memory_space<vmem>>
      %dma_wait3A_617 = arith.constant 0 : i32
      %dma_wait3A_618 = arith.constant 0 : i32
      %dma_wait3A_619 = tpu.memref_slice %arg4[%dma_wait3A_617, %dma_wait3A_618] : memref<16x1000000xf32, #tpu.memory_space<hbm>> -> memref<16x128xf32, #tpu.memory_space<hbm>>
      %dma_wait3A_620 = arith.constant 0 : i32
      %dma_wait3A_621 = arith.constant 0 : i32
      %dma_wait3A_622 = tpu.memref_slice %arg11[%dma_wait3A_611, %dma_wait3A_612, %dma_wait3A_620, %dma_wait3A_621] : memref<2x16x16x128xf32, #tpu.memory_space<vmem>> -> memref<1x1x16x128xf32, #tpu.memory_space<vmem>>
      %dma_wait3A_623 = tpu.memref_squeeze %dma_wait3A_622 : memref<1x1x16x128xf32, #tpu.memory_space<vmem>> -> memref<16x128xf32, #tpu.memory_space<vmem>>
      %dma_wait3A_624 = arith.constant 0 : i32
      %dma_wait3A_625 = arith.constant 0 : i32
      %dma_wait3A_626 = tpu.memref_slice %arg4[%dma_wait3A_624, %dma_wait3A_625] : memref<16x1000000xf32, #tpu.memory_space<hbm>> -> memref<16x128xf32, #tpu.memory_space<hbm>>
      tpu.wait_dma2 semaphore(%arg16 : memref<!tpu.dma_semaphore, #tpu.memory_space<semaphore_mem>>) src(%dma_wait3A_626 : memref<16x128xf32, #tpu.memory_space<hbm>>) dst(%dma_wait3A_623 : memref<16x128xf32, #tpu.memory_space<vmem>>)
      %dma_wait3A_627 = arith.constant 0 : i32
      %dma_wait3A_628 = arith.constant 0 : i32
      %dma_wait3A_629 = arith.constant 0 : i32
      %dma_wait3A_630 = arith.constant 0 : i32
      %dma_wait3A_631 = tpu.memref_slice %arg11[%dma_wait3A_627, %dma_wait3A_628, %dma_wait3A_629, %dma_wait3A_630] : memref<2x16x16x128xf32, #tpu.memory_space<vmem>> -> memref<1x1x16x128xf32, #tpu.memory_space<vmem>>
      %dma_wait3A_632 = tpu.memref_squeeze %dma_wait3A_631 : memref<1x1x16x128xf32, #tpu.memory_space<vmem>> -> memref<16x128xf32, #tpu.memory_space<vmem>>
      %dma_wait3A_633 = arith.constant 0 : i32
      %dma_wait3A_634 = arith.constant 0 : i32
      %dma_wait3A_635 = tpu.memref_slice %arg4[%dma_wait3A_633, %dma_wait3A_634] : memref<16x1000000xf32, #tpu.memory_space<hbm>> -> memref<16x128xf32, #tpu.memory_space<hbm>>
      %dma_wait3A_636 = arith.constant 0 : i32
      %dma_wait3A_637 = arith.constant 0 : i32
      %dma_wait3A_638 = tpu.memref_slice %arg11[%dma_wait3A_627, %dma_wait3A_628, %dma_wait3A_636, %dma_wait3A_637] : memref<2x16x16x128xf32, #tpu.memory_space<vmem>> -> memref<1x1x16x128xf32, #tpu.memory_space<vmem>>
      %dma_wait3A_639 = tpu.memref_squeeze %dma_wait3A_638 : memref<1x1x16x128xf32, #tpu.memory_space<vmem>> -> memref<16x128xf32, #tpu.memory_space<vmem>>
      %dma_wait3A_640 = arith.constant 0 : i32
      %dma_wait3A_641 = arith.constant 0 : i32
      %dma_wait3A_642 = tpu.memref_slice %arg4[%dma_wait3A_640, %dma_wait3A_641] : memref<16x1000000xf32, #tpu.memory_space<hbm>> -> memref<16x128xf32, #tpu.memory_space<hbm>>
      tpu.wait_dma2 semaphore(%arg16 : memref<!tpu.dma_semaphore, #tpu.memory_space<semaphore_mem>>) src(%dma_wait3A_642 : memref<16x128xf32, #tpu.memory_space<hbm>>) dst(%dma_wait3A_639 : memref<16x128xf32, #tpu.memory_space<vmem>>)
      %dma_wait3A_643 = arith.constant 0 : i32
      %dma_wait3A_644 = arith.constant 0 : i32
      %dma_wait3A_645 = arith.constant 0 : i32
      %dma_wait3A_646 = arith.constant 0 : i32
      %dma_wait3A_647 = tpu.memref_slice %arg11[%dma_wait3A_643, %dma_wait3A_644, %dma_wait3A_645, %dma_wait3A_646] : memref<2x16x16x128xf32, #tpu.memory_space<vmem>> -> memref<1x1x16x128xf32, #tpu.memory_space<vmem>>
      %dma_wait3A_648 = tpu.memref_squeeze %dma_wait3A_647 : memref<1x1x16x128xf32, #tpu.memory_space<vmem>> -> memref<16x128xf32, #tpu.memory_space<vmem>>
      %dma_wait3A_649 = arith.constant 0 : i32
      %dma_wait3A_650 = arith.constant 0 : i32
      %dma_wait3A_651 = tpu.memref_slice %arg4[%dma_wait3A_649, %dma_wait3A_650] : memref<16x1000000xf32, #tpu.memory_space<hbm>> -> memref<16x128xf32, #tpu.memory_space<hbm>>
      %dma_wait3A_652 = arith.constant 0 : i32
      %dma_wait3A_653 = arith.constant 0 : i32
      %dma_wait3A_654 = tpu.memref_slice %arg11[%dma_wait3A_643, %dma_wait3A_644, %dma_wait3A_652, %dma_wait3A_653] : memref<2x16x16x128xf32, #tpu.memory_space<vmem>> -> memref<1x1x16x128xf32, #tpu.memory_space<vmem>>
      %dma_wait3A_655 = tpu.memref_squeeze %dma_wait3A_654 : memref<1x1x16x128xf32, #tpu.memory_space<vmem>> -> memref<16x128xf32, #tpu.memory_space<vmem>>
      %dma_wait3A_656 = arith.constant 0 : i32
      %dma_wait3A_657 = arith.constant 0 : i32
      %dma_wait3A_658 = tpu.memref_slice %arg4[%dma_wait3A_656, %dma_wait3A_657] : memref<16x1000000xf32, #tpu.memory_space<hbm>> -> memref<16x128xf32, #tpu.memory_space<hbm>>
      tpu.wait_dma2 semaphore(%arg16 : memref<!tpu.dma_semaphore, #tpu.memory_space<semaphore_mem>>) src(%dma_wait3A_658 : memref<16x128xf32, #tpu.memory_space<hbm>>) dst(%dma_wait3A_655 : memref<16x128xf32, #tpu.memory_space<vmem>>)
      %dma_wait3A_659 = arith.constant 0 : i32
      %dma_wait3A_660 = arith.constant 0 : i32
      %dma_wait3A_661 = arith.constant 0 : i32
      %dma_wait3A_662 = arith.constant 0 : i32
      %dma_wait3A_663 = tpu.memref_slice %arg11[%dma_wait3A_659, %dma_wait3A_660, %dma_wait3A_661, %dma_wait3A_662] : memref<2x16x16x128xf32, #tpu.memory_space<vmem>> -> memref<1x1x16x128xf32, #tpu.memory_space<vmem>>
      %dma_wait3A_664 = tpu.memref_squeeze %dma_wait3A_663 : memref<1x1x16x128xf32, #tpu.memory_space<vmem>> -> memref<16x128xf32, #tpu.memory_space<vmem>>
      %dma_wait3A_665 = arith.constant 0 : i32
      %dma_wait3A_666 = arith.constant 0 : i32
      %dma_wait3A_667 = tpu.memref_slice %arg4[%dma_wait3A_665, %dma_wait3A_666] : memref<16x1000000xf32, #tpu.memory_space<hbm>> -> memref<16x128xf32, #tpu.memory_space<hbm>>
      %dma_wait3A_668 = arith.constant 0 : i32
      %dma_wait3A_669 = arith.constant 0 : i32
      %dma_wait3A_670 = tpu.memref_slice %arg11[%dma_wait3A_659, %dma_wait3A_660, %dma_wait3A_668, %dma_wait3A_669] : memref<2x16x16x128xf32, #tpu.memory_space<vmem>> -> memref<1x1x16x128xf32, #tpu.memory_space<vmem>>
      %dma_wait3A_671 = tpu.memref_squeeze %dma_wait3A_670 : memref<1x1x16x128xf32, #tpu.memory_space<vmem>> -> memref<16x128xf32, #tpu.memory_space<vmem>>
      %dma_wait3A_672 = arith.constant 0 : i32
      %dma_wait3A_673 = arith.constant 0 : i32
      %dma_wait3A_674 = tpu.memref_slice %arg4[%dma_wait3A_672, %dma_wait3A_673] : memref<16x1000000xf32, #tpu.memory_space<hbm>> -> memref<16x128xf32, #tpu.memory_space<hbm>>
      tpu.wait_dma2 semaphore(%arg16 : memref<!tpu.dma_semaphore, #tpu.memory_space<semaphore_mem>>) src(%dma_wait3A_674 : memref<16x128xf32, #tpu.memory_space<hbm>>) dst(%dma_wait3A_671 : memref<16x128xf32, #tpu.memory_space<vmem>>)
      %dma_wait3A_675 = arith.constant 0 : i32
      %dma_wait3A_676 = arith.constant 0 : i32
      %dma_wait3A_677 = arith.constant 0 : i32
      %dma_wait3A_678 = arith.constant 0 : i32
      %dma_wait3A_679 = tpu.memref_slice %arg11[%dma_wait3A_675, %dma_wait3A_676, %dma_wait3A_677, %dma_wait3A_678] : memref<2x16x16x128xf32, #tpu.memory_space<vmem>> -> memref<1x1x16x128xf32, #tpu.memory_space<vmem>>
      %dma_wait3A_680 = tpu.memref_squeeze %dma_wait3A_679 : memref<1x1x16x128xf32, #tpu.memory_space<vmem>> -> memref<16x128xf32, #tpu.memory_space<vmem>>
      %dma_wait3A_681 = arith.constant 0 : i32
      %dma_wait3A_682 = arith.constant 0 : i32
      %dma_wait3A_683 = tpu.memref_slice %arg4[%dma_wait3A_681, %dma_wait3A_682] : memref<16x1000000xf32, #tpu.memory_space<hbm>> -> memref<16x128xf32, #tpu.memory_space<hbm>>
      %dma_wait3A_684 = arith.constant 0 : i32
      %dma_wait3A_685 = arith.constant 0 : i32
      %dma_wait3A_686 = tpu.memref_slice %arg11[%dma_wait3A_675, %dma_wait3A_676, %dma_wait3A_684, %dma_wait3A_685] : memref<2x16x16x128xf32, #tpu.memory_space<vmem>> -> memref<1x1x16x128xf32, #tpu.memory_space<vmem>>
      %dma_wait3A_687 = tpu.memref_squeeze %dma_wait3A_686 : memref<1x1x16x128xf32, #tpu.memory_space<vmem>> -> memref<16x128xf32, #tpu.memory_space<vmem>>
      %dma_wait3A_688 = arith.constant 0 : i32
      %dma_wait3A_689 = arith.constant 0 : i32
      %dma_wait3A_690 = tpu.memref_slice %arg4[%dma_wait3A_688, %dma_wait3A_689] : memref<16x1000000xf32, #tpu.memory_space<hbm>> -> memref<16x128xf32, #tpu.memory_space<hbm>>
      tpu.wait_dma2 semaphore(%arg16 : memref<!tpu.dma_semaphore, #tpu.memory_space<semaphore_mem>>) src(%dma_wait3A_690 : memref<16x128xf32, #tpu.memory_space<hbm>>) dst(%dma_wait3A_687 : memref<16x128xf32, #tpu.memory_space<vmem>>)
      %dma_wait3A_691 = arith.constant 0 : i32
      %dma_wait3A_692 = arith.constant 0 : i32
      %dma_wait3A_693 = arith.constant 0 : i32
      %dma_wait3A_694 = arith.constant 0 : i32
      %dma_wait3A_695 = tpu.memref_slice %arg11[%dma_wait3A_691, %dma_wait3A_692, %dma_wait3A_693, %dma_wait3A_694] : memref<2x16x16x128xf32, #tpu.memory_space<vmem>> -> memref<1x1x16x128xf32, #tpu.memory_space<vmem>>
      %dma_wait3A_696 = tpu.memref_squeeze %dma_wait3A_695 : memref<1x1x16x128xf32, #tpu.memory_space<vmem>> -> memref<16x128xf32, #tpu.memory_space<vmem>>
      %dma_wait3A_697 = arith.constant 0 : i32
      %dma_wait3A_698 = arith.constant 0 : i32
      %dma_wait3A_699 = tpu.memref_slice %arg4[%dma_wait3A_697, %dma_wait3A_698] : memref<16x1000000xf32, #tpu.memory_space<hbm>> -> memref<16x128xf32, #tpu.memory_space<hbm>>
      %dma_wait3A_700 = arith.constant 0 : i32
      %dma_wait3A_701 = arith.constant 0 : i32
      %dma_wait3A_702 = tpu.memref_slice %arg11[%dma_wait3A_691, %dma_wait3A_692, %dma_wait3A_700, %dma_wait3A_701] : memref<2x16x16x128xf32, #tpu.memory_space<vmem>> -> memref<1x1x16x128xf32, #tpu.memory_space<vmem>>
      %dma_wait3A_703 = tpu.memref_squeeze %dma_wait3A_702 : memref<1x1x16x128xf32, #tpu.memory_space<vmem>> -> memref<16x128xf32, #tpu.memory_space<vmem>>
      %dma_wait3A_704 = arith.constant 0 : i32
      %dma_wait3A_705 = arith.constant 0 : i32
      %dma_wait3A_706 = tpu.memref_slice %arg4[%dma_wait3A_704, %dma_wait3A_705] : memref<16x1000000xf32, #tpu.memory_space<hbm>> -> memref<16x128xf32, #tpu.memory_space<hbm>>
      tpu.wait_dma2 semaphore(%arg16 : memref<!tpu.dma_semaphore, #tpu.memory_space<semaphore_mem>>) src(%dma_wait3A_706 : memref<16x128xf32, #tpu.memory_space<hbm>>) dst(%dma_wait3A_703 : memref<16x128xf32, #tpu.memory_space<vmem>>)
      %dma_wait3A_707 = arith.constant 0 : i32
      %dma_wait3A_708 = arith.constant 0 : i32
      %dma_wait3A_709 = arith.constant 0 : i32
      %dma_wait3A_710 = arith.constant 0 : i32
      %dma_wait3A_711 = tpu.memref_slice %arg11[%dma_wait3A_707, %dma_wait3A_708, %dma_wait3A_709, %dma_wait3A_710] : memref<2x16x16x128xf32, #tpu.memory_space<vmem>> -> memref<1x1x16x128xf32, #tpu.memory_space<vmem>>
      %dma_wait3A_712 = tpu.memref_squeeze %dma_wait3A_711 : memref<1x1x16x128xf32, #tpu.memory_space<vmem>> -> memref<16x128xf32, #tpu.memory_space<vmem>>
      %dma_wait3A_713 = arith.constant 0 : i32
      %dma_wait3A_714 = arith.constant 0 : i32
      %dma_wait3A_715 = tpu.memref_slice %arg4[%dma_wait3A_713, %dma_wait3A_714] : memref<16x1000000xf32, #tpu.memory_space<hbm>> -> memref<16x128xf32, #tpu.memory_space<hbm>>
      %dma_wait3A_716 = arith.constant 0 : i32
      %dma_wait3A_717 = arith.constant 0 : i32
      %dma_wait3A_718 = tpu.memref_slice %arg11[%dma_wait3A_707, %dma_wait3A_708, %dma_wait3A_716, %dma_wait3A_717] : memref<2x16x16x128xf32, #tpu.memory_space<vmem>> -> memref<1x1x16x128xf32, #tpu.memory_space<vmem>>
      %dma_wait3A_719 = tpu.memref_squeeze %dma_wait3A_718 : memref<1x1x16x128xf32, #tpu.memory_space<vmem>> -> memref<16x128xf32, #tpu.memory_space<vmem>>
      %dma_wait3A_720 = arith.constant 0 : i32
      %dma_wait3A_721 = arith.constant 0 : i32
      %dma_wait3A_722 = tpu.memref_slice %arg4[%dma_wait3A_720, %dma_wait3A_721] : memref<16x1000000xf32, #tpu.memory_space<hbm>> -> memref<16x128xf32, #tpu.memory_space<hbm>>
      tpu.wait_dma2 semaphore(%arg16 : memref<!tpu.dma_semaphore, #tpu.memory_space<semaphore_mem>>) src(%dma_wait3A_722 : memref<16x128xf32, #tpu.memory_space<hbm>>) dst(%dma_wait3A_719 : memref<16x128xf32, #tpu.memory_space<vmem>>)
      %dma_wait3A_723 = arith.constant 0 : i32
      %dma_wait3A_724 = arith.constant 0 : i32
      %dma_wait3A_725 = arith.constant 0 : i32
      %dma_wait3A_726 = arith.constant 0 : i32
      %dma_wait3A_727 = tpu.memref_slice %arg11[%dma_wait3A_723, %dma_wait3A_724, %dma_wait3A_725, %dma_wait3A_726] : memref<2x16x16x128xf32, #tpu.memory_space<vmem>> -> memref<1x1x16x128xf32, #tpu.memory_space<vmem>>
      %dma_wait3A_728 = tpu.memref_squeeze %dma_wait3A_727 : memref<1x1x16x128xf32, #tpu.memory_space<vmem>> -> memref<16x128xf32, #tpu.memory_space<vmem>>
      %dma_wait3A_729 = arith.constant 0 : i32
      %dma_wait3A_730 = arith.constant 0 : i32
      %dma_wait3A_731 = tpu.memref_slice %arg4[%dma_wait3A_729, %dma_wait3A_730] : memref<16x1000000xf32, #tpu.memory_space<hbm>> -> memref<16x128xf32, #tpu.memory_space<hbm>>
      %dma_wait3A_732 = arith.constant 0 : i32
      %dma_wait3A_733 = arith.constant 0 : i32
      %dma_wait3A_734 = tpu.memref_slice %arg11[%dma_wait3A_723, %dma_wait3A_724, %dma_wait3A_732, %dma_wait3A_733] : memref<2x16x16x128xf32, #tpu.memory_space<vmem>> -> memref<1x1x16x128xf32, #tpu.memory_space<vmem>>
      %dma_wait3A_735 = tpu.memref_squeeze %dma_wait3A_734 : memref<1x1x16x128xf32, #tpu.memory_space<vmem>> -> memref<16x128xf32, #tpu.memory_space<vmem>>
      %dma_wait3A_736 = arith.constant 0 : i32
      %dma_wait3A_737 = arith.constant 0 : i32
      %dma_wait3A_738 = tpu.memref_slice %arg4[%dma_wait3A_736, %dma_wait3A_737] : memref<16x1000000xf32, #tpu.memory_space<hbm>> -> memref<16x128xf32, #tpu.memory_space<hbm>>
      tpu.wait_dma2 semaphore(%arg16 : memref<!tpu.dma_semaphore, #tpu.memory_space<semaphore_mem>>) src(%dma_wait3A_738 : memref<16x128xf32, #tpu.memory_space<hbm>>) dst(%dma_wait3A_735 : memref<16x128xf32, #tpu.memory_space<vmem>>)
      %dma_wait3A_739 = arith.constant 0 : i32
      %dma_wait3A_740 = arith.constant 0 : i32
      %dma_wait3A_741 = arith.constant 0 : i32
      %dma_wait3A_742 = arith.constant 0 : i32
      %dma_wait3A_743 = tpu.memref_slice %arg11[%dma_wait3A_739, %dma_wait3A_740, %dma_wait3A_741, %dma_wait3A_742] : memref<2x16x16x128xf32, #tpu.memory_space<vmem>> -> memref<1x1x16x128xf32, #tpu.memory_space<vmem>>
      %dma_wait3A_744 = tpu.memref_squeeze %dma_wait3A_743 : memref<1x1x16x128xf32, #tpu.memory_space<vmem>> -> memref<16x128xf32, #tpu.memory_space<vmem>>
      %dma_wait3A_745 = arith.constant 0 : i32
      %dma_wait3A_746 = arith.constant 0 : i32
      %dma_wait3A_747 = tpu.memref_slice %arg4[%dma_wait3A_745, %dma_wait3A_746] : memref<16x1000000xf32, #tpu.memory_space<hbm>> -> memref<16x128xf32, #tpu.memory_space<hbm>>
      %dma_wait3A_748 = arith.constant 0 : i32
      %dma_wait3A_749 = arith.constant 0 : i32
      %dma_wait3A_750 = tpu.memref_slice %arg11[%dma_wait3A_739, %dma_wait3A_740, %dma_wait3A_748, %dma_wait3A_749] : memref<2x16x16x128xf32, #tpu.memory_space<vmem>> -> memref<1x1x16x128xf32, #tpu.memory_space<vmem>>
      %dma_wait3A_751 = tpu.memref_squeeze %dma_wait3A_750 : memref<1x1x16x128xf32, #tpu.memory_space<vmem>> -> memref<16x128xf32, #tpu.memory_space<vmem>>
      %dma_wait3A_752 = arith.constant 0 : i32
      %dma_wait3A_753 = arith.constant 0 : i32
      %dma_wait3A_754 = tpu.memref_slice %arg4[%dma_wait3A_752, %dma_wait3A_753] : memref<16x1000000xf32, #tpu.memory_space<hbm>> -> memref<16x128xf32, #tpu.memory_space<hbm>>
      tpu.wait_dma2 semaphore(%arg16 : memref<!tpu.dma_semaphore, #tpu.memory_space<semaphore_mem>>) src(%dma_wait3A_754 : memref<16x128xf32, #tpu.memory_space<hbm>>) dst(%dma_wait3A_751 : memref<16x128xf32, #tpu.memory_space<vmem>>)
      %dma_wait3A_755 = arith.constant 0 : i32
      %dma_wait3A_756 = arith.constant 0 : i32
      %dma_wait3A_757 = arith.constant 0 : i32
      %dma_wait3A_758 = arith.constant 0 : i32
      %dma_wait3A_759 = tpu.memref_slice %arg11[%dma_wait3A_755, %dma_wait3A_756, %dma_wait3A_757, %dma_wait3A_758] : memref<2x16x16x128xf32, #tpu.memory_space<vmem>> -> memref<1x1x16x128xf32, #tpu.memory_space<vmem>>
      %dma_wait3A_760 = tpu.memref_squeeze %dma_wait3A_759 : memref<1x1x16x128xf32, #tpu.memory_space<vmem>> -> memref<16x128xf32, #tpu.memory_space<vmem>>
      %dma_wait3A_761 = arith.constant 0 : i32
      %dma_wait3A_762 = arith.constant 0 : i32
      %dma_wait3A_763 = tpu.memref_slice %arg4[%dma_wait3A_761, %dma_wait3A_762] : memref<16x1000000xf32, #tpu.memory_space<hbm>> -> memref<16x128xf32, #tpu.memory_space<hbm>>
      %dma_wait3A_764 = arith.constant 0 : i32
      %dma_wait3A_765 = arith.constant 0 : i32
      %dma_wait3A_766 = tpu.memref_slice %arg11[%dma_wait3A_755, %dma_wait3A_756, %dma_wait3A_764, %dma_wait3A_765] : memref<2x16x16x128xf32, #tpu.memory_space<vmem>> -> memref<1x1x16x128xf32, #tpu.memory_space<vmem>>
      %dma_wait3A_767 = tpu.memref_squeeze %dma_wait3A_766 : memref<1x1x16x128xf32, #tpu.memory_space<vmem>> -> memref<16x128xf32, #tpu.memory_space<vmem>>
      %dma_wait3A_768 = arith.constant 0 : i32
      %dma_wait3A_769 = arith.constant 0 : i32
      %dma_wait3A_770 = tpu.memref_slice %arg4[%dma_wait3A_768, %dma_wait3A_769] : memref<16x1000000xf32, #tpu.memory_space<hbm>> -> memref<16x128xf32, #tpu.memory_space<hbm>>
      tpu.wait_dma2 semaphore(%arg16 : memref<!tpu.dma_semaphore, #tpu.memory_space<semaphore_mem>>) src(%dma_wait3A_770 : memref<16x128xf32, #tpu.memory_space<hbm>>) dst(%dma_wait3A_767 : memref<16x128xf32, #tpu.memory_space<vmem>>)
      %dma_wait3A_771 = arith.constant 0 : i32
      %dma_wait3A_772 = arith.constant 0 : i32
      %dma_wait3A_773 = arith.constant 0 : i32
      %dma_wait3A_774 = arith.constant 0 : i32
      %dma_wait3A_775 = tpu.memref_slice %arg11[%dma_wait3A_771, %dma_wait3A_772, %dma_wait3A_773, %dma_wait3A_774] : memref<2x16x16x128xf32, #tpu.memory_space<vmem>> -> memref<1x1x16x128xf32, #tpu.memory_space<vmem>>
      %dma_wait3A_776 = tpu.memref_squeeze %dma_wait3A_775 : memref<1x1x16x128xf32, #tpu.memory_space<vmem>> -> memref<16x128xf32, #tpu.memory_space<vmem>>
      %dma_wait3A_777 = arith.constant 0 : i32
      %dma_wait3A_778 = arith.constant 0 : i32
      %dma_wait3A_779 = tpu.memref_slice %arg4[%dma_wait3A_777, %dma_wait3A_778] : memref<16x1000000xf32, #tpu.memory_space<hbm>> -> memref<16x128xf32, #tpu.memory_space<hbm>>
      %dma_wait3A_780 = arith.constant 0 : i32
      %dma_wait3A_781 = arith.constant 0 : i32
      %dma_wait3A_782 = tpu.memref_slice %arg11[%dma_wait3A_771, %dma_wait3A_772, %dma_wait3A_780, %dma_wait3A_781] : memref<2x16x16x128xf32, #tpu.memory_space<vmem>> -> memref<1x1x16x128xf32, #tpu.memory_space<vmem>>
      %dma_wait3A_783 = tpu.memref_squeeze %dma_wait3A_782 : memref<1x1x16x128xf32, #tpu.memory_space<vmem>> -> memref<16x128xf32, #tpu.memory_space<vmem>>
      %dma_wait3A_784 = arith.constant 0 : i32
      %dma_wait3A_785 = arith.constant 0 : i32
      %dma_wait3A_786 = tpu.memref_slice %arg4[%dma_wait3A_784, %dma_wait3A_785] : memref<16x1000000xf32, #tpu.memory_space<hbm>> -> memref<16x128xf32, #tpu.memory_space<hbm>>
      tpu.wait_dma2 semaphore(%arg16 : memref<!tpu.dma_semaphore, #tpu.memory_space<semaphore_mem>>) src(%dma_wait3A_786 : memref<16x128xf32, #tpu.memory_space<hbm>>) dst(%dma_wait3A_783 : memref<16x128xf32, #tpu.memory_space<vmem>>)
      %dma_wait3A_787 = arith.constant 0 : i32
      %dma_wait3A_788 = arith.constant 0 : i32
      %dma_wait3A_789 = arith.constant 0 : i32
      %dma_wait3A_790 = arith.constant 0 : i32
      %dma_wait3A_791 = tpu.memref_slice %arg11[%dma_wait3A_787, %dma_wait3A_788, %dma_wait3A_789, %dma_wait3A_790] : memref<2x16x16x128xf32, #tpu.memory_space<vmem>> -> memref<1x1x16x128xf32, #tpu.memory_space<vmem>>
      %dma_wait3A_792 = tpu.memref_squeeze %dma_wait3A_791 : memref<1x1x16x128xf32, #tpu.memory_space<vmem>> -> memref<16x128xf32, #tpu.memory_space<vmem>>
      %dma_wait3A_793 = arith.constant 0 : i32
      %dma_wait3A_794 = arith.constant 0 : i32
      %dma_wait3A_795 = tpu.memref_slice %arg4[%dma_wait3A_793, %dma_wait3A_794] : memref<16x1000000xf32, #tpu.memory_space<hbm>> -> memref<16x128xf32, #tpu.memory_space<hbm>>
      %dma_wait3A_796 = arith.constant 0 : i32
      %dma_wait3A_797 = arith.constant 0 : i32
      %dma_wait3A_798 = tpu.memref_slice %arg11[%dma_wait3A_787, %dma_wait3A_788, %dma_wait3A_796, %dma_wait3A_797] : memref<2x16x16x128xf32, #tpu.memory_space<vmem>> -> memref<1x1x16x128xf32, #tpu.memory_space<vmem>>
      %dma_wait3A_799 = tpu.memref_squeeze %dma_wait3A_798 : memref<1x1x16x128xf32, #tpu.memory_space<vmem>> -> memref<16x128xf32, #tpu.memory_space<vmem>>
      %dma_wait3A_800 = arith.constant 0 : i32
      %dma_wait3A_801 = arith.constant 0 : i32
      %dma_wait3A_802 = tpu.memref_slice %arg4[%dma_wait3A_800, %dma_wait3A_801] : memref<16x1000000xf32, #tpu.memory_space<hbm>> -> memref<16x128xf32, #tpu.memory_space<hbm>>
      tpu.wait_dma2 semaphore(%arg16 : memref<!tpu.dma_semaphore, #tpu.memory_space<semaphore_mem>>) src(%dma_wait3A_802 : memref<16x128xf32, #tpu.memory_space<hbm>>) dst(%dma_wait3A_799 : memref<16x128xf32, #tpu.memory_space<vmem>>)
      %dma_wait3A_803 = arith.constant 0 : i32
      %dma_wait3A_804 = arith.constant 0 : i32
      %dma_wait3A_805 = arith.constant 0 : i32
      %dma_wait3A_806 = arith.constant 0 : i32
      %dma_wait3A_807 = tpu.memref_slice %arg11[%dma_wait3A_803, %dma_wait3A_804, %dma_wait3A_805, %dma_wait3A_806] : memref<2x16x16x128xf32, #tpu.memory_space<vmem>> -> memref<1x1x16x128xf32, #tpu.memory_space<vmem>>
      %dma_wait3A_808 = tpu.memref_squeeze %dma_wait3A_807 : memref<1x1x16x128xf32, #tpu.memory_space<vmem>> -> memref<16x128xf32, #tpu.memory_space<vmem>>
      %dma_wait3A_809 = arith.constant 0 : i32
      %dma_wait3A_810 = arith.constant 0 : i32
      %dma_wait3A_811 = tpu.memref_slice %arg4[%dma_wait3A_809, %dma_wait3A_810] : memref<16x1000000xf32, #tpu.memory_space<hbm>> -> memref<16x128xf32, #tpu.memory_space<hbm>>
      %dma_wait3A_812 = arith.constant 0 : i32
      %dma_wait3A_813 = arith.constant 0 : i32
      %dma_wait3A_814 = tpu.memref_slice %arg11[%dma_wait3A_803, %dma_wait3A_804, %dma_wait3A_812, %dma_wait3A_813] : memref<2x16x16x128xf32, #tpu.memory_space<vmem>> -> memref<1x1x16x128xf32, #tpu.memory_space<vmem>>
      %dma_wait3A_815 = tpu.memref_squeeze %dma_wait3A_814 : memref<1x1x16x128xf32, #tpu.memory_space<vmem>> -> memref<16x128xf32, #tpu.memory_space<vmem>>
      %dma_wait3A_816 = arith.constant 0 : i32
      %dma_wait3A_817 = arith.constant 0 : i32
      %dma_wait3A_818 = tpu.memref_slice %arg4[%dma_wait3A_816, %dma_wait3A_817] : memref<16x1000000xf32, #tpu.memory_space<hbm>> -> memref<16x128xf32, #tpu.memory_space<hbm>>
      tpu.wait_dma2 semaphore(%arg16 : memref<!tpu.dma_semaphore, #tpu.memory_space<semaphore_mem>>) src(%dma_wait3A_818 : memref<16x128xf32, #tpu.memory_space<hbm>>) dst(%dma_wait3A_815 : memref<16x128xf32, #tpu.memory_space<vmem>>)
      %dma_wait3A_819 = arith.constant 0 : i32
      %dma_wait3A_820 = arith.constant 0 : i32
      %dma_wait3A_821 = arith.constant 0 : i32
      %dma_wait3A_822 = arith.constant 0 : i32
      %dma_wait3A_823 = tpu.memref_slice %arg11[%dma_wait3A_819, %dma_wait3A_820, %dma_wait3A_821, %dma_wait3A_822] : memref<2x16x16x128xf32, #tpu.memory_space<vmem>> -> memref<1x1x16x128xf32, #tpu.memory_space<vmem>>
      %dma_wait3A_824 = tpu.memref_squeeze %dma_wait3A_823 : memref<1x1x16x128xf32, #tpu.memory_space<vmem>> -> memref<16x128xf32, #tpu.memory_space<vmem>>
      %dma_wait3A_825 = arith.constant 0 : i32
      %dma_wait3A_826 = arith.constant 0 : i32
      %dma_wait3A_827 = tpu.memref_slice %arg4[%dma_wait3A_825, %dma_wait3A_826] : memref<16x1000000xf32, #tpu.memory_space<hbm>> -> memref<16x128xf32, #tpu.memory_space<hbm>>
      %dma_wait3A_828 = arith.constant 0 : i32
      %dma_wait3A_829 = arith.constant 0 : i32
      %dma_wait3A_830 = tpu.memref_slice %arg11[%dma_wait3A_819, %dma_wait3A_820, %dma_wait3A_828, %dma_wait3A_829] : memref<2x16x16x128xf32, #tpu.memory_space<vmem>> -> memref<1x1x16x128xf32, #tpu.memory_space<vmem>>
      %dma_wait3A_831 = tpu.memref_squeeze %dma_wait3A_830 : memref<1x1x16x128xf32, #tpu.memory_space<vmem>> -> memref<16x128xf32, #tpu.memory_space<vmem>>
      %dma_wait3A_832 = arith.constant 0 : i32
      %dma_wait3A_833 = arith.constant 0 : i32
      %dma_wait3A_834 = tpu.memref_slice %arg4[%dma_wait3A_832, %dma_wait3A_833] : memref<16x1000000xf32, #tpu.memory_space<hbm>> -> memref<16x128xf32, #tpu.memory_space<hbm>>
      tpu.wait_dma2 semaphore(%arg16 : memref<!tpu.dma_semaphore, #tpu.memory_space<semaphore_mem>>) src(%dma_wait3A_834 : memref<16x128xf32, #tpu.memory_space<hbm>>) dst(%dma_wait3A_831 : memref<16x128xf32, #tpu.memory_space<vmem>>)
      %mul3A_835 = arith.constant 16 : i32
      %mul3A_836 = arith.muli %scan3A_575, %mul3A_835 : i32
      %get3A_837 = arith.index_cast %mul3A_836 : i32 to index
      %get3A_838 = tpu.vector_load %arg9[%get3A_837] {strides = array<i32>} : memref<512xi32, #tpu.memory_space<vmem>>, vector<16xi32>,
      %and3A_839 = arith.constant 127 : i32
      %and3A_840 = vector.broadcast %and3A_839 : i32 to vector<16xi32>
      %and3A_841 = arith.andi %get3A_838, %and3A_840 : vector<16xi32>
      %broadcast_in_dim3A = vector.broadcast %and3A_576 : i32 to vector<16xi32>
      %mul3A_842 = arith.constant 16 : i32
      %mul3A_843 = arith.muli %scan3A_575, %mul3A_842 : i32
      %broadcast_in_dim3A_844 = arith.constant 0 : i32
      %broadcast_in_dim3A_845 = vector.broadcast %broadcast_in_dim3A_844 : i32 to vector<16xi32>
      %gather3A = tpu.vector_load_idx %arg11[%broadcast_in_dim3A, %iota3A, %broadcast_in_dim3A_845, %and3A_841] : memref<2x16x16x128xf32, #tpu.memory_space<vmem>>[vector<16xi32>, vector<16xi32>, vector<16xi32>, vector<16xi32>], vector<16xf32>,
      %swap3A = arith.constant 0 : i32
      %swap3A_846 = arith.index_cast %swap3A : i32 to index
      %swap3A_847 = arith.index_cast %mul3A_843 : i32 to index
      %swap3A_848 = tpu.vector_load %arg12[%swap3A_846, %swap3A_847] {strides = array<i32>} : memref<16x512xf32, #tpu.memory_space<vmem>>, vector<16xf32>,
      tpu.vector_store %arg12[%swap3A_846, %swap3A_847], %gather3A {strides = array<i32>} : memref<16x512xf32, #tpu.memory_space<vmem>>, vector<16xf32>,
      %broadcast_in_dim3A_849 = arith.constant 1 : i32
      %broadcast_in_dim3A_850 = vector.broadcast %broadcast_in_dim3A_849 : i32 to vector<16xi32>
      %gather3A_851 = tpu.vector_load_idx %arg11[%broadcast_in_dim3A, %iota3A, %broadcast_in_dim3A_850, %and3A_841] : memref<2x16x16x128xf32, #tpu.memory_space<vmem>>[vector<16xi32>, vector<16xi32>, vector<16xi32>, vector<16xi32>], vector<16xf32>,
      %swap3A_852 = arith.constant 1 : i32
      %swap3A_853 = arith.index_cast %swap3A_852 : i32 to index
      %swap3A_854 = arith.index_cast %mul3A_843 : i32 to index
      %swap3A_855 = tpu.vector_load %arg12[%swap3A_853, %swap3A_854] {strides = array<i32>} : memref<16x512xf32, #tpu.memory_space<vmem>>, vector<16xf32>,
      tpu.vector_store %arg12[%swap3A_853, %swap3A_854], %gather3A_851 {strides = array<i32>} : memref<16x512xf32, #tpu.memory_space<vmem>>, vector<16xf32>,
      %broadcast_in_dim3A_856 = arith.constant 2 : i32
      %broadcast_in_dim3A_857 = vector.broadcast %broadcast_in_dim3A_856 : i32 to vector<16xi32>
      %gather3A_858 = tpu.vector_load_idx %arg11[%broadcast_in_dim3A, %iota3A, %broadcast_in_dim3A_857, %and3A_841] : memref<2x16x16x128xf32, #tpu.memory_space<vmem>>[vector<16xi32>, vector<16xi32>, vector<16xi32>, vector<16xi32>], vector<16xf32>,
      %swap3A_859 = arith.constant 2 : i32
      %swap3A_860 = arith.index_cast %swap3A_859 : i32 to index
      %swap3A_861 = arith.index_cast %mul3A_843 : i32 to index
      %swap3A_862 = tpu.vector_load %arg12[%swap3A_860, %swap3A_861] {strides = array<i32>} : memref<16x512xf32, #tpu.memory_space<vmem>>, vector<16xf32>,
      tpu.vector_store %arg12[%swap3A_860, %swap3A_861], %gather3A_858 {strides = array<i32>} : memref<16x512xf32, #tpu.memory_space<vmem>>, vector<16xf32>,
      %broadcast_in_dim3A_863 = arith.constant 3 : i32
      %broadcast_in_dim3A_864 = vector.broadcast %broadcast_in_dim3A_863 : i32 to vector<16xi32>
      %gather3A_865 = tpu.vector_load_idx %arg11[%broadcast_in_dim3A, %iota3A, %broadcast_in_dim3A_864, %and3A_841] : memref<2x16x16x128xf32, #tpu.memory_space<vmem>>[vector<16xi32>, vector<16xi32>, vector<16xi32>, vector<16xi32>], vector<16xf32>,
      %swap3A_866 = arith.constant 3 : i32
      %swap3A_867 = arith.index_cast %swap3A_866 : i32 to index
      %swap3A_868 = arith.index_cast %mul3A_843 : i32 to index
      %swap3A_869 = tpu.vector_load %arg12[%swap3A_867, %swap3A_868] {strides = array<i32>} : memref<16x512xf32, #tpu.memory_space<vmem>>, vector<16xf32>,
      tpu.vector_store %arg12[%swap3A_867, %swap3A_868], %gather3A_865 {strides = array<i32>} : memref<16x512xf32, #tpu.memory_space<vmem>>, vector<16xf32>,
      %broadcast_in_dim3A_870 = arith.constant 4 : i32
      %broadcast_in_dim3A_871 = vector.broadcast %broadcast_in_dim3A_870 : i32 to vector<16xi32>
      %gather3A_872 = tpu.vector_load_idx %arg11[%broadcast_in_dim3A, %iota3A, %broadcast_in_dim3A_871, %and3A_841] : memref<2x16x16x128xf32, #tpu.memory_space<vmem>>[vector<16xi32>, vector<16xi32>, vector<16xi32>, vector<16xi32>], vector<16xf32>,
      %swap3A_873 = arith.constant 4 : i32
      %swap3A_874 = arith.index_cast %swap3A_873 : i32 to index
      %swap3A_875 = arith.index_cast %mul3A_843 : i32 to index
      %swap3A_876 = tpu.vector_load %arg12[%swap3A_874, %swap3A_875] {strides = array<i32>} : memref<16x512xf32, #tpu.memory_space<vmem>>, vector<16xf32>,
      tpu.vector_store %arg12[%swap3A_874, %swap3A_875], %gather3A_872 {strides = array<i32>} : memref<16x512xf32, #tpu.memory_space<vmem>>, vector<16xf32>,
      %broadcast_in_dim3A_877 = arith.constant 5 : i32
      %broadcast_in_dim3A_878 = vector.broadcast %broadcast_in_dim3A_877 : i32 to vector<16xi32>
      %gather3A_879 = tpu.vector_load_idx %arg11[%broadcast_in_dim3A, %iota3A, %broadcast_in_dim3A_878, %and3A_841] : memref<2x16x16x128xf32, #tpu.memory_space<vmem>>[vector<16xi32>, vector<16xi32>, vector<16xi32>, vector<16xi32>], vector<16xf32>,
      %swap3A_880 = arith.constant 5 : i32
      %swap3A_881 = arith.index_cast %swap3A_880 : i32 to index
      %swap3A_882 = arith.index_cast %mul3A_843 : i32 to index
      %swap3A_883 = tpu.vector_load %arg12[%swap3A_881, %swap3A_882] {strides = array<i32>} : memref<16x512xf32, #tpu.memory_space<vmem>>, vector<16xf32>,
      tpu.vector_store %arg12[%swap3A_881, %swap3A_882], %gather3A_879 {strides = array<i32>} : memref<16x512xf32, #tpu.memory_space<vmem>>, vector<16xf32>,
      %broadcast_in_dim3A_884 = arith.constant 6 : i32
      %broadcast_in_dim3A_885 = vector.broadcast %broadcast_in_dim3A_884 : i32 to vector<16xi32>
      %gather3A_886 = tpu.vector_load_idx %arg11[%broadcast_in_dim3A, %iota3A, %broadcast_in_dim3A_885, %and3A_841] : memref<2x16x16x128xf32, #tpu.memory_space<vmem>>[vector<16xi32>, vector<16xi32>, vector<16xi32>, vector<16xi32>], vector<16xf32>,
      %swap3A_887 = arith.constant 6 : i32
      %swap3A_888 = arith.index_cast %swap3A_887 : i32 to index
      %swap3A_889 = arith.index_cast %mul3A_843 : i32 to index
      %swap3A_890 = tpu.vector_load %arg12[%swap3A_888, %swap3A_889] {strides = array<i32>} : memref<16x512xf32, #tpu.memory_space<vmem>>, vector<16xf32>,
      tpu.vector_store %arg12[%swap3A_888, %swap3A_889], %gather3A_886 {strides = array<i32>} : memref<16x512xf32, #tpu.memory_space<vmem>>, vector<16xf32>,
      %broadcast_in_dim3A_891 = arith.constant 7 : i32
      %broadcast_in_dim3A_892 = vector.broadcast %broadcast_in_dim3A_891 : i32 to vector<16xi32>
      %gather3A_893 = tpu.vector_load_idx %arg11[%broadcast_in_dim3A, %iota3A, %broadcast_in_dim3A_892, %and3A_841] : memref<2x16x16x128xf32, #tpu.memory_space<vmem>>[vector<16xi32>, vector<16xi32>, vector<16xi32>, vector<16xi32>], vector<16xf32>,
      %swap3A_894 = arith.constant 7 : i32
      %swap3A_895 = arith.index_cast %swap3A_894 : i32 to index
      %swap3A_896 = arith.index_cast %mul3A_843 : i32 to index
      %swap3A_897 = tpu.vector_load %arg12[%swap3A_895, %swap3A_896] {strides = array<i32>} : memref<16x512xf32, #tpu.memory_space<vmem>>, vector<16xf32>,
      tpu.vector_store %arg12[%swap3A_895, %swap3A_896], %gather3A_893 {strides = array<i32>} : memref<16x512xf32, #tpu.memory_space<vmem>>, vector<16xf32>,
      %broadcast_in_dim3A_898 = arith.constant 8 : i32
      %broadcast_in_dim3A_899 = vector.broadcast %broadcast_in_dim3A_898 : i32 to vector<16xi32>
      %gather3A_900 = tpu.vector_load_idx %arg11[%broadcast_in_dim3A, %iota3A, %broadcast_in_dim3A_899, %and3A_841] : memref<2x16x16x128xf32, #tpu.memory_space<vmem>>[vector<16xi32>, vector<16xi32>, vector<16xi32>, vector<16xi32>], vector<16xf32>,
      %swap3A_901 = arith.constant 8 : i32
      %swap3A_902 = arith.index_cast %swap3A_901 : i32 to index
      %swap3A_903 = arith.index_cast %mul3A_843 : i32 to index
      %swap3A_904 = tpu.vector_load %arg12[%swap3A_902, %swap3A_903] {strides = array<i32>} : memref<16x512xf32, #tpu.memory_space<vmem>>, vector<16xf32>,
      tpu.vector_store %arg12[%swap3A_902, %swap3A_903], %gather3A_900 {strides = array<i32>} : memref<16x512xf32, #tpu.memory_space<vmem>>, vector<16xf32>,
      %broadcast_in_dim3A_905 = arith.constant 9 : i32
      %broadcast_in_dim3A_906 = vector.broadcast %broadcast_in_dim3A_905 : i32 to vector<16xi32>
      %gather3A_907 = tpu.vector_load_idx %arg11[%broadcast_in_dim3A, %iota3A, %broadcast_in_dim3A_906, %and3A_841] : memref<2x16x16x128xf32, #tpu.memory_space<vmem>>[vector<16xi32>, vector<16xi32>, vector<16xi32>, vector<16xi32>], vector<16xf32>,
      %swap3A_908 = arith.constant 9 : i32
      %swap3A_909 = arith.index_cast %swap3A_908 : i32 to index
      %swap3A_910 = arith.index_cast %mul3A_843 : i32 to index
      %swap3A_911 = tpu.vector_load %arg12[%swap3A_909, %swap3A_910] {strides = array<i32>} : memref<16x512xf32, #tpu.memory_space<vmem>>, vector<16xf32>,
      tpu.vector_store %arg12[%swap3A_909, %swap3A_910], %gather3A_907 {strides = array<i32>} : memref<16x512xf32, #tpu.memory_space<vmem>>, vector<16xf32>,
      %broadcast_in_dim3A_912 = arith.constant 10 : i32
      %broadcast_in_dim3A_913 = vector.broadcast %broadcast_in_dim3A_912 : i32 to vector<16xi32>
      %gather3A_914 = tpu.vector_load_idx %arg11[%broadcast_in_dim3A, %iota3A, %broadcast_in_dim3A_913, %and3A_841] : memref<2x16x16x128xf32, #tpu.memory_space<vmem>>[vector<16xi32>, vector<16xi32>, vector<16xi32>, vector<16xi32>], vector<16xf32>,
      %swap3A_915 = arith.constant 10 : i32
      %swap3A_916 = arith.index_cast %swap3A_915 : i32 to index
      %swap3A_917 = arith.index_cast %mul3A_843 : i32 to index
      %swap3A_918 = tpu.vector_load %arg12[%swap3A_916, %swap3A_917] {strides = array<i32>} : memref<16x512xf32, #tpu.memory_space<vmem>>, vector<16xf32>,
      tpu.vector_store %arg12[%swap3A_916, %swap3A_917], %gather3A_914 {strides = array<i32>} : memref<16x512xf32, #tpu.memory_space<vmem>>, vector<16xf32>,
      %broadcast_in_dim3A_919 = arith.constant 11 : i32
      %broadcast_in_dim3A_920 = vector.broadcast %broadcast_in_dim3A_919 : i32 to vector<16xi32>
      %gather3A_921 = tpu.vector_load_idx %arg11[%broadcast_in_dim3A, %iota3A, %broadcast_in_dim3A_920, %and3A_841] : memref<2x16x16x128xf32, #tpu.memory_space<vmem>>[vector<16xi32>, vector<16xi32>, vector<16xi32>, vector<16xi32>], vector<16xf32>,
      %swap3A_922 = arith.constant 11 : i32
      %swap3A_923 = arith.index_cast %swap3A_922 : i32 to index
      %swap3A_924 = arith.index_cast %mul3A_843 : i32 to index
      %swap3A_925 = tpu.vector_load %arg12[%swap3A_923, %swap3A_924] {strides = array<i32>} : memref<16x512xf32, #tpu.memory_space<vmem>>, vector<16xf32>,
      tpu.vector_store %arg12[%swap3A_923, %swap3A_924], %gather3A_921 {strides = array<i32>} : memref<16x512xf32, #tpu.memory_space<vmem>>, vector<16xf32>,
      %broadcast_in_dim3A_926 = arith.constant 12 : i32
      %broadcast_in_dim3A_927 = vector.broadcast %broadcast_in_dim3A_926 : i32 to vector<16xi32>
      %gather3A_928 = tpu.vector_load_idx %arg11[%broadcast_in_dim3A, %iota3A, %broadcast_in_dim3A_927, %and3A_841] : memref<2x16x16x128xf32, #tpu.memory_space<vmem>>[vector<16xi32>, vector<16xi32>, vector<16xi32>, vector<16xi32>], vector<16xf32>,
      %swap3A_929 = arith.constant 12 : i32
      %swap3A_930 = arith.index_cast %swap3A_929 : i32 to index
      %swap3A_931 = arith.index_cast %mul3A_843 : i32 to index
      %swap3A_932 = tpu.vector_load %arg12[%swap3A_930, %swap3A_931] {strides = array<i32>} : memref<16x512xf32, #tpu.memory_space<vmem>>, vector<16xf32>,
      tpu.vector_store %arg12[%swap3A_930, %swap3A_931], %gather3A_928 {strides = array<i32>} : memref<16x512xf32, #tpu.memory_space<vmem>>, vector<16xf32>,
      %broadcast_in_dim3A_933 = arith.constant 13 : i32
      %broadcast_in_dim3A_934 = vector.broadcast %broadcast_in_dim3A_933 : i32 to vector<16xi32>
      %gather3A_935 = tpu.vector_load_idx %arg11[%broadcast_in_dim3A, %iota3A, %broadcast_in_dim3A_934, %and3A_841] : memref<2x16x16x128xf32, #tpu.memory_space<vmem>>[vector<16xi32>, vector<16xi32>, vector<16xi32>, vector<16xi32>], vector<16xf32>,
      %swap3A_936 = arith.constant 13 : i32
      %swap3A_937 = arith.index_cast %swap3A_936 : i32 to index
      %swap3A_938 = arith.index_cast %mul3A_843 : i32 to index
      %swap3A_939 = tpu.vector_load %arg12[%swap3A_937, %swap3A_938] {strides = array<i32>} : memref<16x512xf32, #tpu.memory_space<vmem>>, vector<16xf32>,
      tpu.vector_store %arg12[%swap3A_937, %swap3A_938], %gather3A_935 {strides = array<i32>} : memref<16x512xf32, #tpu.memory_space<vmem>>, vector<16xf32>,
      %broadcast_in_dim3A_940 = arith.constant 14 : i32
      %broadcast_in_dim3A_941 = vector.broadcast %broadcast_in_dim3A_940 : i32 to vector<16xi32>
      %gather3A_942 = tpu.vector_load_idx %arg11[%broadcast_in_dim3A, %iota3A, %broadcast_in_dim3A_941, %and3A_841] : memref<2x16x16x128xf32, #tpu.memory_space<vmem>>[vector<16xi32>, vector<16xi32>, vector<16xi32>, vector<16xi32>], vector<16xf32>,
      %swap3A_943 = arith.constant 14 : i32
      %swap3A_944 = arith.index_cast %swap3A_943 : i32 to index
      %swap3A_945 = arith.index_cast %mul3A_843 : i32 to index
      %swap3A_946 = tpu.vector_load %arg12[%swap3A_944, %swap3A_945] {strides = array<i32>} : memref<16x512xf32, #tpu.memory_space<vmem>>, vector<16xf32>,
      tpu.vector_store %arg12[%swap3A_944, %swap3A_945], %gather3A_942 {strides = array<i32>} : memref<16x512xf32, #tpu.memory_space<vmem>>, vector<16xf32>,
      %broadcast_in_dim3A_947 = arith.constant 15 : i32
      %broadcast_in_dim3A_948 = vector.broadcast %broadcast_in_dim3A_947 : i32 to vector<16xi32>
      %gather3A_949 = tpu.vector_load_idx %arg11[%broadcast_in_dim3A, %iota3A, %broadcast_in_dim3A_948, %and3A_841] : memref<2x16x16x128xf32, #tpu.memory_space<vmem>>[vector<16xi32>, vector<16xi32>, vector<16xi32>, vector<16xi32>], vector<16xf32>,
      %swap3A_950 = arith.constant 15 : i32
      %swap3A_951 = arith.index_cast %swap3A_950 : i32 to index
      %swap3A_952 = arith.index_cast %mul3A_843 : i32 to index
      %swap3A_953 = tpu.vector_load %arg12[%swap3A_951, %swap3A_952] {strides = array<i32>} : memref<16x512xf32, #tpu.memory_space<vmem>>, vector<16xf32>,
      tpu.vector_store %arg12[%swap3A_951, %swap3A_952], %gather3A_949 {strides = array<i32>} : memref<16x512xf32, #tpu.memory_space<vmem>>, vector<16xf32>,
    }
    %scan3A_284 = arith.constant 32 : i32
    %dma_wait3A = arith.constant 0 : i32
    %dma_wait3A_285 = tpu.memref_slice %arg6[%dma_wait3A] : memref<1000000xf32, #tpu.memory_space<hbm>> -> memref<1000000xf32, #tpu.memory_space<hbm>>
    tpu.wait_indirect_dma semaphore(%arg17 : memref<!tpu.dma_semaphore, #tpu.memory_space<semaphore_mem>>) src(%dma_wait3A_285 : memref<1000000xf32, #tpu.memory_space<hbm>>) dst(%arg13 : memref<512xf32, #tpu.memory_space<vmem>>)
    %dma_wait3A_286 = arith.constant 0 : i32
    %dma_wait3A_287 = tpu.memref_slice %arg7[%dma_wait3A_286] : memref<1000000xf32, #tpu.memory_space<hbm>> -> memref<1000000xf32, #tpu.memory_space<hbm>>
    tpu.wait_indirect_dma semaphore(%arg17 : memref<!tpu.dma_semaphore, #tpu.memory_space<semaphore_mem>>) src(%dma_wait3A_287 : memref<1000000xf32, #tpu.memory_space<hbm>>) dst(%arg14 : memref<512xf32, #tpu.memory_space<vmem>>)
    %get3A_288 = arith.constant 0 : index
    %get3A_289 = tpu.vector_load %arg10[%get3A_288] {strides = array<i32>} : memref<512xi32, #tpu.memory_space<vmem>>, vector<16xi32>,
    %shift_right_arithmetic3A_290 = arith.constant 7 : i32
    %shift_right_arithmetic3A_291 = vector.broadcast %shift_right_arithmetic3A_290 : i32 to vector<16xi32>
    %shift_right_arithmetic3A_292 = arith.shrsi %get3A_289, %shift_right_arithmetic3A_291 : vector<16xi32>
    %shift_left3A_293 = arith.constant 7 : i32
    %shift_left3A_294 = vector.broadcast %shift_left3A_293 : i32 to vector<16xi32>
    %shift_left3A_295 = arith.shli %shift_right_arithmetic3A_292, %shift_left3A_294 : vector<16xi32>
    %slice3A_296 = vector.extract_strided_slice %shift_left3A_295 {offsets = [0], sizes = [1], strides = [1]} : vector<16xi32> to vector<1xi32>
    %squeeze3A_297 = vector.extract %slice3A_296[0] : i32 from vector<1xi32>
    %multiple_of3A_298 = tpu.assume_multiple %squeeze3A_297, 128 : i32
    %dma_start3A_299 = arith.constant 0 : i32
    %dma_start3A_300 = arith.constant 0 : i32
    %dma_start3A_301 = arith.constant 0 : i32
    %dma_start3A_302 = arith.constant 0 : i32
    %dma_start3A_303 = tpu.memref_slice %arg11[%dma_start3A_299, %dma_start3A_300, %dma_start3A_301, %dma_start3A_302] : memref<2x16x16x128xf32, #tpu.memory_space<vmem>> -> memref<1x1x16x128xf32, #tpu.memory_space<vmem>>
    %dma_start3A_304 = tpu.memref_squeeze %dma_start3A_303 : memref<1x1x16x128xf32, #tpu.memory_space<vmem>> -> memref<16x128xf32, #tpu.memory_space<vmem>>
    %dma_start3A_305 = arith.constant 0 : i32
    %dma_start3A_306 = tpu.memref_slice %arg5[%dma_start3A_305, %multiple_of3A_298] : memref<16x1000000xf32, #tpu.memory_space<hbm>> -> memref<16x128xf32, #tpu.memory_space<hbm>>
    %dma_start3A_307 = arith.constant 0 : i32
    %dma_start3A_308 = arith.constant 0 : i32
    %dma_start3A_309 = tpu.memref_slice %arg11[%dma_start3A_299, %dma_start3A_300, %dma_start3A_307, %dma_start3A_308] : memref<2x16x16x128xf32, #tpu.memory_space<vmem>> -> memref<1x1x16x128xf32, #tpu.memory_space<vmem>>
    %dma_start3A_310 = tpu.memref_squeeze %dma_start3A_309 : memref<1x1x16x128xf32, #tpu.memory_space<vmem>> -> memref<16x128xf32, #tpu.memory_space<vmem>>
    %dma_start3A_311 = arith.constant 0 : i32
    %dma_start3A_312 = tpu.memref_slice %arg5[%dma_start3A_311, %multiple_of3A_298] : memref<16x1000000xf32, #tpu.memory_space<hbm>> -> memref<16x128xf32, #tpu.memory_space<hbm>>
    tpu.enqueue_dma source(%dma_start3A_312 : memref<16x128xf32, #tpu.memory_space<hbm>>) target(%dma_start3A_310 : memref<16x128xf32, #tpu.memory_space<vmem>>) target_semaphore(%arg16 : memref<!tpu.dma_semaphore, #tpu.memory_space<semaphore_mem>>)
    %slice3A_313 = vector.extract_strided_slice %shift_left3A_295 {offsets = [1], sizes = [1], strides = [1]} : vector<16xi32> to vector<1xi32>
    %squeeze3A_314 = vector.extract %slice3A_313[0] : i32 from vector<1xi32>
    %multiple_of3A_315 = tpu.assume_multiple %squeeze3A_314, 128 : i32
    %dma_start3A_316 = arith.constant 0 : i32
    %dma_start3A_317 = arith.constant 1 : i32
    %dma_start3A_318 = arith.constant 0 : i32
    %dma_start3A_319 = arith.constant 0 : i32
    %dma_start3A_320 = tpu.memref_slice %arg11[%dma_start3A_316, %dma_start3A_317, %dma_start3A_318, %dma_start3A_319] : memref<2x16x16x128xf32, #tpu.memory_space<vmem>> -> memref<1x1x16x128xf32, #tpu.memory_space<vmem>>
    %dma_start3A_321 = tpu.memref_squeeze %dma_start3A_320 : memref<1x1x16x128xf32, #tpu.memory_space<vmem>> -> memref<16x128xf32, #tpu.memory_space<vmem>>
    %dma_start3A_322 = arith.constant 0 : i32
    %dma_start3A_323 = tpu.memref_slice %arg5[%dma_start3A_322, %multiple_of3A_315] : memref<16x1000000xf32, #tpu.memory_space<hbm>> -> memref<16x128xf32, #tpu.memory_space<hbm>>
    %dma_start3A_324 = arith.constant 0 : i32
    %dma_start3A_325 = arith.constant 0 : i32
    %dma_start3A_326 = tpu.memref_slice %arg11[%dma_start3A_316, %dma_start3A_317, %dma_start3A_324, %dma_start3A_325] : memref<2x16x16x128xf32, #tpu.memory_space<vmem>> -> memref<1x1x16x128xf32, #tpu.memory_space<vmem>>
    %dma_start3A_327 = tpu.memref_squeeze %dma_start3A_326 : memref<1x1x16x128xf32, #tpu.memory_space<vmem>> -> memref<16x128xf32, #tpu.memory_space<vmem>>
    %dma_start3A_328 = arith.constant 0 : i32
    %dma_start3A_329 = tpu.memref_slice %arg5[%dma_start3A_328, %multiple_of3A_315] : memref<16x1000000xf32, #tpu.memory_space<hbm>> -> memref<16x128xf32, #tpu.memory_space<hbm>>
    tpu.enqueue_dma source(%dma_start3A_329 : memref<16x128xf32, #tpu.memory_space<hbm>>) target(%dma_start3A_327 : memref<16x128xf32, #tpu.memory_space<vmem>>) target_semaphore(%arg16 : memref<!tpu.dma_semaphore, #tpu.memory_space<semaphore_mem>>)
    %slice3A_330 = vector.extract_strided_slice %shift_left3A_295 {offsets = [2], sizes = [1], strides = [1]} : vector<16xi32> to vector<1xi32>
    %squeeze3A_331 = vector.extract %slice3A_330[0] : i32 from vector<1xi32>
    %multiple_of3A_332 = tpu.assume_multiple %squeeze3A_331, 128 : i32
    %dma_start3A_333 = arith.constant 0 : i32
    %dma_start3A_334 = arith.constant 2 : i32
    %dma_start3A_335 = arith.constant 0 : i32
    %dma_start3A_336 = arith.constant 0 : i32
    %dma_start3A_337 = tpu.memref_slice %arg11[%dma_start3A_333, %dma_start3A_334, %dma_start3A_335, %dma_start3A_336] : memref<2x16x16x128xf32, #tpu.memory_space<vmem>> -> memref<1x1x16x128xf32, #tpu.memory_space<vmem>>
    %dma_start3A_338 = tpu.memref_squeeze %dma_start3A_337 : memref<1x1x16x128xf32, #tpu.memory_space<vmem>> -> memref<16x128xf32, #tpu.memory_space<vmem>>
    %dma_start3A_339 = arith.constant 0 : i32
    %dma_start3A_340 = tpu.memref_slice %arg5[%dma_start3A_339, %multiple_of3A_332] : memref<16x1000000xf32, #tpu.memory_space<hbm>> -> memref<16x128xf32, #tpu.memory_space<hbm>>
    %dma_start3A_341 = arith.constant 0 : i32
    %dma_start3A_342 = arith.constant 0 : i32
    %dma_start3A_343 = tpu.memref_slice %arg11[%dma_start3A_333, %dma_start3A_334, %dma_start3A_341, %dma_start3A_342] : memref<2x16x16x128xf32, #tpu.memory_space<vmem>> -> memref<1x1x16x128xf32, #tpu.memory_space<vmem>>
    %dma_start3A_344 = tpu.memref_squeeze %dma_start3A_343 : memref<1x1x16x128xf32, #tpu.memory_space<vmem>> -> memref<16x128xf32, #tpu.memory_space<vmem>>
    %dma_start3A_345 = arith.constant 0 : i32
    %dma_start3A_346 = tpu.memref_slice %arg5[%dma_start3A_345, %multiple_of3A_332] : memref<16x1000000xf32, #tpu.memory_space<hbm>> -> memref<16x128xf32, #tpu.memory_space<hbm>>
    tpu.enqueue_dma source(%dma_start3A_346 : memref<16x128xf32, #tpu.memory_space<hbm>>) target(%dma_start3A_344 : memref<16x128xf32, #tpu.memory_space<vmem>>) target_semaphore(%arg16 : memref<!tpu.dma_semaphore, #tpu.memory_space<semaphore_mem>>)
    %slice3A_347 = vector.extract_strided_slice %shift_left3A_295 {offsets = [3], sizes = [1], strides = [1]} : vector<16xi32> to vector<1xi32>
    %squeeze3A_348 = vector.extract %slice3A_347[0] : i32 from vector<1xi32>
    %multiple_of3A_349 = tpu.assume_multiple %squeeze3A_348, 128 : i32
    %dma_start3A_350 = arith.constant 0 : i32
    %dma_start3A_351 = arith.constant 3 : i32
    %dma_start3A_352 = arith.constant 0 : i32
    %dma_start3A_353 = arith.constant 0 : i32
    %dma_start3A_354 = tpu.memref_slice %arg11[%dma_start3A_350, %dma_start3A_351, %dma_start3A_352, %dma_start3A_353] : memref<2x16x16x128xf32, #tpu.memory_space<vmem>> -> memref<1x1x16x128xf32, #tpu.memory_space<vmem>>
    %dma_start3A_355 = tpu.memref_squeeze %dma_start3A_354 : memref<1x1x16x128xf32, #tpu.memory_space<vmem>> -> memref<16x128xf32, #tpu.memory_space<vmem>>
    %dma_start3A_356 = arith.constant 0 : i32
    %dma_start3A_357 = tpu.memref_slice %arg5[%dma_start3A_356, %multiple_of3A_349] : memref<16x1000000xf32, #tpu.memory_space<hbm>> -> memref<16x128xf32, #tpu.memory_space<hbm>>
    %dma_start3A_358 = arith.constant 0 : i32
    %dma_start3A_359 = arith.constant 0 : i32
    %dma_start3A_360 = tpu.memref_slice %arg11[%dma_start3A_350, %dma_start3A_351, %dma_start3A_358, %dma_start3A_359] : memref<2x16x16x128xf32, #tpu.memory_space<vmem>> -> memref<1x1x16x128xf32, #tpu.memory_space<vmem>>
    %dma_start3A_361 = tpu.memref_squeeze %dma_start3A_360 : memref<1x1x16x128xf32, #tpu.memory_space<vmem>> -> memref<16x128xf32, #tpu.memory_space<vmem>>
    %dma_start3A_362 = arith.constant 0 : i32
    %dma_start3A_363 = tpu.memref_slice %arg5[%dma_start3A_362, %multiple_of3A_349] : memref<16x1000000xf32, #tpu.memory_space<hbm>> -> memref<16x128xf32, #tpu.memory_space<hbm>>
    tpu.enqueue_dma source(%dma_start3A_363 : memref<16x128xf32, #tpu.memory_space<hbm>>) target(%dma_start3A_361 : memref<16x128xf32, #tpu.memory_space<vmem>>) target_semaphore(%arg16 : memref<!tpu.dma_semaphore, #tpu.memory_space<semaphore_mem>>)
    %slice3A_364 = vector.extract_strided_slice %shift_left3A_295 {offsets = [4], sizes = [1], strides = [1]} : vector<16xi32> to vector<1xi32>
    %squeeze3A_365 = vector.extract %slice3A_364[0] : i32 from vector<1xi32>
    %multiple_of3A_366 = tpu.assume_multiple %squeeze3A_365, 128 : i32
    %dma_start3A_367 = arith.constant 0 : i32
    %dma_start3A_368 = arith.constant 4 : i32
    %dma_start3A_369 = arith.constant 0 : i32
    %dma_start3A_370 = arith.constant 0 : i32
    %dma_start3A_371 = tpu.memref_slice %arg11[%dma_start3A_367, %dma_start3A_368, %dma_start3A_369, %dma_start3A_370] : memref<2x16x16x128xf32, #tpu.memory_space<vmem>> -> memref<1x1x16x128xf32, #tpu.memory_space<vmem>>
    %dma_start3A_372 = tpu.memref_squeeze %dma_start3A_371 : memref<1x1x16x128xf32, #tpu.memory_space<vmem>> -> memref<16x128xf32, #tpu.memory_space<vmem>>
    %dma_start3A_373 = arith.constant 0 : i32
    %dma_start3A_374 = tpu.memref_slice %arg5[%dma_start3A_373, %multiple_of3A_366] : memref<16x1000000xf32, #tpu.memory_space<hbm>> -> memref<16x128xf32, #tpu.memory_space<hbm>>
    %dma_start3A_375 = arith.constant 0 : i32
    %dma_start3A_376 = arith.constant 0 : i32
    %dma_start3A_377 = tpu.memref_slice %arg11[%dma_start3A_367, %dma_start3A_368, %dma_start3A_375, %dma_start3A_376] : memref<2x16x16x128xf32, #tpu.memory_space<vmem>> -> memref<1x1x16x128xf32, #tpu.memory_space<vmem>>
    %dma_start3A_378 = tpu.memref_squeeze %dma_start3A_377 : memref<1x1x16x128xf32, #tpu.memory_space<vmem>> -> memref<16x128xf32, #tpu.memory_space<vmem>>
    %dma_start3A_379 = arith.constant 0 : i32
    %dma_start3A_380 = tpu.memref_slice %arg5[%dma_start3A_379, %multiple_of3A_366] : memref<16x1000000xf32, #tpu.memory_space<hbm>> -> memref<16x128xf32, #tpu.memory_space<hbm>>
    tpu.enqueue_dma source(%dma_start3A_380 : memref<16x128xf32, #tpu.memory_space<hbm>>) target(%dma_start3A_378 : memref<16x128xf32, #tpu.memory_space<vmem>>) target_semaphore(%arg16 : memref<!tpu.dma_semaphore, #tpu.memory_space<semaphore_mem>>)
    %slice3A_381 = vector.extract_strided_slice %shift_left3A_295 {offsets = [5], sizes = [1], strides = [1]} : vector<16xi32> to vector<1xi32>
    %squeeze3A_382 = vector.extract %slice3A_381[0] : i32 from vector<1xi32>
    %multiple_of3A_383 = tpu.assume_multiple %squeeze3A_382, 128 : i32
    %dma_start3A_384 = arith.constant 0 : i32
    %dma_start3A_385 = arith.constant 5 : i32
    %dma_start3A_386 = arith.constant 0 : i32
    %dma_start3A_387 = arith.constant 0 : i32
    %dma_start3A_388 = tpu.memref_slice %arg11[%dma_start3A_384, %dma_start3A_385, %dma_start3A_386, %dma_start3A_387] : memref<2x16x16x128xf32, #tpu.memory_space<vmem>> -> memref<1x1x16x128xf32, #tpu.memory_space<vmem>>
    %dma_start3A_389 = tpu.memref_squeeze %dma_start3A_388 : memref<1x1x16x128xf32, #tpu.memory_space<vmem>> -> memref<16x128xf32, #tpu.memory_space<vmem>>
    %dma_start3A_390 = arith.constant 0 : i32
    %dma_start3A_391 = tpu.memref_slice %arg5[%dma_start3A_390, %multiple_of3A_383] : memref<16x1000000xf32, #tpu.memory_space<hbm>> -> memref<16x128xf32, #tpu.memory_space<hbm>>
    %dma_start3A_392 = arith.constant 0 : i32
    %dma_start3A_393 = arith.constant 0 : i32
    %dma_start3A_394 = tpu.memref_slice %arg11[%dma_start3A_384, %dma_start3A_385, %dma_start3A_392, %dma_start3A_393] : memref<2x16x16x128xf32, #tpu.memory_space<vmem>> -> memref<1x1x16x128xf32, #tpu.memory_space<vmem>>
    %dma_start3A_395 = tpu.memref_squeeze %dma_start3A_394 : memref<1x1x16x128xf32, #tpu.memory_space<vmem>> -> memref<16x128xf32, #tpu.memory_space<vmem>>
    %dma_start3A_396 = arith.constant 0 : i32
    %dma_start3A_397 = tpu.memref_slice %arg5[%dma_start3A_396, %multiple_of3A_383] : memref<16x1000000xf32, #tpu.memory_space<hbm>> -> memref<16x128xf32, #tpu.memory_space<hbm>>
    tpu.enqueue_dma source(%dma_start3A_397 : memref<16x128xf32, #tpu.memory_space<hbm>>) target(%dma_start3A_395 : memref<16x128xf32, #tpu.memory_space<vmem>>) target_semaphore(%arg16 : memref<!tpu.dma_semaphore, #tpu.memory_space<semaphore_mem>>)
    %slice3A_398 = vector.extract_strided_slice %shift_left3A_295 {offsets = [6], sizes = [1], strides = [1]} : vector<16xi32> to vector<1xi32>
    %squeeze3A_399 = vector.extract %slice3A_398[0] : i32 from vector<1xi32>
    %multiple_of3A_400 = tpu.assume_multiple %squeeze3A_399, 128 : i32
    %dma_start3A_401 = arith.constant 0 : i32
    %dma_start3A_402 = arith.constant 6 : i32
    %dma_start3A_403 = arith.constant 0 : i32
    %dma_start3A_404 = arith.constant 0 : i32
    %dma_start3A_405 = tpu.memref_slice %arg11[%dma_start3A_401, %dma_start3A_402, %dma_start3A_403, %dma_start3A_404] : memref<2x16x16x128xf32, #tpu.memory_space<vmem>> -> memref<1x1x16x128xf32, #tpu.memory_space<vmem>>
    %dma_start3A_406 = tpu.memref_squeeze %dma_start3A_405 : memref<1x1x16x128xf32, #tpu.memory_space<vmem>> -> memref<16x128xf32, #tpu.memory_space<vmem>>
    %dma_start3A_407 = arith.constant 0 : i32
    %dma_start3A_408 = tpu.memref_slice %arg5[%dma_start3A_407, %multiple_of3A_400] : memref<16x1000000xf32, #tpu.memory_space<hbm>> -> memref<16x128xf32, #tpu.memory_space<hbm>>
    %dma_start3A_409 = arith.constant 0 : i32
    %dma_start3A_410 = arith.constant 0 : i32
    %dma_start3A_411 = tpu.memref_slice %arg11[%dma_start3A_401, %dma_start3A_402, %dma_start3A_409, %dma_start3A_410] : memref<2x16x16x128xf32, #tpu.memory_space<vmem>> -> memref<1x1x16x128xf32, #tpu.memory_space<vmem>>
    %dma_start3A_412 = tpu.memref_squeeze %dma_start3A_411 : memref<1x1x16x128xf32, #tpu.memory_space<vmem>> -> memref<16x128xf32, #tpu.memory_space<vmem>>
    %dma_start3A_413 = arith.constant 0 : i32
    %dma_start3A_414 = tpu.memref_slice %arg5[%dma_start3A_413, %multiple_of3A_400] : memref<16x1000000xf32, #tpu.memory_space<hbm>> -> memref<16x128xf32, #tpu.memory_space<hbm>>
    tpu.enqueue_dma source(%dma_start3A_414 : memref<16x128xf32, #tpu.memory_space<hbm>>) target(%dma_start3A_412 : memref<16x128xf32, #tpu.memory_space<vmem>>) target_semaphore(%arg16 : memref<!tpu.dma_semaphore, #tpu.memory_space<semaphore_mem>>)
    %slice3A_415 = vector.extract_strided_slice %shift_left3A_295 {offsets = [7], sizes = [1], strides = [1]} : vector<16xi32> to vector<1xi32>
    %squeeze3A_416 = vector.extract %slice3A_415[0] : i32 from vector<1xi32>
    %multiple_of3A_417 = tpu.assume_multiple %squeeze3A_416, 128 : i32
    %dma_start3A_418 = arith.constant 0 : i32
    %dma_start3A_419 = arith.constant 7 : i32
    %dma_start3A_420 = arith.constant 0 : i32
    %dma_start3A_421 = arith.constant 0 : i32
    %dma_start3A_422 = tpu.memref_slice %arg11[%dma_start3A_418, %dma_start3A_419, %dma_start3A_420, %dma_start3A_421] : memref<2x16x16x128xf32, #tpu.memory_space<vmem>> -> memref<1x1x16x128xf32, #tpu.memory_space<vmem>>
    %dma_start3A_423 = tpu.memref_squeeze %dma_start3A_422 : memref<1x1x16x128xf32, #tpu.memory_space<vmem>> -> memref<16x128xf32, #tpu.memory_space<vmem>>
    %dma_start3A_424 = arith.constant 0 : i32
    %dma_start3A_425 = tpu.memref_slice %arg5[%dma_start3A_424, %multiple_of3A_417] : memref<16x1000000xf32, #tpu.memory_space<hbm>> -> memref<16x128xf32, #tpu.memory_space<hbm>>
    %dma_start3A_426 = arith.constant 0 : i32
    %dma_start3A_427 = arith.constant 0 : i32
    %dma_start3A_428 = tpu.memref_slice %arg11[%dma_start3A_418, %dma_start3A_419, %dma_start3A_426, %dma_start3A_427] : memref<2x16x16x128xf32, #tpu.memory_space<vmem>> -> memref<1x1x16x128xf32, #tpu.memory_space<vmem>>
    %dma_start3A_429 = tpu.memref_squeeze %dma_start3A_428 : memref<1x1x16x128xf32, #tpu.memory_space<vmem>> -> memref<16x128xf32, #tpu.memory_space<vmem>>
    %dma_start3A_430 = arith.constant 0 : i32
    %dma_start3A_431 = tpu.memref_slice %arg5[%dma_start3A_430, %multiple_of3A_417] : memref<16x1000000xf32, #tpu.memory_space<hbm>> -> memref<16x128xf32, #tpu.memory_space<hbm>>
    tpu.enqueue_dma source(%dma_start3A_431 : memref<16x128xf32, #tpu.memory_space<hbm>>) target(%dma_start3A_429 : memref<16x128xf32, #tpu.memory_space<vmem>>) target_semaphore(%arg16 : memref<!tpu.dma_semaphore, #tpu.memory_space<semaphore_mem>>)
    %slice3A_432 = vector.extract_strided_slice %shift_left3A_295 {offsets = [8], sizes = [1], strides = [1]} : vector<16xi32> to vector<1xi32>
    %squeeze3A_433 = vector.extract %slice3A_432[0] : i32 from vector<1xi32>
    %multiple_of3A_434 = tpu.assume_multiple %squeeze3A_433, 128 : i32
    %dma_start3A_435 = arith.constant 0 : i32
    %dma_start3A_436 = arith.constant 8 : i32
    %dma_start3A_437 = arith.constant 0 : i32
    %dma_start3A_438 = arith.constant 0 : i32
    %dma_start3A_439 = tpu.memref_slice %arg11[%dma_start3A_435, %dma_start3A_436, %dma_start3A_437, %dma_start3A_438] : memref<2x16x16x128xf32, #tpu.memory_space<vmem>> -> memref<1x1x16x128xf32, #tpu.memory_space<vmem>>
    %dma_start3A_440 = tpu.memref_squeeze %dma_start3A_439 : memref<1x1x16x128xf32, #tpu.memory_space<vmem>> -> memref<16x128xf32, #tpu.memory_space<vmem>>
    %dma_start3A_441 = arith.constant 0 : i32
    %dma_start3A_442 = tpu.memref_slice %arg5[%dma_start3A_441, %multiple_of3A_434] : memref<16x1000000xf32, #tpu.memory_space<hbm>> -> memref<16x128xf32, #tpu.memory_space<hbm>>
    %dma_start3A_443 = arith.constant 0 : i32
    %dma_start3A_444 = arith.constant 0 : i32
    %dma_start3A_445 = tpu.memref_slice %arg11[%dma_start3A_435, %dma_start3A_436, %dma_start3A_443, %dma_start3A_444] : memref<2x16x16x128xf32, #tpu.memory_space<vmem>> -> memref<1x1x16x128xf32, #tpu.memory_space<vmem>>
    %dma_start3A_446 = tpu.memref_squeeze %dma_start3A_445 : memref<1x1x16x128xf32, #tpu.memory_space<vmem>> -> memref<16x128xf32, #tpu.memory_space<vmem>>
    %dma_start3A_447 = arith.constant 0 : i32
    %dma_start3A_448 = tpu.memref_slice %arg5[%dma_start3A_447, %multiple_of3A_434] : memref<16x1000000xf32, #tpu.memory_space<hbm>> -> memref<16x128xf32, #tpu.memory_space<hbm>>
    tpu.enqueue_dma source(%dma_start3A_448 : memref<16x128xf32, #tpu.memory_space<hbm>>) target(%dma_start3A_446 : memref<16x128xf32, #tpu.memory_space<vmem>>) target_semaphore(%arg16 : memref<!tpu.dma_semaphore, #tpu.memory_space<semaphore_mem>>)
    %slice3A_449 = vector.extract_strided_slice %shift_left3A_295 {offsets = [9], sizes = [1], strides = [1]} : vector<16xi32> to vector<1xi32>
    %squeeze3A_450 = vector.extract %slice3A_449[0] : i32 from vector<1xi32>
    %multiple_of3A_451 = tpu.assume_multiple %squeeze3A_450, 128 : i32
    %dma_start3A_452 = arith.constant 0 : i32
    %dma_start3A_453 = arith.constant 9 : i32
    %dma_start3A_454 = arith.constant 0 : i32
    %dma_start3A_455 = arith.constant 0 : i32
    %dma_start3A_456 = tpu.memref_slice %arg11[%dma_start3A_452, %dma_start3A_453, %dma_start3A_454, %dma_start3A_455] : memref<2x16x16x128xf32, #tpu.memory_space<vmem>> -> memref<1x1x16x128xf32, #tpu.memory_space<vmem>>
    %dma_start3A_457 = tpu.memref_squeeze %dma_start3A_456 : memref<1x1x16x128xf32, #tpu.memory_space<vmem>> -> memref<16x128xf32, #tpu.memory_space<vmem>>
    %dma_start3A_458 = arith.constant 0 : i32
    %dma_start3A_459 = tpu.memref_slice %arg5[%dma_start3A_458, %multiple_of3A_451] : memref<16x1000000xf32, #tpu.memory_space<hbm>> -> memref<16x128xf32, #tpu.memory_space<hbm>>
    %dma_start3A_460 = arith.constant 0 : i32
    %dma_start3A_461 = arith.constant 0 : i32
    %dma_start3A_462 = tpu.memref_slice %arg11[%dma_start3A_452, %dma_start3A_453, %dma_start3A_460, %dma_start3A_461] : memref<2x16x16x128xf32, #tpu.memory_space<vmem>> -> memref<1x1x16x128xf32, #tpu.memory_space<vmem>>
    %dma_start3A_463 = tpu.memref_squeeze %dma_start3A_462 : memref<1x1x16x128xf32, #tpu.memory_space<vmem>> -> memref<16x128xf32, #tpu.memory_space<vmem>>
    %dma_start3A_464 = arith.constant 0 : i32
    %dma_start3A_465 = tpu.memref_slice %arg5[%dma_start3A_464, %multiple_of3A_451] : memref<16x1000000xf32, #tpu.memory_space<hbm>> -> memref<16x128xf32, #tpu.memory_space<hbm>>
    tpu.enqueue_dma source(%dma_start3A_465 : memref<16x128xf32, #tpu.memory_space<hbm>>) target(%dma_start3A_463 : memref<16x128xf32, #tpu.memory_space<vmem>>) target_semaphore(%arg16 : memref<!tpu.dma_semaphore, #tpu.memory_space<semaphore_mem>>)
    %slice3A_466 = vector.extract_strided_slice %shift_left3A_295 {offsets = [10], sizes = [1], strides = [1]} : vector<16xi32> to vector<1xi32>
    %squeeze3A_467 = vector.extract %slice3A_466[0] : i32 from vector<1xi32>
    %multiple_of3A_468 = tpu.assume_multiple %squeeze3A_467, 128 : i32
    %dma_start3A_469 = arith.constant 0 : i32
    %dma_start3A_470 = arith.constant 10 : i32
    %dma_start3A_471 = arith.constant 0 : i32
    %dma_start3A_472 = arith.constant 0 : i32
    %dma_start3A_473 = tpu.memref_slice %arg11[%dma_start3A_469, %dma_start3A_470, %dma_start3A_471, %dma_start3A_472] : memref<2x16x16x128xf32, #tpu.memory_space<vmem>> -> memref<1x1x16x128xf32, #tpu.memory_space<vmem>>
    %dma_start3A_474 = tpu.memref_squeeze %dma_start3A_473 : memref<1x1x16x128xf32, #tpu.memory_space<vmem>> -> memref<16x128xf32, #tpu.memory_space<vmem>>
    %dma_start3A_475 = arith.constant 0 : i32
    %dma_start3A_476 = tpu.memref_slice %arg5[%dma_start3A_475, %multiple_of3A_468] : memref<16x1000000xf32, #tpu.memory_space<hbm>> -> memref<16x128xf32, #tpu.memory_space<hbm>>
    %dma_start3A_477 = arith.constant 0 : i32
    %dma_start3A_478 = arith.constant 0 : i32
    %dma_start3A_479 = tpu.memref_slice %arg11[%dma_start3A_469, %dma_start3A_470, %dma_start3A_477, %dma_start3A_478] : memref<2x16x16x128xf32, #tpu.memory_space<vmem>> -> memref<1x1x16x128xf32, #tpu.memory_space<vmem>>
    %dma_start3A_480 = tpu.memref_squeeze %dma_start3A_479 : memref<1x1x16x128xf32, #tpu.memory_space<vmem>> -> memref<16x128xf32, #tpu.memory_space<vmem>>
    %dma_start3A_481 = arith.constant 0 : i32
    %dma_start3A_482 = tpu.memref_slice %arg5[%dma_start3A_481, %multiple_of3A_468] : memref<16x1000000xf32, #tpu.memory_space<hbm>> -> memref<16x128xf32, #tpu.memory_space<hbm>>
    tpu.enqueue_dma source(%dma_start3A_482 : memref<16x128xf32, #tpu.memory_space<hbm>>) target(%dma_start3A_480 : memref<16x128xf32, #tpu.memory_space<vmem>>) target_semaphore(%arg16 : memref<!tpu.dma_semaphore, #tpu.memory_space<semaphore_mem>>)
    %slice3A_483 = vector.extract_strided_slice %shift_left3A_295 {offsets = [11], sizes = [1], strides = [1]} : vector<16xi32> to vector<1xi32>
    %squeeze3A_484 = vector.extract %slice3A_483[0] : i32 from vector<1xi32>
    %multiple_of3A_485 = tpu.assume_multiple %squeeze3A_484, 128 : i32
    %dma_start3A_486 = arith.constant 0 : i32
    %dma_start3A_487 = arith.constant 11 : i32
    %dma_start3A_488 = arith.constant 0 : i32
    %dma_start3A_489 = arith.constant 0 : i32
    %dma_start3A_490 = tpu.memref_slice %arg11[%dma_start3A_486, %dma_start3A_487, %dma_start3A_488, %dma_start3A_489] : memref<2x16x16x128xf32, #tpu.memory_space<vmem>> -> memref<1x1x16x128xf32, #tpu.memory_space<vmem>>
    %dma_start3A_491 = tpu.memref_squeeze %dma_start3A_490 : memref<1x1x16x128xf32, #tpu.memory_space<vmem>> -> memref<16x128xf32, #tpu.memory_space<vmem>>
    %dma_start3A_492 = arith.constant 0 : i32
    %dma_start3A_493 = tpu.memref_slice %arg5[%dma_start3A_492, %multiple_of3A_485] : memref<16x1000000xf32, #tpu.memory_space<hbm>> -> memref<16x128xf32, #tpu.memory_space<hbm>>
    %dma_start3A_494 = arith.constant 0 : i32
    %dma_start3A_495 = arith.constant 0 : i32
    %dma_start3A_496 = tpu.memref_slice %arg11[%dma_start3A_486, %dma_start3A_487, %dma_start3A_494, %dma_start3A_495] : memref<2x16x16x128xf32, #tpu.memory_space<vmem>> -> memref<1x1x16x128xf32, #tpu.memory_space<vmem>>
    %dma_start3A_497 = tpu.memref_squeeze %dma_start3A_496 : memref<1x1x16x128xf32, #tpu.memory_space<vmem>> -> memref<16x128xf32, #tpu.memory_space<vmem>>
    %dma_start3A_498 = arith.constant 0 : i32
    %dma_start3A_499 = tpu.memref_slice %arg5[%dma_start3A_498, %multiple_of3A_485] : memref<16x1000000xf32, #tpu.memory_space<hbm>> -> memref<16x128xf32, #tpu.memory_space<hbm>>
    tpu.enqueue_dma source(%dma_start3A_499 : memref<16x128xf32, #tpu.memory_space<hbm>>) target(%dma_start3A_497 : memref<16x128xf32, #tpu.memory_space<vmem>>) target_semaphore(%arg16 : memref<!tpu.dma_semaphore, #tpu.memory_space<semaphore_mem>>)
    %slice3A_500 = vector.extract_strided_slice %shift_left3A_295 {offsets = [12], sizes = [1], strides = [1]} : vector<16xi32> to vector<1xi32>
    %squeeze3A_501 = vector.extract %slice3A_500[0] : i32 from vector<1xi32>
    %multiple_of3A_502 = tpu.assume_multiple %squeeze3A_501, 128 : i32
    %dma_start3A_503 = arith.constant 0 : i32
    %dma_start3A_504 = arith.constant 12 : i32
    %dma_start3A_505 = arith.constant 0 : i32
    %dma_start3A_506 = arith.constant 0 : i32
    %dma_start3A_507 = tpu.memref_slice %arg11[%dma_start3A_503, %dma_start3A_504, %dma_start3A_505, %dma_start3A_506] : memref<2x16x16x128xf32, #tpu.memory_space<vmem>> -> memref<1x1x16x128xf32, #tpu.memory_space<vmem>>
    %dma_start3A_508 = tpu.memref_squeeze %dma_start3A_507 : memref<1x1x16x128xf32, #tpu.memory_space<vmem>> -> memref<16x128xf32, #tpu.memory_space<vmem>>
    %dma_start3A_509 = arith.constant 0 : i32
    %dma_start3A_510 = tpu.memref_slice %arg5[%dma_start3A_509, %multiple_of3A_502] : memref<16x1000000xf32, #tpu.memory_space<hbm>> -> memref<16x128xf32, #tpu.memory_space<hbm>>
    %dma_start3A_511 = arith.constant 0 : i32
    %dma_start3A_512 = arith.constant 0 : i32
    %dma_start3A_513 = tpu.memref_slice %arg11[%dma_start3A_503, %dma_start3A_504, %dma_start3A_511, %dma_start3A_512] : memref<2x16x16x128xf32, #tpu.memory_space<vmem>> -> memref<1x1x16x128xf32, #tpu.memory_space<vmem>>
    %dma_start3A_514 = tpu.memref_squeeze %dma_start3A_513 : memref<1x1x16x128xf32, #tpu.memory_space<vmem>> -> memref<16x128xf32, #tpu.memory_space<vmem>>
    %dma_start3A_515 = arith.constant 0 : i32
    %dma_start3A_516 = tpu.memref_slice %arg5[%dma_start3A_515, %multiple_of3A_502] : memref<16x1000000xf32, #tpu.memory_space<hbm>> -> memref<16x128xf32, #tpu.memory_space<hbm>>
    tpu.enqueue_dma source(%dma_start3A_516 : memref<16x128xf32, #tpu.memory_space<hbm>>) target(%dma_start3A_514 : memref<16x128xf32, #tpu.memory_space<vmem>>) target_semaphore(%arg16 : memref<!tpu.dma_semaphore, #tpu.memory_space<semaphore_mem>>)
    %slice3A_517 = vector.extract_strided_slice %shift_left3A_295 {offsets = [13], sizes = [1], strides = [1]} : vector<16xi32> to vector<1xi32>
    %squeeze3A_518 = vector.extract %slice3A_517[0] : i32 from vector<1xi32>
    %multiple_of3A_519 = tpu.assume_multiple %squeeze3A_518, 128 : i32
    %dma_start3A_520 = arith.constant 0 : i32
    %dma_start3A_521 = arith.constant 13 : i32
    %dma_start3A_522 = arith.constant 0 : i32
    %dma_start3A_523 = arith.constant 0 : i32
    %dma_start3A_524 = tpu.memref_slice %arg11[%dma_start3A_520, %dma_start3A_521, %dma_start3A_522, %dma_start3A_523] : memref<2x16x16x128xf32, #tpu.memory_space<vmem>> -> memref<1x1x16x128xf32, #tpu.memory_space<vmem>>
    %dma_start3A_525 = tpu.memref_squeeze %dma_start3A_524 : memref<1x1x16x128xf32, #tpu.memory_space<vmem>> -> memref<16x128xf32, #tpu.memory_space<vmem>>
    %dma_start3A_526 = arith.constant 0 : i32
    %dma_start3A_527 = tpu.memref_slice %arg5[%dma_start3A_526, %multiple_of3A_519] : memref<16x1000000xf32, #tpu.memory_space<hbm>> -> memref<16x128xf32, #tpu.memory_space<hbm>>
    %dma_start3A_528 = arith.constant 0 : i32
    %dma_start3A_529 = arith.constant 0 : i32
    %dma_start3A_530 = tpu.memref_slice %arg11[%dma_start3A_520, %dma_start3A_521, %dma_start3A_528, %dma_start3A_529] : memref<2x16x16x128xf32, #tpu.memory_space<vmem>> -> memref<1x1x16x128xf32, #tpu.memory_space<vmem>>
    %dma_start3A_531 = tpu.memref_squeeze %dma_start3A_530 : memref<1x1x16x128xf32, #tpu.memory_space<vmem>> -> memref<16x128xf32, #tpu.memory_space<vmem>>
    %dma_start3A_532 = arith.constant 0 : i32
    %dma_start3A_533 = tpu.memref_slice %arg5[%dma_start3A_532, %multiple_of3A_519] : memref<16x1000000xf32, #tpu.memory_space<hbm>> -> memref<16x128xf32, #tpu.memory_space<hbm>>
    tpu.enqueue_dma source(%dma_start3A_533 : memref<16x128xf32, #tpu.memory_space<hbm>>) target(%dma_start3A_531 : memref<16x128xf32, #tpu.memory_space<vmem>>) target_semaphore(%arg16 : memref<!tpu.dma_semaphore, #tpu.memory_space<semaphore_mem>>)
    %slice3A_534 = vector.extract_strided_slice %shift_left3A_295 {offsets = [14], sizes = [1], strides = [1]} : vector<16xi32> to vector<1xi32>
    %squeeze3A_535 = vector.extract %slice3A_534[0] : i32 from vector<1xi32>
    %multiple_of3A_536 = tpu.assume_multiple %squeeze3A_535, 128 : i32
    %dma_start3A_537 = arith.constant 0 : i32
    %dma_start3A_538 = arith.constant 14 : i32
    %dma_start3A_539 = arith.constant 0 : i32
    %dma_start3A_540 = arith.constant 0 : i32
    %dma_start3A_541 = tpu.memref_slice %arg11[%dma_start3A_537, %dma_start3A_538, %dma_start3A_539, %dma_start3A_540] : memref<2x16x16x128xf32, #tpu.memory_space<vmem>> -> memref<1x1x16x128xf32, #tpu.memory_space<vmem>>
    %dma_start3A_542 = tpu.memref_squeeze %dma_start3A_541 : memref<1x1x16x128xf32, #tpu.memory_space<vmem>> -> memref<16x128xf32, #tpu.memory_space<vmem>>
    %dma_start3A_543 = arith.constant 0 : i32
    %dma_start3A_544 = tpu.memref_slice %arg5[%dma_start3A_543, %multiple_of3A_536] : memref<16x1000000xf32, #tpu.memory_space<hbm>> -> memref<16x128xf32, #tpu.memory_space<hbm>>
    %dma_start3A_545 = arith.constant 0 : i32
    %dma_start3A_546 = arith.constant 0 : i32
    %dma_start3A_547 = tpu.memref_slice %arg11[%dma_start3A_537, %dma_start3A_538, %dma_start3A_545, %dma_start3A_546] : memref<2x16x16x128xf32, #tpu.memory_space<vmem>> -> memref<1x1x16x128xf32, #tpu.memory_space<vmem>>
    %dma_start3A_548 = tpu.memref_squeeze %dma_start3A_547 : memref<1x1x16x128xf32, #tpu.memory_space<vmem>> -> memref<16x128xf32, #tpu.memory_space<vmem>>
    %dma_start3A_549 = arith.constant 0 : i32
    %dma_start3A_550 = tpu.memref_slice %arg5[%dma_start3A_549, %multiple_of3A_536] : memref<16x1000000xf32, #tpu.memory_space<hbm>> -> memref<16x128xf32, #tpu.memory_space<hbm>>
    tpu.enqueue_dma source(%dma_start3A_550 : memref<16x128xf32, #tpu.memory_space<hbm>>) target(%dma_start3A_548 : memref<16x128xf32, #tpu.memory_space<vmem>>) target_semaphore(%arg16 : memref<!tpu.dma_semaphore, #tpu.memory_space<semaphore_mem>>)
    %slice3A_551 = vector.extract_strided_slice %shift_left3A_295 {offsets = [15], sizes = [1], strides = [1]} : vector<16xi32> to vector<1xi32>
    %squeeze3A_552 = vector.extract %slice3A_551[0] : i32 from vector<1xi32>
    %multiple_of3A_553 = tpu.assume_multiple %squeeze3A_552, 128 : i32
    %dma_start3A_554 = arith.constant 0 : i32
    %dma_start3A_555 = arith.constant 15 : i32
    %dma_start3A_556 = arith.constant 0 : i32
    %dma_start3A_557 = arith.constant 0 : i32
    %dma_start3A_558 = tpu.memref_slice %arg11[%dma_start3A_554, %dma_start3A_555, %dma_start3A_556, %dma_start3A_557] : memref<2x16x16x128xf32, #tpu.memory_space<vmem>> -> memref<1x1x16x128xf32, #tpu.memory_space<vmem>>
    %dma_start3A_559 = tpu.memref_squeeze %dma_start3A_558 : memref<1x1x16x128xf32, #tpu.memory_space<vmem>> -> memref<16x128xf32, #tpu.memory_space<vmem>>
    %dma_start3A_560 = arith.constant 0 : i32
    %dma_start3A_561 = tpu.memref_slice %arg5[%dma_start3A_560, %multiple_of3A_553] : memref<16x1000000xf32, #tpu.memory_space<hbm>> -> memref<16x128xf32, #tpu.memory_space<hbm>>
    %dma_start3A_562 = arith.constant 0 : i32
    %dma_start3A_563 = arith.constant 0 : i32
    %dma_start3A_564 = tpu.memref_slice %arg11[%dma_start3A_554, %dma_start3A_555, %dma_start3A_562, %dma_start3A_563] : memref<2x16x16x128xf32, #tpu.memory_space<vmem>> -> memref<1x1x16x128xf32, #tpu.memory_space<vmem>>
    %dma_start3A_565 = tpu.memref_squeeze %dma_start3A_564 : memref<1x1x16x128xf32, #tpu.memory_space<vmem>> -> memref<16x128xf32, #tpu.memory_space<vmem>>
    %dma_start3A_566 = arith.constant 0 : i32
    %dma_start3A_567 = tpu.memref_slice %arg5[%dma_start3A_566, %multiple_of3A_553] : memref<16x1000000xf32, #tpu.memory_space<hbm>> -> memref<16x128xf32, #tpu.memory_space<hbm>>
    tpu.enqueue_dma source(%dma_start3A_567 : memref<16x128xf32, #tpu.memory_space<hbm>>) target(%dma_start3A_565 : memref<16x128xf32, #tpu.memory_space<vmem>>) target_semaphore(%arg16 : memref<!tpu.dma_semaphore, #tpu.memory_space<semaphore_mem>>)
    %scan3A_568 = arith.constant 0 : i32
    %scan3A_569 = arith.constant 6.250000e-02 : f32
    %scan3A_570 = arith.constant 0 : i32
    %scan3A_571 = arith.constant 32 : i32
    %scan3A_572 = arith.addi %scan3A_570, %scan3A_571 : i32
    %scan3A_573 = arith.constant 1 : i32
    scf.for %scan3A_575 = %scan3A_570 to %scan3A_572 step %scan3A_573  : i32 {
      %and3A = arith.constant 1 : i32
      %and3A_576 = arith.andi %scan3A_575, %and3A : i32
      %lt3A = arith.constant 31 : i32
      %lt3A_577 = arith.cmpi slt, %scan3A_575, %lt3A : i32
      %convert_element_type3A = arith.extui %lt3A_577 : i1 to i32
      %cond3A = arith.constant 0 : i32
      %cond3A_578 = arith.cmpi ne, %convert_element_type3A, %cond3A : i32
      scf.if %cond3A_578 {
        %add3A_1032 = arith.constant 1 : i32
        %add3A_1033 = arith.addi %scan3A_575, %add3A_1032 : i32
        %add3A_1034 = arith.constant 1 : i32
        %add3A_1035 = arith.addi %scan3A_575, %add3A_1034 : i32
        %and3A_1036 = arith.constant 1 : i32
        %and3A_1037 = arith.andi %add3A_1035, %and3A_1036 : i32
        %mul3A_1038 = arith.constant 16 : i32
        %mul3A_1039 = arith.muli %add3A_1033, %mul3A_1038 : i32
        %get3A_1040 = arith.index_cast %mul3A_1039 : i32 to index
        %get3A_1041 = tpu.vector_load %arg10[%get3A_1040] {strides = array<i32>} : memref<512xi32, #tpu.memory_space<vmem>>, vector<16xi32>,
        %shift_right_arithmetic3A_1042 = arith.constant 7 : i32
        %shift_right_arithmetic3A_1043 = vector.broadcast %shift_right_arithmetic3A_1042 : i32 to vector<16xi32>
        %shift_right_arithmetic3A_1044 = arith.shrsi %get3A_1041, %shift_right_arithmetic3A_1043 : vector<16xi32>
        %shift_left3A_1045 = arith.constant 7 : i32
        %shift_left3A_1046 = vector.broadcast %shift_left3A_1045 : i32 to vector<16xi32>
        %shift_left3A_1047 = arith.shli %shift_right_arithmetic3A_1044, %shift_left3A_1046 : vector<16xi32>
        %slice3A_1048 = vector.extract_strided_slice %shift_left3A_1047 {offsets = [0], sizes = [1], strides = [1]} : vector<16xi32> to vector<1xi32>
        %squeeze3A_1049 = vector.extract %slice3A_1048[0] : i32 from vector<1xi32>
        %multiple_of3A_1050 = tpu.assume_multiple %squeeze3A_1049, 128 : i32
        %dma_start3A_1051 = arith.constant 0 : i32
        %dma_start3A_1052 = arith.constant 0 : i32
        %dma_start3A_1053 = arith.constant 0 : i32
        %dma_start3A_1054 = tpu.memref_slice %arg11[%and3A_1037, %dma_start3A_1051, %dma_start3A_1052, %dma_start3A_1053] : memref<2x16x16x128xf32, #tpu.memory_space<vmem>> -> memref<1x1x16x128xf32, #tpu.memory_space<vmem>>
        %dma_start3A_1055 = tpu.memref_squeeze %dma_start3A_1054 : memref<1x1x16x128xf32, #tpu.memory_space<vmem>> -> memref<16x128xf32, #tpu.memory_space<vmem>>
        %dma_start3A_1056 = arith.constant 0 : i32
        %dma_start3A_1057 = tpu.memref_slice %arg5[%dma_start3A_1056, %multiple_of3A_1050] : memref<16x1000000xf32, #tpu.memory_space<hbm>> -> memref<16x128xf32, #tpu.memory_space<hbm>>
        %dma_start3A_1058 = arith.constant 0 : i32
        %dma_start3A_1059 = arith.constant 0 : i32
        %dma_start3A_1060 = tpu.memref_slice %arg11[%and3A_1037, %dma_start3A_1051, %dma_start3A_1058, %dma_start3A_1059] : memref<2x16x16x128xf32, #tpu.memory_space<vmem>> -> memref<1x1x16x128xf32, #tpu.memory_space<vmem>>
        %dma_start3A_1061 = tpu.memref_squeeze %dma_start3A_1060 : memref<1x1x16x128xf32, #tpu.memory_space<vmem>> -> memref<16x128xf32, #tpu.memory_space<vmem>>
        %dma_start3A_1062 = arith.constant 0 : i32
        %dma_start3A_1063 = tpu.memref_slice %arg5[%dma_start3A_1062, %multiple_of3A_1050] : memref<16x1000000xf32, #tpu.memory_space<hbm>> -> memref<16x128xf32, #tpu.memory_space<hbm>>
        tpu.enqueue_dma source(%dma_start3A_1063 : memref<16x128xf32, #tpu.memory_space<hbm>>) target(%dma_start3A_1061 : memref<16x128xf32, #tpu.memory_space<vmem>>) target_semaphore(%arg16 : memref<!tpu.dma_semaphore, #tpu.memory_space<semaphore_mem>>)
        %slice3A_1064 = vector.extract_strided_slice %shift_left3A_1047 {offsets = [1], sizes = [1], strides = [1]} : vector<16xi32> to vector<1xi32>
        %squeeze3A_1065 = vector.extract %slice3A_1064[0] : i32 from vector<1xi32>
        %multiple_of3A_1066 = tpu.assume_multiple %squeeze3A_1065, 128 : i32
        %dma_start3A_1067 = arith.constant 1 : i32
        %dma_start3A_1068 = arith.constant 0 : i32
        %dma_start3A_1069 = arith.constant 0 : i32
        %dma_start3A_1070 = tpu.memref_slice %arg11[%and3A_1037, %dma_start3A_1067, %dma_start3A_1068, %dma_start3A_1069] : memref<2x16x16x128xf32, #tpu.memory_space<vmem>> -> memref<1x1x16x128xf32, #tpu.memory_space<vmem>>
        %dma_start3A_1071 = tpu.memref_squeeze %dma_start3A_1070 : memref<1x1x16x128xf32, #tpu.memory_space<vmem>> -> memref<16x128xf32, #tpu.memory_space<vmem>>
        %dma_start3A_1072 = arith.constant 0 : i32
        %dma_start3A_1073 = tpu.memref_slice %arg5[%dma_start3A_1072, %multiple_of3A_1066] : memref<16x1000000xf32, #tpu.memory_space<hbm>> -> memref<16x128xf32, #tpu.memory_space<hbm>>
        %dma_start3A_1074 = arith.constant 0 : i32
        %dma_start3A_1075 = arith.constant 0 : i32
        %dma_start3A_1076 = tpu.memref_slice %arg11[%and3A_1037, %dma_start3A_1067, %dma_start3A_1074, %dma_start3A_1075] : memref<2x16x16x128xf32, #tpu.memory_space<vmem>> -> memref<1x1x16x128xf32, #tpu.memory_space<vmem>>
        %dma_start3A_1077 = tpu.memref_squeeze %dma_start3A_1076 : memref<1x1x16x128xf32, #tpu.memory_space<vmem>> -> memref<16x128xf32, #tpu.memory_space<vmem>>
        %dma_start3A_1078 = arith.constant 0 : i32
        %dma_start3A_1079 = tpu.memref_slice %arg5[%dma_start3A_1078, %multiple_of3A_1066] : memref<16x1000000xf32, #tpu.memory_space<hbm>> -> memref<16x128xf32, #tpu.memory_space<hbm>>
        tpu.enqueue_dma source(%dma_start3A_1079 : memref<16x128xf32, #tpu.memory_space<hbm>>) target(%dma_start3A_1077 : memref<16x128xf32, #tpu.memory_space<vmem>>) target_semaphore(%arg16 : memref<!tpu.dma_semaphore, #tpu.memory_space<semaphore_mem>>)
        %slice3A_1080 = vector.extract_strided_slice %shift_left3A_1047 {offsets = [2], sizes = [1], strides = [1]} : vector<16xi32> to vector<1xi32>
        %squeeze3A_1081 = vector.extract %slice3A_1080[0] : i32 from vector<1xi32>
        %multiple_of3A_1082 = tpu.assume_multiple %squeeze3A_1081, 128 : i32
        %dma_start3A_1083 = arith.constant 2 : i32
        %dma_start3A_1084 = arith.constant 0 : i32
        %dma_start3A_1085 = arith.constant 0 : i32
        %dma_start3A_1086 = tpu.memref_slice %arg11[%and3A_1037, %dma_start3A_1083, %dma_start3A_1084, %dma_start3A_1085] : memref<2x16x16x128xf32, #tpu.memory_space<vmem>> -> memref<1x1x16x128xf32, #tpu.memory_space<vmem>>
        %dma_start3A_1087 = tpu.memref_squeeze %dma_start3A_1086 : memref<1x1x16x128xf32, #tpu.memory_space<vmem>> -> memref<16x128xf32, #tpu.memory_space<vmem>>
        %dma_start3A_1088 = arith.constant 0 : i32
        %dma_start3A_1089 = tpu.memref_slice %arg5[%dma_start3A_1088, %multiple_of3A_1082] : memref<16x1000000xf32, #tpu.memory_space<hbm>> -> memref<16x128xf32, #tpu.memory_space<hbm>>
        %dma_start3A_1090 = arith.constant 0 : i32
        %dma_start3A_1091 = arith.constant 0 : i32
        %dma_start3A_1092 = tpu.memref_slice %arg11[%and3A_1037, %dma_start3A_1083, %dma_start3A_1090, %dma_start3A_1091] : memref<2x16x16x128xf32, #tpu.memory_space<vmem>> -> memref<1x1x16x128xf32, #tpu.memory_space<vmem>>
        %dma_start3A_1093 = tpu.memref_squeeze %dma_start3A_1092 : memref<1x1x16x128xf32, #tpu.memory_space<vmem>> -> memref<16x128xf32, #tpu.memory_space<vmem>>
        %dma_start3A_1094 = arith.constant 0 : i32
        %dma_start3A_1095 = tpu.memref_slice %arg5[%dma_start3A_1094, %multiple_of3A_1082] : memref<16x1000000xf32, #tpu.memory_space<hbm>> -> memref<16x128xf32, #tpu.memory_space<hbm>>
        tpu.enqueue_dma source(%dma_start3A_1095 : memref<16x128xf32, #tpu.memory_space<hbm>>) target(%dma_start3A_1093 : memref<16x128xf32, #tpu.memory_space<vmem>>) target_semaphore(%arg16 : memref<!tpu.dma_semaphore, #tpu.memory_space<semaphore_mem>>)
        %slice3A_1096 = vector.extract_strided_slice %shift_left3A_1047 {offsets = [3], sizes = [1], strides = [1]} : vector<16xi32> to vector<1xi32>
        %squeeze3A_1097 = vector.extract %slice3A_1096[0] : i32 from vector<1xi32>
        %multiple_of3A_1098 = tpu.assume_multiple %squeeze3A_1097, 128 : i32
        %dma_start3A_1099 = arith.constant 3 : i32
        %dma_start3A_1100 = arith.constant 0 : i32
        %dma_start3A_1101 = arith.constant 0 : i32
        %dma_start3A_1102 = tpu.memref_slice %arg11[%and3A_1037, %dma_start3A_1099, %dma_start3A_1100, %dma_start3A_1101] : memref<2x16x16x128xf32, #tpu.memory_space<vmem>> -> memref<1x1x16x128xf32, #tpu.memory_space<vmem>>
        %dma_start3A_1103 = tpu.memref_squeeze %dma_start3A_1102 : memref<1x1x16x128xf32, #tpu.memory_space<vmem>> -> memref<16x128xf32, #tpu.memory_space<vmem>>
        %dma_start3A_1104 = arith.constant 0 : i32
        %dma_start3A_1105 = tpu.memref_slice %arg5[%dma_start3A_1104, %multiple_of3A_1098] : memref<16x1000000xf32, #tpu.memory_space<hbm>> -> memref<16x128xf32, #tpu.memory_space<hbm>>
        %dma_start3A_1106 = arith.constant 0 : i32
        %dma_start3A_1107 = arith.constant 0 : i32
        %dma_start3A_1108 = tpu.memref_slice %arg11[%and3A_1037, %dma_start3A_1099, %dma_start3A_1106, %dma_start3A_1107] : memref<2x16x16x128xf32, #tpu.memory_space<vmem>> -> memref<1x1x16x128xf32, #tpu.memory_space<vmem>>
        %dma_start3A_1109 = tpu.memref_squeeze %dma_start3A_1108 : memref<1x1x16x128xf32, #tpu.memory_space<vmem>> -> memref<16x128xf32, #tpu.memory_space<vmem>>
        %dma_start3A_1110 = arith.constant 0 : i32
        %dma_start3A_1111 = tpu.memref_slice %arg5[%dma_start3A_1110, %multiple_of3A_1098] : memref<16x1000000xf32, #tpu.memory_space<hbm>> -> memref<16x128xf32, #tpu.memory_space<hbm>>
        tpu.enqueue_dma source(%dma_start3A_1111 : memref<16x128xf32, #tpu.memory_space<hbm>>) target(%dma_start3A_1109 : memref<16x128xf32, #tpu.memory_space<vmem>>) target_semaphore(%arg16 : memref<!tpu.dma_semaphore, #tpu.memory_space<semaphore_mem>>)
        %slice3A_1112 = vector.extract_strided_slice %shift_left3A_1047 {offsets = [4], sizes = [1], strides = [1]} : vector<16xi32> to vector<1xi32>
        %squeeze3A_1113 = vector.extract %slice3A_1112[0] : i32 from vector<1xi32>
        %multiple_of3A_1114 = tpu.assume_multiple %squeeze3A_1113, 128 : i32
        %dma_start3A_1115 = arith.constant 4 : i32
        %dma_start3A_1116 = arith.constant 0 : i32
        %dma_start3A_1117 = arith.constant 0 : i32
        %dma_start3A_1118 = tpu.memref_slice %arg11[%and3A_1037, %dma_start3A_1115, %dma_start3A_1116, %dma_start3A_1117] : memref<2x16x16x128xf32, #tpu.memory_space<vmem>> -> memref<1x1x16x128xf32, #tpu.memory_space<vmem>>
        %dma_start3A_1119 = tpu.memref_squeeze %dma_start3A_1118 : memref<1x1x16x128xf32, #tpu.memory_space<vmem>> -> memref<16x128xf32, #tpu.memory_space<vmem>>
        %dma_start3A_1120 = arith.constant 0 : i32
        %dma_start3A_1121 = tpu.memref_slice %arg5[%dma_start3A_1120, %multiple_of3A_1114] : memref<16x1000000xf32, #tpu.memory_space<hbm>> -> memref<16x128xf32, #tpu.memory_space<hbm>>
        %dma_start3A_1122 = arith.constant 0 : i32
        %dma_start3A_1123 = arith.constant 0 : i32
        %dma_start3A_1124 = tpu.memref_slice %arg11[%and3A_1037, %dma_start3A_1115, %dma_start3A_1122, %dma_start3A_1123] : memref<2x16x16x128xf32, #tpu.memory_space<vmem>> -> memref<1x1x16x128xf32, #tpu.memory_space<vmem>>
        %dma_start3A_1125 = tpu.memref_squeeze %dma_start3A_1124 : memref<1x1x16x128xf32, #tpu.memory_space<vmem>> -> memref<16x128xf32, #tpu.memory_space<vmem>>
        %dma_start3A_1126 = arith.constant 0 : i32
        %dma_start3A_1127 = tpu.memref_slice %arg5[%dma_start3A_1126, %multiple_of3A_1114] : memref<16x1000000xf32, #tpu.memory_space<hbm>> -> memref<16x128xf32, #tpu.memory_space<hbm>>
        tpu.enqueue_dma source(%dma_start3A_1127 : memref<16x128xf32, #tpu.memory_space<hbm>>) target(%dma_start3A_1125 : memref<16x128xf32, #tpu.memory_space<vmem>>) target_semaphore(%arg16 : memref<!tpu.dma_semaphore, #tpu.memory_space<semaphore_mem>>)
        %slice3A_1128 = vector.extract_strided_slice %shift_left3A_1047 {offsets = [5], sizes = [1], strides = [1]} : vector<16xi32> to vector<1xi32>
        %squeeze3A_1129 = vector.extract %slice3A_1128[0] : i32 from vector<1xi32>
        %multiple_of3A_1130 = tpu.assume_multiple %squeeze3A_1129, 128 : i32
        %dma_start3A_1131 = arith.constant 5 : i32
        %dma_start3A_1132 = arith.constant 0 : i32
        %dma_start3A_1133 = arith.constant 0 : i32
        %dma_start3A_1134 = tpu.memref_slice %arg11[%and3A_1037, %dma_start3A_1131, %dma_start3A_1132, %dma_start3A_1133] : memref<2x16x16x128xf32, #tpu.memory_space<vmem>> -> memref<1x1x16x128xf32, #tpu.memory_space<vmem>>
        %dma_start3A_1135 = tpu.memref_squeeze %dma_start3A_1134 : memref<1x1x16x128xf32, #tpu.memory_space<vmem>> -> memref<16x128xf32, #tpu.memory_space<vmem>>
        %dma_start3A_1136 = arith.constant 0 : i32
        %dma_start3A_1137 = tpu.memref_slice %arg5[%dma_start3A_1136, %multiple_of3A_1130] : memref<16x1000000xf32, #tpu.memory_space<hbm>> -> memref<16x128xf32, #tpu.memory_space<hbm>>
        %dma_start3A_1138 = arith.constant 0 : i32
        %dma_start3A_1139 = arith.constant 0 : i32
        %dma_start3A_1140 = tpu.memref_slice %arg11[%and3A_1037, %dma_start3A_1131, %dma_start3A_1138, %dma_start3A_1139] : memref<2x16x16x128xf32, #tpu.memory_space<vmem>> -> memref<1x1x16x128xf32, #tpu.memory_space<vmem>>
        %dma_start3A_1141 = tpu.memref_squeeze %dma_start3A_1140 : memref<1x1x16x128xf32, #tpu.memory_space<vmem>> -> memref<16x128xf32, #tpu.memory_space<vmem>>
        %dma_start3A_1142 = arith.constant 0 : i32
        %dma_start3A_1143 = tpu.memref_slice %arg5[%dma_start3A_1142, %multiple_of3A_1130] : memref<16x1000000xf32, #tpu.memory_space<hbm>> -> memref<16x128xf32, #tpu.memory_space<hbm>>
        tpu.enqueue_dma source(%dma_start3A_1143 : memref<16x128xf32, #tpu.memory_space<hbm>>) target(%dma_start3A_1141 : memref<16x128xf32, #tpu.memory_space<vmem>>) target_semaphore(%arg16 : memref<!tpu.dma_semaphore, #tpu.memory_space<semaphore_mem>>)
        %slice3A_1144 = vector.extract_strided_slice %shift_left3A_1047 {offsets = [6], sizes = [1], strides = [1]} : vector<16xi32> to vector<1xi32>
        %squeeze3A_1145 = vector.extract %slice3A_1144[0] : i32 from vector<1xi32>
        %multiple_of3A_1146 = tpu.assume_multiple %squeeze3A_1145, 128 : i32
        %dma_start3A_1147 = arith.constant 6 : i32
        %dma_start3A_1148 = arith.constant 0 : i32
        %dma_start3A_1149 = arith.constant 0 : i32
        %dma_start3A_1150 = tpu.memref_slice %arg11[%and3A_1037, %dma_start3A_1147, %dma_start3A_1148, %dma_start3A_1149] : memref<2x16x16x128xf32, #tpu.memory_space<vmem>> -> memref<1x1x16x128xf32, #tpu.memory_space<vmem>>
        %dma_start3A_1151 = tpu.memref_squeeze %dma_start3A_1150 : memref<1x1x16x128xf32, #tpu.memory_space<vmem>> -> memref<16x128xf32, #tpu.memory_space<vmem>>
        %dma_start3A_1152 = arith.constant 0 : i32
        %dma_start3A_1153 = tpu.memref_slice %arg5[%dma_start3A_1152, %multiple_of3A_1146] : memref<16x1000000xf32, #tpu.memory_space<hbm>> -> memref<16x128xf32, #tpu.memory_space<hbm>>
        %dma_start3A_1154 = arith.constant 0 : i32
        %dma_start3A_1155 = arith.constant 0 : i32
        %dma_start3A_1156 = tpu.memref_slice %arg11[%and3A_1037, %dma_start3A_1147, %dma_start3A_1154, %dma_start3A_1155] : memref<2x16x16x128xf32, #tpu.memory_space<vmem>> -> memref<1x1x16x128xf32, #tpu.memory_space<vmem>>
        %dma_start3A_1157 = tpu.memref_squeeze %dma_start3A_1156 : memref<1x1x16x128xf32, #tpu.memory_space<vmem>> -> memref<16x128xf32, #tpu.memory_space<vmem>>
        %dma_start3A_1158 = arith.constant 0 : i32
        %dma_start3A_1159 = tpu.memref_slice %arg5[%dma_start3A_1158, %multiple_of3A_1146] : memref<16x1000000xf32, #tpu.memory_space<hbm>> -> memref<16x128xf32, #tpu.memory_space<hbm>>
        tpu.enqueue_dma source(%dma_start3A_1159 : memref<16x128xf32, #tpu.memory_space<hbm>>) target(%dma_start3A_1157 : memref<16x128xf32, #tpu.memory_space<vmem>>) target_semaphore(%arg16 : memref<!tpu.dma_semaphore, #tpu.memory_space<semaphore_mem>>)
        %slice3A_1160 = vector.extract_strided_slice %shift_left3A_1047 {offsets = [7], sizes = [1], strides = [1]} : vector<16xi32> to vector<1xi32>
        %squeeze3A_1161 = vector.extract %slice3A_1160[0] : i32 from vector<1xi32>
        %multiple_of3A_1162 = tpu.assume_multiple %squeeze3A_1161, 128 : i32
        %dma_start3A_1163 = arith.constant 7 : i32
        %dma_start3A_1164 = arith.constant 0 : i32
        %dma_start3A_1165 = arith.constant 0 : i32
        %dma_start3A_1166 = tpu.memref_slice %arg11[%and3A_1037, %dma_start3A_1163, %dma_start3A_1164, %dma_start3A_1165] : memref<2x16x16x128xf32, #tpu.memory_space<vmem>> -> memref<1x1x16x128xf32, #tpu.memory_space<vmem>>
        %dma_start3A_1167 = tpu.memref_squeeze %dma_start3A_1166 : memref<1x1x16x128xf32, #tpu.memory_space<vmem>> -> memref<16x128xf32, #tpu.memory_space<vmem>>
        %dma_start3A_1168 = arith.constant 0 : i32
        %dma_start3A_1169 = tpu.memref_slice %arg5[%dma_start3A_1168, %multiple_of3A_1162] : memref<16x1000000xf32, #tpu.memory_space<hbm>> -> memref<16x128xf32, #tpu.memory_space<hbm>>
        %dma_start3A_1170 = arith.constant 0 : i32
        %dma_start3A_1171 = arith.constant 0 : i32
        %dma_start3A_1172 = tpu.memref_slice %arg11[%and3A_1037, %dma_start3A_1163, %dma_start3A_1170, %dma_start3A_1171] : memref<2x16x16x128xf32, #tpu.memory_space<vmem>> -> memref<1x1x16x128xf32, #tpu.memory_space<vmem>>
        %dma_start3A_1173 = tpu.memref_squeeze %dma_start3A_1172 : memref<1x1x16x128xf32, #tpu.memory_space<vmem>> -> memref<16x128xf32, #tpu.memory_space<vmem>>
        %dma_start3A_1174 = arith.constant 0 : i32
        %dma_start3A_1175 = tpu.memref_slice %arg5[%dma_start3A_1174, %multiple_of3A_1162] : memref<16x1000000xf32, #tpu.memory_space<hbm>> -> memref<16x128xf32, #tpu.memory_space<hbm>>
        tpu.enqueue_dma source(%dma_start3A_1175 : memref<16x128xf32, #tpu.memory_space<hbm>>) target(%dma_start3A_1173 : memref<16x128xf32, #tpu.memory_space<vmem>>) target_semaphore(%arg16 : memref<!tpu.dma_semaphore, #tpu.memory_space<semaphore_mem>>)
        %slice3A_1176 = vector.extract_strided_slice %shift_left3A_1047 {offsets = [8], sizes = [1], strides = [1]} : vector<16xi32> to vector<1xi32>
        %squeeze3A_1177 = vector.extract %slice3A_1176[0] : i32 from vector<1xi32>
        %multiple_of3A_1178 = tpu.assume_multiple %squeeze3A_1177, 128 : i32
        %dma_start3A_1179 = arith.constant 8 : i32
        %dma_start3A_1180 = arith.constant 0 : i32
        %dma_start3A_1181 = arith.constant 0 : i32
        %dma_start3A_1182 = tpu.memref_slice %arg11[%and3A_1037, %dma_start3A_1179, %dma_start3A_1180, %dma_start3A_1181] : memref<2x16x16x128xf32, #tpu.memory_space<vmem>> -> memref<1x1x16x128xf32, #tpu.memory_space<vmem>>
        %dma_start3A_1183 = tpu.memref_squeeze %dma_start3A_1182 : memref<1x1x16x128xf32, #tpu.memory_space<vmem>> -> memref<16x128xf32, #tpu.memory_space<vmem>>
        %dma_start3A_1184 = arith.constant 0 : i32
        %dma_start3A_1185 = tpu.memref_slice %arg5[%dma_start3A_1184, %multiple_of3A_1178] : memref<16x1000000xf32, #tpu.memory_space<hbm>> -> memref<16x128xf32, #tpu.memory_space<hbm>>
        %dma_start3A_1186 = arith.constant 0 : i32
        %dma_start3A_1187 = arith.constant 0 : i32
        %dma_start3A_1188 = tpu.memref_slice %arg11[%and3A_1037, %dma_start3A_1179, %dma_start3A_1186, %dma_start3A_1187] : memref<2x16x16x128xf32, #tpu.memory_space<vmem>> -> memref<1x1x16x128xf32, #tpu.memory_space<vmem>>
        %dma_start3A_1189 = tpu.memref_squeeze %dma_start3A_1188 : memref<1x1x16x128xf32, #tpu.memory_space<vmem>> -> memref<16x128xf32, #tpu.memory_space<vmem>>
        %dma_start3A_1190 = arith.constant 0 : i32
        %dma_start3A_1191 = tpu.memref_slice %arg5[%dma_start3A_1190, %multiple_of3A_1178] : memref<16x1000000xf32, #tpu.memory_space<hbm>> -> memref<16x128xf32, #tpu.memory_space<hbm>>
        tpu.enqueue_dma source(%dma_start3A_1191 : memref<16x128xf32, #tpu.memory_space<hbm>>) target(%dma_start3A_1189 : memref<16x128xf32, #tpu.memory_space<vmem>>) target_semaphore(%arg16 : memref<!tpu.dma_semaphore, #tpu.memory_space<semaphore_mem>>)
        %slice3A_1192 = vector.extract_strided_slice %shift_left3A_1047 {offsets = [9], sizes = [1], strides = [1]} : vector<16xi32> to vector<1xi32>
        %squeeze3A_1193 = vector.extract %slice3A_1192[0] : i32 from vector<1xi32>
        %multiple_of3A_1194 = tpu.assume_multiple %squeeze3A_1193, 128 : i32
        %dma_start3A_1195 = arith.constant 9 : i32
        %dma_start3A_1196 = arith.constant 0 : i32
        %dma_start3A_1197 = arith.constant 0 : i32
        %dma_start3A_1198 = tpu.memref_slice %arg11[%and3A_1037, %dma_start3A_1195, %dma_start3A_1196, %dma_start3A_1197] : memref<2x16x16x128xf32, #tpu.memory_space<vmem>> -> memref<1x1x16x128xf32, #tpu.memory_space<vmem>>
        %dma_start3A_1199 = tpu.memref_squeeze %dma_start3A_1198 : memref<1x1x16x128xf32, #tpu.memory_space<vmem>> -> memref<16x128xf32, #tpu.memory_space<vmem>>
        %dma_start3A_1200 = arith.constant 0 : i32
        %dma_start3A_1201 = tpu.memref_slice %arg5[%dma_start3A_1200, %multiple_of3A_1194] : memref<16x1000000xf32, #tpu.memory_space<hbm>> -> memref<16x128xf32, #tpu.memory_space<hbm>>
        %dma_start3A_1202 = arith.constant 0 : i32
        %dma_start3A_1203 = arith.constant 0 : i32
        %dma_start3A_1204 = tpu.memref_slice %arg11[%and3A_1037, %dma_start3A_1195, %dma_start3A_1202, %dma_start3A_1203] : memref<2x16x16x128xf32, #tpu.memory_space<vmem>> -> memref<1x1x16x128xf32, #tpu.memory_space<vmem>>
        %dma_start3A_1205 = tpu.memref_squeeze %dma_start3A_1204 : memref<1x1x16x128xf32, #tpu.memory_space<vmem>> -> memref<16x128xf32, #tpu.memory_space<vmem>>
        %dma_start3A_1206 = arith.constant 0 : i32
        %dma_start3A_1207 = tpu.memref_slice %arg5[%dma_start3A_1206, %multiple_of3A_1194] : memref<16x1000000xf32, #tpu.memory_space<hbm>> -> memref<16x128xf32, #tpu.memory_space<hbm>>
        tpu.enqueue_dma source(%dma_start3A_1207 : memref<16x128xf32, #tpu.memory_space<hbm>>) target(%dma_start3A_1205 : memref<16x128xf32, #tpu.memory_space<vmem>>) target_semaphore(%arg16 : memref<!tpu.dma_semaphore, #tpu.memory_space<semaphore_mem>>)
        %slice3A_1208 = vector.extract_strided_slice %shift_left3A_1047 {offsets = [10], sizes = [1], strides = [1]} : vector<16xi32> to vector<1xi32>
        %squeeze3A_1209 = vector.extract %slice3A_1208[0] : i32 from vector<1xi32>
        %multiple_of3A_1210 = tpu.assume_multiple %squeeze3A_1209, 128 : i32
        %dma_start3A_1211 = arith.constant 10 : i32
        %dma_start3A_1212 = arith.constant 0 : i32
        %dma_start3A_1213 = arith.constant 0 : i32
        %dma_start3A_1214 = tpu.memref_slice %arg11[%and3A_1037, %dma_start3A_1211, %dma_start3A_1212, %dma_start3A_1213] : memref<2x16x16x128xf32, #tpu.memory_space<vmem>> -> memref<1x1x16x128xf32, #tpu.memory_space<vmem>>
        %dma_start3A_1215 = tpu.memref_squeeze %dma_start3A_1214 : memref<1x1x16x128xf32, #tpu.memory_space<vmem>> -> memref<16x128xf32, #tpu.memory_space<vmem>>
        %dma_start3A_1216 = arith.constant 0 : i32
        %dma_start3A_1217 = tpu.memref_slice %arg5[%dma_start3A_1216, %multiple_of3A_1210] : memref<16x1000000xf32, #tpu.memory_space<hbm>> -> memref<16x128xf32, #tpu.memory_space<hbm>>
        %dma_start3A_1218 = arith.constant 0 : i32
        %dma_start3A_1219 = arith.constant 0 : i32
        %dma_start3A_1220 = tpu.memref_slice %arg11[%and3A_1037, %dma_start3A_1211, %dma_start3A_1218, %dma_start3A_1219] : memref<2x16x16x128xf32, #tpu.memory_space<vmem>> -> memref<1x1x16x128xf32, #tpu.memory_space<vmem>>
        %dma_start3A_1221 = tpu.memref_squeeze %dma_start3A_1220 : memref<1x1x16x128xf32, #tpu.memory_space<vmem>> -> memref<16x128xf32, #tpu.memory_space<vmem>>
        %dma_start3A_1222 = arith.constant 0 : i32
        %dma_start3A_1223 = tpu.memref_slice %arg5[%dma_start3A_1222, %multiple_of3A_1210] : memref<16x1000000xf32, #tpu.memory_space<hbm>> -> memref<16x128xf32, #tpu.memory_space<hbm>>
        tpu.enqueue_dma source(%dma_start3A_1223 : memref<16x128xf32, #tpu.memory_space<hbm>>) target(%dma_start3A_1221 : memref<16x128xf32, #tpu.memory_space<vmem>>) target_semaphore(%arg16 : memref<!tpu.dma_semaphore, #tpu.memory_space<semaphore_mem>>)
        %slice3A_1224 = vector.extract_strided_slice %shift_left3A_1047 {offsets = [11], sizes = [1], strides = [1]} : vector<16xi32> to vector<1xi32>
        %squeeze3A_1225 = vector.extract %slice3A_1224[0] : i32 from vector<1xi32>
        %multiple_of3A_1226 = tpu.assume_multiple %squeeze3A_1225, 128 : i32
        %dma_start3A_1227 = arith.constant 11 : i32
        %dma_start3A_1228 = arith.constant 0 : i32
        %dma_start3A_1229 = arith.constant 0 : i32
        %dma_start3A_1230 = tpu.memref_slice %arg11[%and3A_1037, %dma_start3A_1227, %dma_start3A_1228, %dma_start3A_1229] : memref<2x16x16x128xf32, #tpu.memory_space<vmem>> -> memref<1x1x16x128xf32, #tpu.memory_space<vmem>>
        %dma_start3A_1231 = tpu.memref_squeeze %dma_start3A_1230 : memref<1x1x16x128xf32, #tpu.memory_space<vmem>> -> memref<16x128xf32, #tpu.memory_space<vmem>>
        %dma_start3A_1232 = arith.constant 0 : i32
        %dma_start3A_1233 = tpu.memref_slice %arg5[%dma_start3A_1232, %multiple_of3A_1226] : memref<16x1000000xf32, #tpu.memory_space<hbm>> -> memref<16x128xf32, #tpu.memory_space<hbm>>
        %dma_start3A_1234 = arith.constant 0 : i32
        %dma_start3A_1235 = arith.constant 0 : i32
        %dma_start3A_1236 = tpu.memref_slice %arg11[%and3A_1037, %dma_start3A_1227, %dma_start3A_1234, %dma_start3A_1235] : memref<2x16x16x128xf32, #tpu.memory_space<vmem>> -> memref<1x1x16x128xf32, #tpu.memory_space<vmem>>
        %dma_start3A_1237 = tpu.memref_squeeze %dma_start3A_1236 : memref<1x1x16x128xf32, #tpu.memory_space<vmem>> -> memref<16x128xf32, #tpu.memory_space<vmem>>
        %dma_start3A_1238 = arith.constant 0 : i32
        %dma_start3A_1239 = tpu.memref_slice %arg5[%dma_start3A_1238, %multiple_of3A_1226] : memref<16x1000000xf32, #tpu.memory_space<hbm>> -> memref<16x128xf32, #tpu.memory_space<hbm>>
        tpu.enqueue_dma source(%dma_start3A_1239 : memref<16x128xf32, #tpu.memory_space<hbm>>) target(%dma_start3A_1237 : memref<16x128xf32, #tpu.memory_space<vmem>>) target_semaphore(%arg16 : memref<!tpu.dma_semaphore, #tpu.memory_space<semaphore_mem>>)
        %slice3A_1240 = vector.extract_strided_slice %shift_left3A_1047 {offsets = [12], sizes = [1], strides = [1]} : vector<16xi32> to vector<1xi32>
        %squeeze3A_1241 = vector.extract %slice3A_1240[0] : i32 from vector<1xi32>
        %multiple_of3A_1242 = tpu.assume_multiple %squeeze3A_1241, 128 : i32
        %dma_start3A_1243 = arith.constant 12 : i32
        %dma_start3A_1244 = arith.constant 0 : i32
        %dma_start3A_1245 = arith.constant 0 : i32
        %dma_start3A_1246 = tpu.memref_slice %arg11[%and3A_1037, %dma_start3A_1243, %dma_start3A_1244, %dma_start3A_1245] : memref<2x16x16x128xf32, #tpu.memory_space<vmem>> -> memref<1x1x16x128xf32, #tpu.memory_space<vmem>>
        %dma_start3A_1247 = tpu.memref_squeeze %dma_start3A_1246 : memref<1x1x16x128xf32, #tpu.memory_space<vmem>> -> memref<16x128xf32, #tpu.memory_space<vmem>>
        %dma_start3A_1248 = arith.constant 0 : i32
        %dma_start3A_1249 = tpu.memref_slice %arg5[%dma_start3A_1248, %multiple_of3A_1242] : memref<16x1000000xf32, #tpu.memory_space<hbm>> -> memref<16x128xf32, #tpu.memory_space<hbm>>
        %dma_start3A_1250 = arith.constant 0 : i32
        %dma_start3A_1251 = arith.constant 0 : i32
        %dma_start3A_1252 = tpu.memref_slice %arg11[%and3A_1037, %dma_start3A_1243, %dma_start3A_1250, %dma_start3A_1251] : memref<2x16x16x128xf32, #tpu.memory_space<vmem>> -> memref<1x1x16x128xf32, #tpu.memory_space<vmem>>
        %dma_start3A_1253 = tpu.memref_squeeze %dma_start3A_1252 : memref<1x1x16x128xf32, #tpu.memory_space<vmem>> -> memref<16x128xf32, #tpu.memory_space<vmem>>
        %dma_start3A_1254 = arith.constant 0 : i32
        %dma_start3A_1255 = tpu.memref_slice %arg5[%dma_start3A_1254, %multiple_of3A_1242] : memref<16x1000000xf32, #tpu.memory_space<hbm>> -> memref<16x128xf32, #tpu.memory_space<hbm>>
        tpu.enqueue_dma source(%dma_start3A_1255 : memref<16x128xf32, #tpu.memory_space<hbm>>) target(%dma_start3A_1253 : memref<16x128xf32, #tpu.memory_space<vmem>>) target_semaphore(%arg16 : memref<!tpu.dma_semaphore, #tpu.memory_space<semaphore_mem>>)
        %slice3A_1256 = vector.extract_strided_slice %shift_left3A_1047 {offsets = [13], sizes = [1], strides = [1]} : vector<16xi32> to vector<1xi32>
        %squeeze3A_1257 = vector.extract %slice3A_1256[0] : i32 from vector<1xi32>
        %multiple_of3A_1258 = tpu.assume_multiple %squeeze3A_1257, 128 : i32
        %dma_start3A_1259 = arith.constant 13 : i32
        %dma_start3A_1260 = arith.constant 0 : i32
        %dma_start3A_1261 = arith.constant 0 : i32
        %dma_start3A_1262 = tpu.memref_slice %arg11[%and3A_1037, %dma_start3A_1259, %dma_start3A_1260, %dma_start3A_1261] : memref<2x16x16x128xf32, #tpu.memory_space<vmem>> -> memref<1x1x16x128xf32, #tpu.memory_space<vmem>>
        %dma_start3A_1263 = tpu.memref_squeeze %dma_start3A_1262 : memref<1x1x16x128xf32, #tpu.memory_space<vmem>> -> memref<16x128xf32, #tpu.memory_space<vmem>>
        %dma_start3A_1264 = arith.constant 0 : i32
        %dma_start3A_1265 = tpu.memref_slice %arg5[%dma_start3A_1264, %multiple_of3A_1258] : memref<16x1000000xf32, #tpu.memory_space<hbm>> -> memref<16x128xf32, #tpu.memory_space<hbm>>
        %dma_start3A_1266 = arith.constant 0 : i32
        %dma_start3A_1267 = arith.constant 0 : i32
        %dma_start3A_1268 = tpu.memref_slice %arg11[%and3A_1037, %dma_start3A_1259, %dma_start3A_1266, %dma_start3A_1267] : memref<2x16x16x128xf32, #tpu.memory_space<vmem>> -> memref<1x1x16x128xf32, #tpu.memory_space<vmem>>
        %dma_start3A_1269 = tpu.memref_squeeze %dma_start3A_1268 : memref<1x1x16x128xf32, #tpu.memory_space<vmem>> -> memref<16x128xf32, #tpu.memory_space<vmem>>
        %dma_start3A_1270 = arith.constant 0 : i32
        %dma_start3A_1271 = tpu.memref_slice %arg5[%dma_start3A_1270, %multiple_of3A_1258] : memref<16x1000000xf32, #tpu.memory_space<hbm>> -> memref<16x128xf32, #tpu.memory_space<hbm>>
        tpu.enqueue_dma source(%dma_start3A_1271 : memref<16x128xf32, #tpu.memory_space<hbm>>) target(%dma_start3A_1269 : memref<16x128xf32, #tpu.memory_space<vmem>>) target_semaphore(%arg16 : memref<!tpu.dma_semaphore, #tpu.memory_space<semaphore_mem>>)
        %slice3A_1272 = vector.extract_strided_slice %shift_left3A_1047 {offsets = [14], sizes = [1], strides = [1]} : vector<16xi32> to vector<1xi32>
        %squeeze3A_1273 = vector.extract %slice3A_1272[0] : i32 from vector<1xi32>
        %multiple_of3A_1274 = tpu.assume_multiple %squeeze3A_1273, 128 : i32
        %dma_start3A_1275 = arith.constant 14 : i32
        %dma_start3A_1276 = arith.constant 0 : i32
        %dma_start3A_1277 = arith.constant 0 : i32
        %dma_start3A_1278 = tpu.memref_slice %arg11[%and3A_1037, %dma_start3A_1275, %dma_start3A_1276, %dma_start3A_1277] : memref<2x16x16x128xf32, #tpu.memory_space<vmem>> -> memref<1x1x16x128xf32, #tpu.memory_space<vmem>>
        %dma_start3A_1279 = tpu.memref_squeeze %dma_start3A_1278 : memref<1x1x16x128xf32, #tpu.memory_space<vmem>> -> memref<16x128xf32, #tpu.memory_space<vmem>>
        %dma_start3A_1280 = arith.constant 0 : i32
        %dma_start3A_1281 = tpu.memref_slice %arg5[%dma_start3A_1280, %multiple_of3A_1274] : memref<16x1000000xf32, #tpu.memory_space<hbm>> -> memref<16x128xf32, #tpu.memory_space<hbm>>
        %dma_start3A_1282 = arith.constant 0 : i32
        %dma_start3A_1283 = arith.constant 0 : i32
        %dma_start3A_1284 = tpu.memref_slice %arg11[%and3A_1037, %dma_start3A_1275, %dma_start3A_1282, %dma_start3A_1283] : memref<2x16x16x128xf32, #tpu.memory_space<vmem>> -> memref<1x1x16x128xf32, #tpu.memory_space<vmem>>
        %dma_start3A_1285 = tpu.memref_squeeze %dma_start3A_1284 : memref<1x1x16x128xf32, #tpu.memory_space<vmem>> -> memref<16x128xf32, #tpu.memory_space<vmem>>
        %dma_start3A_1286 = arith.constant 0 : i32
        %dma_start3A_1287 = tpu.memref_slice %arg5[%dma_start3A_1286, %multiple_of3A_1274] : memref<16x1000000xf32, #tpu.memory_space<hbm>> -> memref<16x128xf32, #tpu.memory_space<hbm>>
        tpu.enqueue_dma source(%dma_start3A_1287 : memref<16x128xf32, #tpu.memory_space<hbm>>) target(%dma_start3A_1285 : memref<16x128xf32, #tpu.memory_space<vmem>>) target_semaphore(%arg16 : memref<!tpu.dma_semaphore, #tpu.memory_space<semaphore_mem>>)
        %slice3A_1288 = vector.extract_strided_slice %shift_left3A_1047 {offsets = [15], sizes = [1], strides = [1]} : vector<16xi32> to vector<1xi32>
        %squeeze3A_1289 = vector.extract %slice3A_1288[0] : i32 from vector<1xi32>
        %multiple_of3A_1290 = tpu.assume_multiple %squeeze3A_1289, 128 : i32
        %dma_start3A_1291 = arith.constant 15 : i32
        %dma_start3A_1292 = arith.constant 0 : i32
        %dma_start3A_1293 = arith.constant 0 : i32
        %dma_start3A_1294 = tpu.memref_slice %arg11[%and3A_1037, %dma_start3A_1291, %dma_start3A_1292, %dma_start3A_1293] : memref<2x16x16x128xf32, #tpu.memory_space<vmem>> -> memref<1x1x16x128xf32, #tpu.memory_space<vmem>>
        %dma_start3A_1295 = tpu.memref_squeeze %dma_start3A_1294 : memref<1x1x16x128xf32, #tpu.memory_space<vmem>> -> memref<16x128xf32, #tpu.memory_space<vmem>>
        %dma_start3A_1296 = arith.constant 0 : i32
        %dma_start3A_1297 = tpu.memref_slice %arg5[%dma_start3A_1296, %multiple_of3A_1290] : memref<16x1000000xf32, #tpu.memory_space<hbm>> -> memref<16x128xf32, #tpu.memory_space<hbm>>
        %dma_start3A_1298 = arith.constant 0 : i32
        %dma_start3A_1299 = arith.constant 0 : i32
        %dma_start3A_1300 = tpu.memref_slice %arg11[%and3A_1037, %dma_start3A_1291, %dma_start3A_1298, %dma_start3A_1299] : memref<2x16x16x128xf32, #tpu.memory_space<vmem>> -> memref<1x1x16x128xf32, #tpu.memory_space<vmem>>
        %dma_start3A_1301 = tpu.memref_squeeze %dma_start3A_1300 : memref<1x1x16x128xf32, #tpu.memory_space<vmem>> -> memref<16x128xf32, #tpu.memory_space<vmem>>
        %dma_start3A_1302 = arith.constant 0 : i32
        %dma_start3A_1303 = tpu.memref_slice %arg5[%dma_start3A_1302, %multiple_of3A_1290] : memref<16x1000000xf32, #tpu.memory_space<hbm>> -> memref<16x128xf32, #tpu.memory_space<hbm>>
        tpu.enqueue_dma source(%dma_start3A_1303 : memref<16x128xf32, #tpu.memory_space<hbm>>) target(%dma_start3A_1301 : memref<16x128xf32, #tpu.memory_space<vmem>>) target_semaphore(%arg16 : memref<!tpu.dma_semaphore, #tpu.memory_space<semaphore_mem>>)
      } else {
      }
      %dma_wait3A_579 = arith.constant 0 : i32
      %dma_wait3A_580 = arith.constant 0 : i32
      %dma_wait3A_581 = arith.constant 0 : i32
      %dma_wait3A_582 = arith.constant 0 : i32
      %dma_wait3A_583 = tpu.memref_slice %arg11[%dma_wait3A_579, %dma_wait3A_580, %dma_wait3A_581, %dma_wait3A_582] : memref<2x16x16x128xf32, #tpu.memory_space<vmem>> -> memref<1x1x16x128xf32, #tpu.memory_space<vmem>>
      %dma_wait3A_584 = tpu.memref_squeeze %dma_wait3A_583 : memref<1x1x16x128xf32, #tpu.memory_space<vmem>> -> memref<16x128xf32, #tpu.memory_space<vmem>>
      %dma_wait3A_585 = arith.constant 0 : i32
      %dma_wait3A_586 = arith.constant 0 : i32
      %dma_wait3A_587 = tpu.memref_slice %arg5[%dma_wait3A_585, %dma_wait3A_586] : memref<16x1000000xf32, #tpu.memory_space<hbm>> -> memref<16x128xf32, #tpu.memory_space<hbm>>
      %dma_wait3A_588 = arith.constant 0 : i32
      %dma_wait3A_589 = arith.constant 0 : i32
      %dma_wait3A_590 = tpu.memref_slice %arg11[%dma_wait3A_579, %dma_wait3A_580, %dma_wait3A_588, %dma_wait3A_589] : memref<2x16x16x128xf32, #tpu.memory_space<vmem>> -> memref<1x1x16x128xf32, #tpu.memory_space<vmem>>
      %dma_wait3A_591 = tpu.memref_squeeze %dma_wait3A_590 : memref<1x1x16x128xf32, #tpu.memory_space<vmem>> -> memref<16x128xf32, #tpu.memory_space<vmem>>
      %dma_wait3A_592 = arith.constant 0 : i32
      %dma_wait3A_593 = arith.constant 0 : i32
      %dma_wait3A_594 = tpu.memref_slice %arg5[%dma_wait3A_592, %dma_wait3A_593] : memref<16x1000000xf32, #tpu.memory_space<hbm>> -> memref<16x128xf32, #tpu.memory_space<hbm>>
      tpu.wait_dma2 semaphore(%arg16 : memref<!tpu.dma_semaphore, #tpu.memory_space<semaphore_mem>>) src(%dma_wait3A_594 : memref<16x128xf32, #tpu.memory_space<hbm>>) dst(%dma_wait3A_591 : memref<16x128xf32, #tpu.memory_space<vmem>>)
      %dma_wait3A_595 = arith.constant 0 : i32
      %dma_wait3A_596 = arith.constant 0 : i32
      %dma_wait3A_597 = arith.constant 0 : i32
      %dma_wait3A_598 = arith.constant 0 : i32
      %dma_wait3A_599 = tpu.memref_slice %arg11[%dma_wait3A_595, %dma_wait3A_596, %dma_wait3A_597, %dma_wait3A_598] : memref<2x16x16x128xf32, #tpu.memory_space<vmem>> -> memref<1x1x16x128xf32, #tpu.memory_space<vmem>>
      %dma_wait3A_600 = tpu.memref_squeeze %dma_wait3A_599 : memref<1x1x16x128xf32, #tpu.memory_space<vmem>> -> memref<16x128xf32, #tpu.memory_space<vmem>>
      %dma_wait3A_601 = arith.constant 0 : i32
      %dma_wait3A_602 = arith.constant 0 : i32
      %dma_wait3A_603 = tpu.memref_slice %arg5[%dma_wait3A_601, %dma_wait3A_602] : memref<16x1000000xf32, #tpu.memory_space<hbm>> -> memref<16x128xf32, #tpu.memory_space<hbm>>
      %dma_wait3A_604 = arith.constant 0 : i32
      %dma_wait3A_605 = arith.constant 0 : i32
      %dma_wait3A_606 = tpu.memref_slice %arg11[%dma_wait3A_595, %dma_wait3A_596, %dma_wait3A_604, %dma_wait3A_605] : memref<2x16x16x128xf32, #tpu.memory_space<vmem>> -> memref<1x1x16x128xf32, #tpu.memory_space<vmem>>
      %dma_wait3A_607 = tpu.memref_squeeze %dma_wait3A_606 : memref<1x1x16x128xf32, #tpu.memory_space<vmem>> -> memref<16x128xf32, #tpu.memory_space<vmem>>
      %dma_wait3A_608 = arith.constant 0 : i32
      %dma_wait3A_609 = arith.constant 0 : i32
      %dma_wait3A_610 = tpu.memref_slice %arg5[%dma_wait3A_608, %dma_wait3A_609] : memref<16x1000000xf32, #tpu.memory_space<hbm>> -> memref<16x128xf32, #tpu.memory_space<hbm>>
      tpu.wait_dma2 semaphore(%arg16 : memref<!tpu.dma_semaphore, #tpu.memory_space<semaphore_mem>>) src(%dma_wait3A_610 : memref<16x128xf32, #tpu.memory_space<hbm>>) dst(%dma_wait3A_607 : memref<16x128xf32, #tpu.memory_space<vmem>>)
      %dma_wait3A_611 = arith.constant 0 : i32
      %dma_wait3A_612 = arith.constant 0 : i32
      %dma_wait3A_613 = arith.constant 0 : i32
      %dma_wait3A_614 = arith.constant 0 : i32
      %dma_wait3A_615 = tpu.memref_slice %arg11[%dma_wait3A_611, %dma_wait3A_612, %dma_wait3A_613, %dma_wait3A_614] : memref<2x16x16x128xf32, #tpu.memory_space<vmem>> -> memref<1x1x16x128xf32, #tpu.memory_space<vmem>>
      %dma_wait3A_616 = tpu.memref_squeeze %dma_wait3A_615 : memref<1x1x16x128xf32, #tpu.memory_space<vmem>> -> memref<16x128xf32, #tpu.memory_space<vmem>>
      %dma_wait3A_617 = arith.constant 0 : i32
      %dma_wait3A_618 = arith.constant 0 : i32
      %dma_wait3A_619 = tpu.memref_slice %arg5[%dma_wait3A_617, %dma_wait3A_618] : memref<16x1000000xf32, #tpu.memory_space<hbm>> -> memref<16x128xf32, #tpu.memory_space<hbm>>
      %dma_wait3A_620 = arith.constant 0 : i32
      %dma_wait3A_621 = arith.constant 0 : i32
      %dma_wait3A_622 = tpu.memref_slice %arg11[%dma_wait3A_611, %dma_wait3A_612, %dma_wait3A_620, %dma_wait3A_621] : memref<2x16x16x128xf32, #tpu.memory_space<vmem>> -> memref<1x1x16x128xf32, #tpu.memory_space<vmem>>
      %dma_wait3A_623 = tpu.memref_squeeze %dma_wait3A_622 : memref<1x1x16x128xf32, #tpu.memory_space<vmem>> -> memref<16x128xf32, #tpu.memory_space<vmem>>
      %dma_wait3A_624 = arith.constant 0 : i32
      %dma_wait3A_625 = arith.constant 0 : i32
      %dma_wait3A_626 = tpu.memref_slice %arg5[%dma_wait3A_624, %dma_wait3A_625] : memref<16x1000000xf32, #tpu.memory_space<hbm>> -> memref<16x128xf32, #tpu.memory_space<hbm>>
      tpu.wait_dma2 semaphore(%arg16 : memref<!tpu.dma_semaphore, #tpu.memory_space<semaphore_mem>>) src(%dma_wait3A_626 : memref<16x128xf32, #tpu.memory_space<hbm>>) dst(%dma_wait3A_623 : memref<16x128xf32, #tpu.memory_space<vmem>>)
      %dma_wait3A_627 = arith.constant 0 : i32
      %dma_wait3A_628 = arith.constant 0 : i32
      %dma_wait3A_629 = arith.constant 0 : i32
      %dma_wait3A_630 = arith.constant 0 : i32
      %dma_wait3A_631 = tpu.memref_slice %arg11[%dma_wait3A_627, %dma_wait3A_628, %dma_wait3A_629, %dma_wait3A_630] : memref<2x16x16x128xf32, #tpu.memory_space<vmem>> -> memref<1x1x16x128xf32, #tpu.memory_space<vmem>>
      %dma_wait3A_632 = tpu.memref_squeeze %dma_wait3A_631 : memref<1x1x16x128xf32, #tpu.memory_space<vmem>> -> memref<16x128xf32, #tpu.memory_space<vmem>>
      %dma_wait3A_633 = arith.constant 0 : i32
      %dma_wait3A_634 = arith.constant 0 : i32
      %dma_wait3A_635 = tpu.memref_slice %arg5[%dma_wait3A_633, %dma_wait3A_634] : memref<16x1000000xf32, #tpu.memory_space<hbm>> -> memref<16x128xf32, #tpu.memory_space<hbm>>
      %dma_wait3A_636 = arith.constant 0 : i32
      %dma_wait3A_637 = arith.constant 0 : i32
      %dma_wait3A_638 = tpu.memref_slice %arg11[%dma_wait3A_627, %dma_wait3A_628, %dma_wait3A_636, %dma_wait3A_637] : memref<2x16x16x128xf32, #tpu.memory_space<vmem>> -> memref<1x1x16x128xf32, #tpu.memory_space<vmem>>
      %dma_wait3A_639 = tpu.memref_squeeze %dma_wait3A_638 : memref<1x1x16x128xf32, #tpu.memory_space<vmem>> -> memref<16x128xf32, #tpu.memory_space<vmem>>
      %dma_wait3A_640 = arith.constant 0 : i32
      %dma_wait3A_641 = arith.constant 0 : i32
      %dma_wait3A_642 = tpu.memref_slice %arg5[%dma_wait3A_640, %dma_wait3A_641] : memref<16x1000000xf32, #tpu.memory_space<hbm>> -> memref<16x128xf32, #tpu.memory_space<hbm>>
      tpu.wait_dma2 semaphore(%arg16 : memref<!tpu.dma_semaphore, #tpu.memory_space<semaphore_mem>>) src(%dma_wait3A_642 : memref<16x128xf32, #tpu.memory_space<hbm>>) dst(%dma_wait3A_639 : memref<16x128xf32, #tpu.memory_space<vmem>>)
      %dma_wait3A_643 = arith.constant 0 : i32
      %dma_wait3A_644 = arith.constant 0 : i32
      %dma_wait3A_645 = arith.constant 0 : i32
      %dma_wait3A_646 = arith.constant 0 : i32
      %dma_wait3A_647 = tpu.memref_slice %arg11[%dma_wait3A_643, %dma_wait3A_644, %dma_wait3A_645, %dma_wait3A_646] : memref<2x16x16x128xf32, #tpu.memory_space<vmem>> -> memref<1x1x16x128xf32, #tpu.memory_space<vmem>>
      %dma_wait3A_648 = tpu.memref_squeeze %dma_wait3A_647 : memref<1x1x16x128xf32, #tpu.memory_space<vmem>> -> memref<16x128xf32, #tpu.memory_space<vmem>>
      %dma_wait3A_649 = arith.constant 0 : i32
      %dma_wait3A_650 = arith.constant 0 : i32
      %dma_wait3A_651 = tpu.memref_slice %arg5[%dma_wait3A_649, %dma_wait3A_650] : memref<16x1000000xf32, #tpu.memory_space<hbm>> -> memref<16x128xf32, #tpu.memory_space<hbm>>
      %dma_wait3A_652 = arith.constant 0 : i32
      %dma_wait3A_653 = arith.constant 0 : i32
      %dma_wait3A_654 = tpu.memref_slice %arg11[%dma_wait3A_643, %dma_wait3A_644, %dma_wait3A_652, %dma_wait3A_653] : memref<2x16x16x128xf32, #tpu.memory_space<vmem>> -> memref<1x1x16x128xf32, #tpu.memory_space<vmem>>
      %dma_wait3A_655 = tpu.memref_squeeze %dma_wait3A_654 : memref<1x1x16x128xf32, #tpu.memory_space<vmem>> -> memref<16x128xf32, #tpu.memory_space<vmem>>
      %dma_wait3A_656 = arith.constant 0 : i32
      %dma_wait3A_657 = arith.constant 0 : i32
      %dma_wait3A_658 = tpu.memref_slice %arg5[%dma_wait3A_656, %dma_wait3A_657] : memref<16x1000000xf32, #tpu.memory_space<hbm>> -> memref<16x128xf32, #tpu.memory_space<hbm>>
      tpu.wait_dma2 semaphore(%arg16 : memref<!tpu.dma_semaphore, #tpu.memory_space<semaphore_mem>>) src(%dma_wait3A_658 : memref<16x128xf32, #tpu.memory_space<hbm>>) dst(%dma_wait3A_655 : memref<16x128xf32, #tpu.memory_space<vmem>>)
      %dma_wait3A_659 = arith.constant 0 : i32
      %dma_wait3A_660 = arith.constant 0 : i32
      %dma_wait3A_661 = arith.constant 0 : i32
      %dma_wait3A_662 = arith.constant 0 : i32
      %dma_wait3A_663 = tpu.memref_slice %arg11[%dma_wait3A_659, %dma_wait3A_660, %dma_wait3A_661, %dma_wait3A_662] : memref<2x16x16x128xf32, #tpu.memory_space<vmem>> -> memref<1x1x16x128xf32, #tpu.memory_space<vmem>>
      %dma_wait3A_664 = tpu.memref_squeeze %dma_wait3A_663 : memref<1x1x16x128xf32, #tpu.memory_space<vmem>> -> memref<16x128xf32, #tpu.memory_space<vmem>>
      %dma_wait3A_665 = arith.constant 0 : i32
      %dma_wait3A_666 = arith.constant 0 : i32
      %dma_wait3A_667 = tpu.memref_slice %arg5[%dma_wait3A_665, %dma_wait3A_666] : memref<16x1000000xf32, #tpu.memory_space<hbm>> -> memref<16x128xf32, #tpu.memory_space<hbm>>
      %dma_wait3A_668 = arith.constant 0 : i32
      %dma_wait3A_669 = arith.constant 0 : i32
      %dma_wait3A_670 = tpu.memref_slice %arg11[%dma_wait3A_659, %dma_wait3A_660, %dma_wait3A_668, %dma_wait3A_669] : memref<2x16x16x128xf32, #tpu.memory_space<vmem>> -> memref<1x1x16x128xf32, #tpu.memory_space<vmem>>
      %dma_wait3A_671 = tpu.memref_squeeze %dma_wait3A_670 : memref<1x1x16x128xf32, #tpu.memory_space<vmem>> -> memref<16x128xf32, #tpu.memory_space<vmem>>
      %dma_wait3A_672 = arith.constant 0 : i32
      %dma_wait3A_673 = arith.constant 0 : i32
      %dma_wait3A_674 = tpu.memref_slice %arg5[%dma_wait3A_672, %dma_wait3A_673] : memref<16x1000000xf32, #tpu.memory_space<hbm>> -> memref<16x128xf32, #tpu.memory_space<hbm>>
      tpu.wait_dma2 semaphore(%arg16 : memref<!tpu.dma_semaphore, #tpu.memory_space<semaphore_mem>>) src(%dma_wait3A_674 : memref<16x128xf32, #tpu.memory_space<hbm>>) dst(%dma_wait3A_671 : memref<16x128xf32, #tpu.memory_space<vmem>>)
      %dma_wait3A_675 = arith.constant 0 : i32
      %dma_wait3A_676 = arith.constant 0 : i32
      %dma_wait3A_677 = arith.constant 0 : i32
      %dma_wait3A_678 = arith.constant 0 : i32
      %dma_wait3A_679 = tpu.memref_slice %arg11[%dma_wait3A_675, %dma_wait3A_676, %dma_wait3A_677, %dma_wait3A_678] : memref<2x16x16x128xf32, #tpu.memory_space<vmem>> -> memref<1x1x16x128xf32, #tpu.memory_space<vmem>>
      %dma_wait3A_680 = tpu.memref_squeeze %dma_wait3A_679 : memref<1x1x16x128xf32, #tpu.memory_space<vmem>> -> memref<16x128xf32, #tpu.memory_space<vmem>>
      %dma_wait3A_681 = arith.constant 0 : i32
      %dma_wait3A_682 = arith.constant 0 : i32
      %dma_wait3A_683 = tpu.memref_slice %arg5[%dma_wait3A_681, %dma_wait3A_682] : memref<16x1000000xf32, #tpu.memory_space<hbm>> -> memref<16x128xf32, #tpu.memory_space<hbm>>
      %dma_wait3A_684 = arith.constant 0 : i32
      %dma_wait3A_685 = arith.constant 0 : i32
      %dma_wait3A_686 = tpu.memref_slice %arg11[%dma_wait3A_675, %dma_wait3A_676, %dma_wait3A_684, %dma_wait3A_685] : memref<2x16x16x128xf32, #tpu.memory_space<vmem>> -> memref<1x1x16x128xf32, #tpu.memory_space<vmem>>
      %dma_wait3A_687 = tpu.memref_squeeze %dma_wait3A_686 : memref<1x1x16x128xf32, #tpu.memory_space<vmem>> -> memref<16x128xf32, #tpu.memory_space<vmem>>
      %dma_wait3A_688 = arith.constant 0 : i32
      %dma_wait3A_689 = arith.constant 0 : i32
      %dma_wait3A_690 = tpu.memref_slice %arg5[%dma_wait3A_688, %dma_wait3A_689] : memref<16x1000000xf32, #tpu.memory_space<hbm>> -> memref<16x128xf32, #tpu.memory_space<hbm>>
      tpu.wait_dma2 semaphore(%arg16 : memref<!tpu.dma_semaphore, #tpu.memory_space<semaphore_mem>>) src(%dma_wait3A_690 : memref<16x128xf32, #tpu.memory_space<hbm>>) dst(%dma_wait3A_687 : memref<16x128xf32, #tpu.memory_space<vmem>>)
      %dma_wait3A_691 = arith.constant 0 : i32
      %dma_wait3A_692 = arith.constant 0 : i32
      %dma_wait3A_693 = arith.constant 0 : i32
      %dma_wait3A_694 = arith.constant 0 : i32
      %dma_wait3A_695 = tpu.memref_slice %arg11[%dma_wait3A_691, %dma_wait3A_692, %dma_wait3A_693, %dma_wait3A_694] : memref<2x16x16x128xf32, #tpu.memory_space<vmem>> -> memref<1x1x16x128xf32, #tpu.memory_space<vmem>>
      %dma_wait3A_696 = tpu.memref_squeeze %dma_wait3A_695 : memref<1x1x16x128xf32, #tpu.memory_space<vmem>> -> memref<16x128xf32, #tpu.memory_space<vmem>>
      %dma_wait3A_697 = arith.constant 0 : i32
      %dma_wait3A_698 = arith.constant 0 : i32
      %dma_wait3A_699 = tpu.memref_slice %arg5[%dma_wait3A_697, %dma_wait3A_698] : memref<16x1000000xf32, #tpu.memory_space<hbm>> -> memref<16x128xf32, #tpu.memory_space<hbm>>
      %dma_wait3A_700 = arith.constant 0 : i32
      %dma_wait3A_701 = arith.constant 0 : i32
      %dma_wait3A_702 = tpu.memref_slice %arg11[%dma_wait3A_691, %dma_wait3A_692, %dma_wait3A_700, %dma_wait3A_701] : memref<2x16x16x128xf32, #tpu.memory_space<vmem>> -> memref<1x1x16x128xf32, #tpu.memory_space<vmem>>
      %dma_wait3A_703 = tpu.memref_squeeze %dma_wait3A_702 : memref<1x1x16x128xf32, #tpu.memory_space<vmem>> -> memref<16x128xf32, #tpu.memory_space<vmem>>
      %dma_wait3A_704 = arith.constant 0 : i32
      %dma_wait3A_705 = arith.constant 0 : i32
      %dma_wait3A_706 = tpu.memref_slice %arg5[%dma_wait3A_704, %dma_wait3A_705] : memref<16x1000000xf32, #tpu.memory_space<hbm>> -> memref<16x128xf32, #tpu.memory_space<hbm>>
      tpu.wait_dma2 semaphore(%arg16 : memref<!tpu.dma_semaphore, #tpu.memory_space<semaphore_mem>>) src(%dma_wait3A_706 : memref<16x128xf32, #tpu.memory_space<hbm>>) dst(%dma_wait3A_703 : memref<16x128xf32, #tpu.memory_space<vmem>>)
      %dma_wait3A_707 = arith.constant 0 : i32
      %dma_wait3A_708 = arith.constant 0 : i32
      %dma_wait3A_709 = arith.constant 0 : i32
      %dma_wait3A_710 = arith.constant 0 : i32
      %dma_wait3A_711 = tpu.memref_slice %arg11[%dma_wait3A_707, %dma_wait3A_708, %dma_wait3A_709, %dma_wait3A_710] : memref<2x16x16x128xf32, #tpu.memory_space<vmem>> -> memref<1x1x16x128xf32, #tpu.memory_space<vmem>>
      %dma_wait3A_712 = tpu.memref_squeeze %dma_wait3A_711 : memref<1x1x16x128xf32, #tpu.memory_space<vmem>> -> memref<16x128xf32, #tpu.memory_space<vmem>>
      %dma_wait3A_713 = arith.constant 0 : i32
      %dma_wait3A_714 = arith.constant 0 : i32
      %dma_wait3A_715 = tpu.memref_slice %arg5[%dma_wait3A_713, %dma_wait3A_714] : memref<16x1000000xf32, #tpu.memory_space<hbm>> -> memref<16x128xf32, #tpu.memory_space<hbm>>
      %dma_wait3A_716 = arith.constant 0 : i32
      %dma_wait3A_717 = arith.constant 0 : i32
      %dma_wait3A_718 = tpu.memref_slice %arg11[%dma_wait3A_707, %dma_wait3A_708, %dma_wait3A_716, %dma_wait3A_717] : memref<2x16x16x128xf32, #tpu.memory_space<vmem>> -> memref<1x1x16x128xf32, #tpu.memory_space<vmem>>
      %dma_wait3A_719 = tpu.memref_squeeze %dma_wait3A_718 : memref<1x1x16x128xf32, #tpu.memory_space<vmem>> -> memref<16x128xf32, #tpu.memory_space<vmem>>
      %dma_wait3A_720 = arith.constant 0 : i32
      %dma_wait3A_721 = arith.constant 0 : i32
      %dma_wait3A_722 = tpu.memref_slice %arg5[%dma_wait3A_720, %dma_wait3A_721] : memref<16x1000000xf32, #tpu.memory_space<hbm>> -> memref<16x128xf32, #tpu.memory_space<hbm>>
      tpu.wait_dma2 semaphore(%arg16 : memref<!tpu.dma_semaphore, #tpu.memory_space<semaphore_mem>>) src(%dma_wait3A_722 : memref<16x128xf32, #tpu.memory_space<hbm>>) dst(%dma_wait3A_719 : memref<16x128xf32, #tpu.memory_space<vmem>>)
      %dma_wait3A_723 = arith.constant 0 : i32
      %dma_wait3A_724 = arith.constant 0 : i32
      %dma_wait3A_725 = arith.constant 0 : i32
      %dma_wait3A_726 = arith.constant 0 : i32
      %dma_wait3A_727 = tpu.memref_slice %arg11[%dma_wait3A_723, %dma_wait3A_724, %dma_wait3A_725, %dma_wait3A_726] : memref<2x16x16x128xf32, #tpu.memory_space<vmem>> -> memref<1x1x16x128xf32, #tpu.memory_space<vmem>>
      %dma_wait3A_728 = tpu.memref_squeeze %dma_wait3A_727 : memref<1x1x16x128xf32, #tpu.memory_space<vmem>> -> memref<16x128xf32, #tpu.memory_space<vmem>>
      %dma_wait3A_729 = arith.constant 0 : i32
      %dma_wait3A_730 = arith.constant 0 : i32
      %dma_wait3A_731 = tpu.memref_slice %arg5[%dma_wait3A_729, %dma_wait3A_730] : memref<16x1000000xf32, #tpu.memory_space<hbm>> -> memref<16x128xf32, #tpu.memory_space<hbm>>
      %dma_wait3A_732 = arith.constant 0 : i32
      %dma_wait3A_733 = arith.constant 0 : i32
      %dma_wait3A_734 = tpu.memref_slice %arg11[%dma_wait3A_723, %dma_wait3A_724, %dma_wait3A_732, %dma_wait3A_733] : memref<2x16x16x128xf32, #tpu.memory_space<vmem>> -> memref<1x1x16x128xf32, #tpu.memory_space<vmem>>
      %dma_wait3A_735 = tpu.memref_squeeze %dma_wait3A_734 : memref<1x1x16x128xf32, #tpu.memory_space<vmem>> -> memref<16x128xf32, #tpu.memory_space<vmem>>
      %dma_wait3A_736 = arith.constant 0 : i32
      %dma_wait3A_737 = arith.constant 0 : i32
      %dma_wait3A_738 = tpu.memref_slice %arg5[%dma_wait3A_736, %dma_wait3A_737] : memref<16x1000000xf32, #tpu.memory_space<hbm>> -> memref<16x128xf32, #tpu.memory_space<hbm>>
      tpu.wait_dma2 semaphore(%arg16 : memref<!tpu.dma_semaphore, #tpu.memory_space<semaphore_mem>>) src(%dma_wait3A_738 : memref<16x128xf32, #tpu.memory_space<hbm>>) dst(%dma_wait3A_735 : memref<16x128xf32, #tpu.memory_space<vmem>>)
      %dma_wait3A_739 = arith.constant 0 : i32
      %dma_wait3A_740 = arith.constant 0 : i32
      %dma_wait3A_741 = arith.constant 0 : i32
      %dma_wait3A_742 = arith.constant 0 : i32
      %dma_wait3A_743 = tpu.memref_slice %arg11[%dma_wait3A_739, %dma_wait3A_740, %dma_wait3A_741, %dma_wait3A_742] : memref<2x16x16x128xf32, #tpu.memory_space<vmem>> -> memref<1x1x16x128xf32, #tpu.memory_space<vmem>>
      %dma_wait3A_744 = tpu.memref_squeeze %dma_wait3A_743 : memref<1x1x16x128xf32, #tpu.memory_space<vmem>> -> memref<16x128xf32, #tpu.memory_space<vmem>>
      %dma_wait3A_745 = arith.constant 0 : i32
      %dma_wait3A_746 = arith.constant 0 : i32
      %dma_wait3A_747 = tpu.memref_slice %arg5[%dma_wait3A_745, %dma_wait3A_746] : memref<16x1000000xf32, #tpu.memory_space<hbm>> -> memref<16x128xf32, #tpu.memory_space<hbm>>
      %dma_wait3A_748 = arith.constant 0 : i32
      %dma_wait3A_749 = arith.constant 0 : i32
      %dma_wait3A_750 = tpu.memref_slice %arg11[%dma_wait3A_739, %dma_wait3A_740, %dma_wait3A_748, %dma_wait3A_749] : memref<2x16x16x128xf32, #tpu.memory_space<vmem>> -> memref<1x1x16x128xf32, #tpu.memory_space<vmem>>
      %dma_wait3A_751 = tpu.memref_squeeze %dma_wait3A_750 : memref<1x1x16x128xf32, #tpu.memory_space<vmem>> -> memref<16x128xf32, #tpu.memory_space<vmem>>
      %dma_wait3A_752 = arith.constant 0 : i32
      %dma_wait3A_753 = arith.constant 0 : i32
      %dma_wait3A_754 = tpu.memref_slice %arg5[%dma_wait3A_752, %dma_wait3A_753] : memref<16x1000000xf32, #tpu.memory_space<hbm>> -> memref<16x128xf32, #tpu.memory_space<hbm>>
      tpu.wait_dma2 semaphore(%arg16 : memref<!tpu.dma_semaphore, #tpu.memory_space<semaphore_mem>>) src(%dma_wait3A_754 : memref<16x128xf32, #tpu.memory_space<hbm>>) dst(%dma_wait3A_751 : memref<16x128xf32, #tpu.memory_space<vmem>>)
      %dma_wait3A_755 = arith.constant 0 : i32
      %dma_wait3A_756 = arith.constant 0 : i32
      %dma_wait3A_757 = arith.constant 0 : i32
      %dma_wait3A_758 = arith.constant 0 : i32
      %dma_wait3A_759 = tpu.memref_slice %arg11[%dma_wait3A_755, %dma_wait3A_756, %dma_wait3A_757, %dma_wait3A_758] : memref<2x16x16x128xf32, #tpu.memory_space<vmem>> -> memref<1x1x16x128xf32, #tpu.memory_space<vmem>>
      %dma_wait3A_760 = tpu.memref_squeeze %dma_wait3A_759 : memref<1x1x16x128xf32, #tpu.memory_space<vmem>> -> memref<16x128xf32, #tpu.memory_space<vmem>>
      %dma_wait3A_761 = arith.constant 0 : i32
      %dma_wait3A_762 = arith.constant 0 : i32
      %dma_wait3A_763 = tpu.memref_slice %arg5[%dma_wait3A_761, %dma_wait3A_762] : memref<16x1000000xf32, #tpu.memory_space<hbm>> -> memref<16x128xf32, #tpu.memory_space<hbm>>
      %dma_wait3A_764 = arith.constant 0 : i32
      %dma_wait3A_765 = arith.constant 0 : i32
      %dma_wait3A_766 = tpu.memref_slice %arg11[%dma_wait3A_755, %dma_wait3A_756, %dma_wait3A_764, %dma_wait3A_765] : memref<2x16x16x128xf32, #tpu.memory_space<vmem>> -> memref<1x1x16x128xf32, #tpu.memory_space<vmem>>
      %dma_wait3A_767 = tpu.memref_squeeze %dma_wait3A_766 : memref<1x1x16x128xf32, #tpu.memory_space<vmem>> -> memref<16x128xf32, #tpu.memory_space<vmem>>
      %dma_wait3A_768 = arith.constant 0 : i32
      %dma_wait3A_769 = arith.constant 0 : i32
      %dma_wait3A_770 = tpu.memref_slice %arg5[%dma_wait3A_768, %dma_wait3A_769] : memref<16x1000000xf32, #tpu.memory_space<hbm>> -> memref<16x128xf32, #tpu.memory_space<hbm>>
      tpu.wait_dma2 semaphore(%arg16 : memref<!tpu.dma_semaphore, #tpu.memory_space<semaphore_mem>>) src(%dma_wait3A_770 : memref<16x128xf32, #tpu.memory_space<hbm>>) dst(%dma_wait3A_767 : memref<16x128xf32, #tpu.memory_space<vmem>>)
      %dma_wait3A_771 = arith.constant 0 : i32
      %dma_wait3A_772 = arith.constant 0 : i32
      %dma_wait3A_773 = arith.constant 0 : i32
      %dma_wait3A_774 = arith.constant 0 : i32
      %dma_wait3A_775 = tpu.memref_slice %arg11[%dma_wait3A_771, %dma_wait3A_772, %dma_wait3A_773, %dma_wait3A_774] : memref<2x16x16x128xf32, #tpu.memory_space<vmem>> -> memref<1x1x16x128xf32, #tpu.memory_space<vmem>>
      %dma_wait3A_776 = tpu.memref_squeeze %dma_wait3A_775 : memref<1x1x16x128xf32, #tpu.memory_space<vmem>> -> memref<16x128xf32, #tpu.memory_space<vmem>>
      %dma_wait3A_777 = arith.constant 0 : i32
      %dma_wait3A_778 = arith.constant 0 : i32
      %dma_wait3A_779 = tpu.memref_slice %arg5[%dma_wait3A_777, %dma_wait3A_778] : memref<16x1000000xf32, #tpu.memory_space<hbm>> -> memref<16x128xf32, #tpu.memory_space<hbm>>
      %dma_wait3A_780 = arith.constant 0 : i32
      %dma_wait3A_781 = arith.constant 0 : i32
      %dma_wait3A_782 = tpu.memref_slice %arg11[%dma_wait3A_771, %dma_wait3A_772, %dma_wait3A_780, %dma_wait3A_781] : memref<2x16x16x128xf32, #tpu.memory_space<vmem>> -> memref<1x1x16x128xf32, #tpu.memory_space<vmem>>
      %dma_wait3A_783 = tpu.memref_squeeze %dma_wait3A_782 : memref<1x1x16x128xf32, #tpu.memory_space<vmem>> -> memref<16x128xf32, #tpu.memory_space<vmem>>
      %dma_wait3A_784 = arith.constant 0 : i32
      %dma_wait3A_785 = arith.constant 0 : i32
      %dma_wait3A_786 = tpu.memref_slice %arg5[%dma_wait3A_784, %dma_wait3A_785] : memref<16x1000000xf32, #tpu.memory_space<hbm>> -> memref<16x128xf32, #tpu.memory_space<hbm>>
      tpu.wait_dma2 semaphore(%arg16 : memref<!tpu.dma_semaphore, #tpu.memory_space<semaphore_mem>>) src(%dma_wait3A_786 : memref<16x128xf32, #tpu.memory_space<hbm>>) dst(%dma_wait3A_783 : memref<16x128xf32, #tpu.memory_space<vmem>>)
      %dma_wait3A_787 = arith.constant 0 : i32
      %dma_wait3A_788 = arith.constant 0 : i32
      %dma_wait3A_789 = arith.constant 0 : i32
      %dma_wait3A_790 = arith.constant 0 : i32
      %dma_wait3A_791 = tpu.memref_slice %arg11[%dma_wait3A_787, %dma_wait3A_788, %dma_wait3A_789, %dma_wait3A_790] : memref<2x16x16x128xf32, #tpu.memory_space<vmem>> -> memref<1x1x16x128xf32, #tpu.memory_space<vmem>>
      %dma_wait3A_792 = tpu.memref_squeeze %dma_wait3A_791 : memref<1x1x16x128xf32, #tpu.memory_space<vmem>> -> memref<16x128xf32, #tpu.memory_space<vmem>>
      %dma_wait3A_793 = arith.constant 0 : i32
      %dma_wait3A_794 = arith.constant 0 : i32
      %dma_wait3A_795 = tpu.memref_slice %arg5[%dma_wait3A_793, %dma_wait3A_794] : memref<16x1000000xf32, #tpu.memory_space<hbm>> -> memref<16x128xf32, #tpu.memory_space<hbm>>
      %dma_wait3A_796 = arith.constant 0 : i32
      %dma_wait3A_797 = arith.constant 0 : i32
      %dma_wait3A_798 = tpu.memref_slice %arg11[%dma_wait3A_787, %dma_wait3A_788, %dma_wait3A_796, %dma_wait3A_797] : memref<2x16x16x128xf32, #tpu.memory_space<vmem>> -> memref<1x1x16x128xf32, #tpu.memory_space<vmem>>
      %dma_wait3A_799 = tpu.memref_squeeze %dma_wait3A_798 : memref<1x1x16x128xf32, #tpu.memory_space<vmem>> -> memref<16x128xf32, #tpu.memory_space<vmem>>
      %dma_wait3A_800 = arith.constant 0 : i32
      %dma_wait3A_801 = arith.constant 0 : i32
      %dma_wait3A_802 = tpu.memref_slice %arg5[%dma_wait3A_800, %dma_wait3A_801] : memref<16x1000000xf32, #tpu.memory_space<hbm>> -> memref<16x128xf32, #tpu.memory_space<hbm>>
      tpu.wait_dma2 semaphore(%arg16 : memref<!tpu.dma_semaphore, #tpu.memory_space<semaphore_mem>>) src(%dma_wait3A_802 : memref<16x128xf32, #tpu.memory_space<hbm>>) dst(%dma_wait3A_799 : memref<16x128xf32, #tpu.memory_space<vmem>>)
      %dma_wait3A_803 = arith.constant 0 : i32
      %dma_wait3A_804 = arith.constant 0 : i32
      %dma_wait3A_805 = arith.constant 0 : i32
      %dma_wait3A_806 = arith.constant 0 : i32
      %dma_wait3A_807 = tpu.memref_slice %arg11[%dma_wait3A_803, %dma_wait3A_804, %dma_wait3A_805, %dma_wait3A_806] : memref<2x16x16x128xf32, #tpu.memory_space<vmem>> -> memref<1x1x16x128xf32, #tpu.memory_space<vmem>>
      %dma_wait3A_808 = tpu.memref_squeeze %dma_wait3A_807 : memref<1x1x16x128xf32, #tpu.memory_space<vmem>> -> memref<16x128xf32, #tpu.memory_space<vmem>>
      %dma_wait3A_809 = arith.constant 0 : i32
      %dma_wait3A_810 = arith.constant 0 : i32
      %dma_wait3A_811 = tpu.memref_slice %arg5[%dma_wait3A_809, %dma_wait3A_810] : memref<16x1000000xf32, #tpu.memory_space<hbm>> -> memref<16x128xf32, #tpu.memory_space<hbm>>
      %dma_wait3A_812 = arith.constant 0 : i32
      %dma_wait3A_813 = arith.constant 0 : i32
      %dma_wait3A_814 = tpu.memref_slice %arg11[%dma_wait3A_803, %dma_wait3A_804, %dma_wait3A_812, %dma_wait3A_813] : memref<2x16x16x128xf32, #tpu.memory_space<vmem>> -> memref<1x1x16x128xf32, #tpu.memory_space<vmem>>
      %dma_wait3A_815 = tpu.memref_squeeze %dma_wait3A_814 : memref<1x1x16x128xf32, #tpu.memory_space<vmem>> -> memref<16x128xf32, #tpu.memory_space<vmem>>
      %dma_wait3A_816 = arith.constant 0 : i32
      %dma_wait3A_817 = arith.constant 0 : i32
      %dma_wait3A_818 = tpu.memref_slice %arg5[%dma_wait3A_816, %dma_wait3A_817] : memref<16x1000000xf32, #tpu.memory_space<hbm>> -> memref<16x128xf32, #tpu.memory_space<hbm>>
      tpu.wait_dma2 semaphore(%arg16 : memref<!tpu.dma_semaphore, #tpu.memory_space<semaphore_mem>>) src(%dma_wait3A_818 : memref<16x128xf32, #tpu.memory_space<hbm>>) dst(%dma_wait3A_815 : memref<16x128xf32, #tpu.memory_space<vmem>>)
      %dma_wait3A_819 = arith.constant 0 : i32
      %dma_wait3A_820 = arith.constant 0 : i32
      %dma_wait3A_821 = arith.constant 0 : i32
      %dma_wait3A_822 = arith.constant 0 : i32
      %dma_wait3A_823 = tpu.memref_slice %arg11[%dma_wait3A_819, %dma_wait3A_820, %dma_wait3A_821, %dma_wait3A_822] : memref<2x16x16x128xf32, #tpu.memory_space<vmem>> -> memref<1x1x16x128xf32, #tpu.memory_space<vmem>>
      %dma_wait3A_824 = tpu.memref_squeeze %dma_wait3A_823 : memref<1x1x16x128xf32, #tpu.memory_space<vmem>> -> memref<16x128xf32, #tpu.memory_space<vmem>>
      %dma_wait3A_825 = arith.constant 0 : i32
      %dma_wait3A_826 = arith.constant 0 : i32
      %dma_wait3A_827 = tpu.memref_slice %arg5[%dma_wait3A_825, %dma_wait3A_826] : memref<16x1000000xf32, #tpu.memory_space<hbm>> -> memref<16x128xf32, #tpu.memory_space<hbm>>
      %dma_wait3A_828 = arith.constant 0 : i32
      %dma_wait3A_829 = arith.constant 0 : i32
      %dma_wait3A_830 = tpu.memref_slice %arg11[%dma_wait3A_819, %dma_wait3A_820, %dma_wait3A_828, %dma_wait3A_829] : memref<2x16x16x128xf32, #tpu.memory_space<vmem>> -> memref<1x1x16x128xf32, #tpu.memory_space<vmem>>
      %dma_wait3A_831 = tpu.memref_squeeze %dma_wait3A_830 : memref<1x1x16x128xf32, #tpu.memory_space<vmem>> -> memref<16x128xf32, #tpu.memory_space<vmem>>
      %dma_wait3A_832 = arith.constant 0 : i32
      %dma_wait3A_833 = arith.constant 0 : i32
      %dma_wait3A_834 = tpu.memref_slice %arg5[%dma_wait3A_832, %dma_wait3A_833] : memref<16x1000000xf32, #tpu.memory_space<hbm>> -> memref<16x128xf32, #tpu.memory_space<hbm>>
      tpu.wait_dma2 semaphore(%arg16 : memref<!tpu.dma_semaphore, #tpu.memory_space<semaphore_mem>>) src(%dma_wait3A_834 : memref<16x128xf32, #tpu.memory_space<hbm>>) dst(%dma_wait3A_831 : memref<16x128xf32, #tpu.memory_space<vmem>>)
      %mul3A_835 = arith.constant 16 : i32
      %mul3A_836 = arith.muli %scan3A_575, %mul3A_835 : i32
      %get3A_837 = arith.index_cast %mul3A_836 : i32 to index
      %get3A_838 = tpu.vector_load %arg10[%get3A_837] {strides = array<i32>} : memref<512xi32, #tpu.memory_space<vmem>>, vector<16xi32>,
      %and3A_839 = arith.constant 127 : i32
      %and3A_840 = vector.broadcast %and3A_839 : i32 to vector<16xi32>
      %and3A_841 = arith.andi %get3A_838, %and3A_840 : vector<16xi32>
      %broadcast_in_dim3A = vector.broadcast %and3A_576 : i32 to vector<16xi32>
      %mul3A_842 = arith.constant 16 : i32
      %mul3A_843 = arith.muli %scan3A_575, %mul3A_842 : i32
      %get3A_844 = arith.index_cast %mul3A_843 : i32 to index
      %get3A_845 = tpu.vector_load %arg13[%get3A_844] {strides = array<i32>} : memref<512xf32, #tpu.memory_space<vmem>>, vector<16xf32>,
      %get3A_846 = arith.index_cast %mul3A_843 : i32 to index
      %get3A_847 = tpu.vector_load %arg14[%get3A_846] {strides = array<i32>} : memref<512xf32, #tpu.memory_space<vmem>>, vector<16xf32>,
      %add3A_848 = arith.addf %get3A_845, %get3A_847 : vector<16xf32>
      %broadcast_in_dim3A_849 = arith.constant 0 : i32
      %broadcast_in_dim3A_850 = vector.broadcast %broadcast_in_dim3A_849 : i32 to vector<16xi32>
      %gather3A = tpu.vector_load_idx %arg11[%broadcast_in_dim3A, %iota3A, %broadcast_in_dim3A_850, %and3A_841] : memref<2x16x16x128xf32, #tpu.memory_space<vmem>>[vector<16xi32>, vector<16xi32>, vector<16xi32>, vector<16xi32>], vector<16xf32>,
      %get3A_851 = arith.constant 0 : i32
      %get3A_852 = arith.index_cast %get3A_851 : i32 to index
      %get3A_853 = arith.index_cast %mul3A_843 : i32 to index
      %get3A_854 = tpu.vector_load %arg12[%get3A_852, %get3A_853] {strides = array<i32>} : memref<16x512xf32, #tpu.memory_space<vmem>>, vector<16xf32>,
      %add3A_855 = vector.broadcast %scan3A_569 : f32 to vector<16xf32>
      %add3A_856 = arith.addf %gather3A, %add3A_855 : vector<16xf32>
      %mul3A_857 = arith.mulf %get3A_854, %add3A_856 : vector<16xf32>
      %add3A_858 = arith.addf %add3A_848, %mul3A_857 : vector<16xf32>
      %broadcast_in_dim3A_859 = arith.constant 1 : i32
      %broadcast_in_dim3A_860 = vector.broadcast %broadcast_in_dim3A_859 : i32 to vector<16xi32>
      %gather3A_861 = tpu.vector_load_idx %arg11[%broadcast_in_dim3A, %iota3A, %broadcast_in_dim3A_860, %and3A_841] : memref<2x16x16x128xf32, #tpu.memory_space<vmem>>[vector<16xi32>, vector<16xi32>, vector<16xi32>, vector<16xi32>], vector<16xf32>,
      %get3A_862 = arith.constant 1 : i32
      %get3A_863 = arith.index_cast %get3A_862 : i32 to index
      %get3A_864 = arith.index_cast %mul3A_843 : i32 to index
      %get3A_865 = tpu.vector_load %arg12[%get3A_863, %get3A_864] {strides = array<i32>} : memref<16x512xf32, #tpu.memory_space<vmem>>, vector<16xf32>,
      %add3A_866 = vector.broadcast %scan3A_569 : f32 to vector<16xf32>
      %add3A_867 = arith.addf %gather3A_861, %add3A_866 : vector<16xf32>
      %mul3A_868 = arith.mulf %get3A_865, %add3A_867 : vector<16xf32>
      %add3A_869 = arith.addf %add3A_858, %mul3A_868 : vector<16xf32>
      %broadcast_in_dim3A_870 = arith.constant 2 : i32
      %broadcast_in_dim3A_871 = vector.broadcast %broadcast_in_dim3A_870 : i32 to vector<16xi32>
      %gather3A_872 = tpu.vector_load_idx %arg11[%broadcast_in_dim3A, %iota3A, %broadcast_in_dim3A_871, %and3A_841] : memref<2x16x16x128xf32, #tpu.memory_space<vmem>>[vector<16xi32>, vector<16xi32>, vector<16xi32>, vector<16xi32>], vector<16xf32>,
      %get3A_873 = arith.constant 2 : i32
      %get3A_874 = arith.index_cast %get3A_873 : i32 to index
      %get3A_875 = arith.index_cast %mul3A_843 : i32 to index
      %get3A_876 = tpu.vector_load %arg12[%get3A_874, %get3A_875] {strides = array<i32>} : memref<16x512xf32, #tpu.memory_space<vmem>>, vector<16xf32>,
      %add3A_877 = vector.broadcast %scan3A_569 : f32 to vector<16xf32>
      %add3A_878 = arith.addf %gather3A_872, %add3A_877 : vector<16xf32>
      %mul3A_879 = arith.mulf %get3A_876, %add3A_878 : vector<16xf32>
      %add3A_880 = arith.addf %add3A_869, %mul3A_879 : vector<16xf32>
      %broadcast_in_dim3A_881 = arith.constant 3 : i32
      %broadcast_in_dim3A_882 = vector.broadcast %broadcast_in_dim3A_881 : i32 to vector<16xi32>
      %gather3A_883 = tpu.vector_load_idx %arg11[%broadcast_in_dim3A, %iota3A, %broadcast_in_dim3A_882, %and3A_841] : memref<2x16x16x128xf32, #tpu.memory_space<vmem>>[vector<16xi32>, vector<16xi32>, vector<16xi32>, vector<16xi32>], vector<16xf32>,
      %get3A_884 = arith.constant 3 : i32
      %get3A_885 = arith.index_cast %get3A_884 : i32 to index
      %get3A_886 = arith.index_cast %mul3A_843 : i32 to index
      %get3A_887 = tpu.vector_load %arg12[%get3A_885, %get3A_886] {strides = array<i32>} : memref<16x512xf32, #tpu.memory_space<vmem>>, vector<16xf32>,
      %add3A_888 = vector.broadcast %scan3A_569 : f32 to vector<16xf32>
      %add3A_889 = arith.addf %gather3A_883, %add3A_888 : vector<16xf32>
      %mul3A_890 = arith.mulf %get3A_887, %add3A_889 : vector<16xf32>
      %add3A_891 = arith.addf %add3A_880, %mul3A_890 : vector<16xf32>
      %broadcast_in_dim3A_892 = arith.constant 4 : i32
      %broadcast_in_dim3A_893 = vector.broadcast %broadcast_in_dim3A_892 : i32 to vector<16xi32>
      %gather3A_894 = tpu.vector_load_idx %arg11[%broadcast_in_dim3A, %iota3A, %broadcast_in_dim3A_893, %and3A_841] : memref<2x16x16x128xf32, #tpu.memory_space<vmem>>[vector<16xi32>, vector<16xi32>, vector<16xi32>, vector<16xi32>], vector<16xf32>,
      %get3A_895 = arith.constant 4 : i32
      %get3A_896 = arith.index_cast %get3A_895 : i32 to index
      %get3A_897 = arith.index_cast %mul3A_843 : i32 to index
      %get3A_898 = tpu.vector_load %arg12[%get3A_896, %get3A_897] {strides = array<i32>} : memref<16x512xf32, #tpu.memory_space<vmem>>, vector<16xf32>,
      %add3A_899 = vector.broadcast %scan3A_569 : f32 to vector<16xf32>
      %add3A_900 = arith.addf %gather3A_894, %add3A_899 : vector<16xf32>
      %mul3A_901 = arith.mulf %get3A_898, %add3A_900 : vector<16xf32>
      %add3A_902 = arith.addf %add3A_891, %mul3A_901 : vector<16xf32>
      %broadcast_in_dim3A_903 = arith.constant 5 : i32
      %broadcast_in_dim3A_904 = vector.broadcast %broadcast_in_dim3A_903 : i32 to vector<16xi32>
      %gather3A_905 = tpu.vector_load_idx %arg11[%broadcast_in_dim3A, %iota3A, %broadcast_in_dim3A_904, %and3A_841] : memref<2x16x16x128xf32, #tpu.memory_space<vmem>>[vector<16xi32>, vector<16xi32>, vector<16xi32>, vector<16xi32>], vector<16xf32>,
      %get3A_906 = arith.constant 5 : i32
      %get3A_907 = arith.index_cast %get3A_906 : i32 to index
      %get3A_908 = arith.index_cast %mul3A_843 : i32 to index
      %get3A_909 = tpu.vector_load %arg12[%get3A_907, %get3A_908] {strides = array<i32>} : memref<16x512xf32, #tpu.memory_space<vmem>>, vector<16xf32>,
      %add3A_910 = vector.broadcast %scan3A_569 : f32 to vector<16xf32>
      %add3A_911 = arith.addf %gather3A_905, %add3A_910 : vector<16xf32>
      %mul3A_912 = arith.mulf %get3A_909, %add3A_911 : vector<16xf32>
      %add3A_913 = arith.addf %add3A_902, %mul3A_912 : vector<16xf32>
      %broadcast_in_dim3A_914 = arith.constant 6 : i32
      %broadcast_in_dim3A_915 = vector.broadcast %broadcast_in_dim3A_914 : i32 to vector<16xi32>
      %gather3A_916 = tpu.vector_load_idx %arg11[%broadcast_in_dim3A, %iota3A, %broadcast_in_dim3A_915, %and3A_841] : memref<2x16x16x128xf32, #tpu.memory_space<vmem>>[vector<16xi32>, vector<16xi32>, vector<16xi32>, vector<16xi32>], vector<16xf32>,
      %get3A_917 = arith.constant 6 : i32
      %get3A_918 = arith.index_cast %get3A_917 : i32 to index
      %get3A_919 = arith.index_cast %mul3A_843 : i32 to index
      %get3A_920 = tpu.vector_load %arg12[%get3A_918, %get3A_919] {strides = array<i32>} : memref<16x512xf32, #tpu.memory_space<vmem>>, vector<16xf32>,
      %add3A_921 = vector.broadcast %scan3A_569 : f32 to vector<16xf32>
      %add3A_922 = arith.addf %gather3A_916, %add3A_921 : vector<16xf32>
      %mul3A_923 = arith.mulf %get3A_920, %add3A_922 : vector<16xf32>
      %add3A_924 = arith.addf %add3A_913, %mul3A_923 : vector<16xf32>
      %broadcast_in_dim3A_925 = arith.constant 7 : i32
      %broadcast_in_dim3A_926 = vector.broadcast %broadcast_in_dim3A_925 : i32 to vector<16xi32>
      %gather3A_927 = tpu.vector_load_idx %arg11[%broadcast_in_dim3A, %iota3A, %broadcast_in_dim3A_926, %and3A_841] : memref<2x16x16x128xf32, #tpu.memory_space<vmem>>[vector<16xi32>, vector<16xi32>, vector<16xi32>, vector<16xi32>], vector<16xf32>,
      %get3A_928 = arith.constant 7 : i32
      %get3A_929 = arith.index_cast %get3A_928 : i32 to index
      %get3A_930 = arith.index_cast %mul3A_843 : i32 to index
      %get3A_931 = tpu.vector_load %arg12[%get3A_929, %get3A_930] {strides = array<i32>} : memref<16x512xf32, #tpu.memory_space<vmem>>, vector<16xf32>,
      %add3A_932 = vector.broadcast %scan3A_569 : f32 to vector<16xf32>
      %add3A_933 = arith.addf %gather3A_927, %add3A_932 : vector<16xf32>
      %mul3A_934 = arith.mulf %get3A_931, %add3A_933 : vector<16xf32>
      %add3A_935 = arith.addf %add3A_924, %mul3A_934 : vector<16xf32>
      %broadcast_in_dim3A_936 = arith.constant 8 : i32
      %broadcast_in_dim3A_937 = vector.broadcast %broadcast_in_dim3A_936 : i32 to vector<16xi32>
      %gather3A_938 = tpu.vector_load_idx %arg11[%broadcast_in_dim3A, %iota3A, %broadcast_in_dim3A_937, %and3A_841] : memref<2x16x16x128xf32, #tpu.memory_space<vmem>>[vector<16xi32>, vector<16xi32>, vector<16xi32>, vector<16xi32>], vector<16xf32>,
      %get3A_939 = arith.constant 8 : i32
      %get3A_940 = arith.index_cast %get3A_939 : i32 to index
      %get3A_941 = arith.index_cast %mul3A_843 : i32 to index
      %get3A_942 = tpu.vector_load %arg12[%get3A_940, %get3A_941] {strides = array<i32>} : memref<16x512xf32, #tpu.memory_space<vmem>>, vector<16xf32>,
      %add3A_943 = vector.broadcast %scan3A_569 : f32 to vector<16xf32>
      %add3A_944 = arith.addf %gather3A_938, %add3A_943 : vector<16xf32>
      %mul3A_945 = arith.mulf %get3A_942, %add3A_944 : vector<16xf32>
      %add3A_946 = arith.addf %add3A_935, %mul3A_945 : vector<16xf32>
      %broadcast_in_dim3A_947 = arith.constant 9 : i32
      %broadcast_in_dim3A_948 = vector.broadcast %broadcast_in_dim3A_947 : i32 to vector<16xi32>
      %gather3A_949 = tpu.vector_load_idx %arg11[%broadcast_in_dim3A, %iota3A, %broadcast_in_dim3A_948, %and3A_841] : memref<2x16x16x128xf32, #tpu.memory_space<vmem>>[vector<16xi32>, vector<16xi32>, vector<16xi32>, vector<16xi32>], vector<16xf32>,
      %get3A_950 = arith.constant 9 : i32
      %get3A_951 = arith.index_cast %get3A_950 : i32 to index
      %get3A_952 = arith.index_cast %mul3A_843 : i32 to index
      %get3A_953 = tpu.vector_load %arg12[%get3A_951, %get3A_952] {strides = array<i32>} : memref<16x512xf32, #tpu.memory_space<vmem>>, vector<16xf32>,
      %add3A_954 = vector.broadcast %scan3A_569 : f32 to vector<16xf32>
      %add3A_955 = arith.addf %gather3A_949, %add3A_954 : vector<16xf32>
      %mul3A_956 = arith.mulf %get3A_953, %add3A_955 : vector<16xf32>
      %add3A_957 = arith.addf %add3A_946, %mul3A_956 : vector<16xf32>
      %broadcast_in_dim3A_958 = arith.constant 10 : i32
      %broadcast_in_dim3A_959 = vector.broadcast %broadcast_in_dim3A_958 : i32 to vector<16xi32>
      %gather3A_960 = tpu.vector_load_idx %arg11[%broadcast_in_dim3A, %iota3A, %broadcast_in_dim3A_959, %and3A_841] : memref<2x16x16x128xf32, #tpu.memory_space<vmem>>[vector<16xi32>, vector<16xi32>, vector<16xi32>, vector<16xi32>], vector<16xf32>,
      %get3A_961 = arith.constant 10 : i32
      %get3A_962 = arith.index_cast %get3A_961 : i32 to index
      %get3A_963 = arith.index_cast %mul3A_843 : i32 to index
      %get3A_964 = tpu.vector_load %arg12[%get3A_962, %get3A_963] {strides = array<i32>} : memref<16x512xf32, #tpu.memory_space<vmem>>, vector<16xf32>,
      %add3A_965 = vector.broadcast %scan3A_569 : f32 to vector<16xf32>
      %add3A_966 = arith.addf %gather3A_960, %add3A_965 : vector<16xf32>
      %mul3A_967 = arith.mulf %get3A_964, %add3A_966 : vector<16xf32>
      %add3A_968 = arith.addf %add3A_957, %mul3A_967 : vector<16xf32>
      %broadcast_in_dim3A_969 = arith.constant 11 : i32
      %broadcast_in_dim3A_970 = vector.broadcast %broadcast_in_dim3A_969 : i32 to vector<16xi32>
      %gather3A_971 = tpu.vector_load_idx %arg11[%broadcast_in_dim3A, %iota3A, %broadcast_in_dim3A_970, %and3A_841] : memref<2x16x16x128xf32, #tpu.memory_space<vmem>>[vector<16xi32>, vector<16xi32>, vector<16xi32>, vector<16xi32>], vector<16xf32>,
      %get3A_972 = arith.constant 11 : i32
      %get3A_973 = arith.index_cast %get3A_972 : i32 to index
      %get3A_974 = arith.index_cast %mul3A_843 : i32 to index
      %get3A_975 = tpu.vector_load %arg12[%get3A_973, %get3A_974] {strides = array<i32>} : memref<16x512xf32, #tpu.memory_space<vmem>>, vector<16xf32>,
      %add3A_976 = vector.broadcast %scan3A_569 : f32 to vector<16xf32>
      %add3A_977 = arith.addf %gather3A_971, %add3A_976 : vector<16xf32>
      %mul3A_978 = arith.mulf %get3A_975, %add3A_977 : vector<16xf32>
      %add3A_979 = arith.addf %add3A_968, %mul3A_978 : vector<16xf32>
      %broadcast_in_dim3A_980 = arith.constant 12 : i32
      %broadcast_in_dim3A_981 = vector.broadcast %broadcast_in_dim3A_980 : i32 to vector<16xi32>
      %gather3A_982 = tpu.vector_load_idx %arg11[%broadcast_in_dim3A, %iota3A, %broadcast_in_dim3A_981, %and3A_841] : memref<2x16x16x128xf32, #tpu.memory_space<vmem>>[vector<16xi32>, vector<16xi32>, vector<16xi32>, vector<16xi32>], vector<16xf32>,
      %get3A_983 = arith.constant 12 : i32
      %get3A_984 = arith.index_cast %get3A_983 : i32 to index
      %get3A_985 = arith.index_cast %mul3A_843 : i32 to index
      %get3A_986 = tpu.vector_load %arg12[%get3A_984, %get3A_985] {strides = array<i32>} : memref<16x512xf32, #tpu.memory_space<vmem>>, vector<16xf32>,
      %add3A_987 = vector.broadcast %scan3A_569 : f32 to vector<16xf32>
      %add3A_988 = arith.addf %gather3A_982, %add3A_987 : vector<16xf32>
      %mul3A_989 = arith.mulf %get3A_986, %add3A_988 : vector<16xf32>
      %add3A_990 = arith.addf %add3A_979, %mul3A_989 : vector<16xf32>
      %broadcast_in_dim3A_991 = arith.constant 13 : i32
      %broadcast_in_dim3A_992 = vector.broadcast %broadcast_in_dim3A_991 : i32 to vector<16xi32>
      %gather3A_993 = tpu.vector_load_idx %arg11[%broadcast_in_dim3A, %iota3A, %broadcast_in_dim3A_992, %and3A_841] : memref<2x16x16x128xf32, #tpu.memory_space<vmem>>[vector<16xi32>, vector<16xi32>, vector<16xi32>, vector<16xi32>], vector<16xf32>,
      %get3A_994 = arith.constant 13 : i32
      %get3A_995 = arith.index_cast %get3A_994 : i32 to index
      %get3A_996 = arith.index_cast %mul3A_843 : i32 to index
      %get3A_997 = tpu.vector_load %arg12[%get3A_995, %get3A_996] {strides = array<i32>} : memref<16x512xf32, #tpu.memory_space<vmem>>, vector<16xf32>,
      %add3A_998 = vector.broadcast %scan3A_569 : f32 to vector<16xf32>
      %add3A_999 = arith.addf %gather3A_993, %add3A_998 : vector<16xf32>
      %mul3A_1000 = arith.mulf %get3A_997, %add3A_999 : vector<16xf32>
      %add3A_1001 = arith.addf %add3A_990, %mul3A_1000 : vector<16xf32>
      %broadcast_in_dim3A_1002 = arith.constant 14 : i32
      %broadcast_in_dim3A_1003 = vector.broadcast %broadcast_in_dim3A_1002 : i32 to vector<16xi32>
      %gather3A_1004 = tpu.vector_load_idx %arg11[%broadcast_in_dim3A, %iota3A, %broadcast_in_dim3A_1003, %and3A_841] : memref<2x16x16x128xf32, #tpu.memory_space<vmem>>[vector<16xi32>, vector<16xi32>, vector<16xi32>, vector<16xi32>], vector<16xf32>,
      %get3A_1005 = arith.constant 14 : i32
      %get3A_1006 = arith.index_cast %get3A_1005 : i32 to index
      %get3A_1007 = arith.index_cast %mul3A_843 : i32 to index
      %get3A_1008 = tpu.vector_load %arg12[%get3A_1006, %get3A_1007] {strides = array<i32>} : memref<16x512xf32, #tpu.memory_space<vmem>>, vector<16xf32>,
      %add3A_1009 = vector.broadcast %scan3A_569 : f32 to vector<16xf32>
      %add3A_1010 = arith.addf %gather3A_1004, %add3A_1009 : vector<16xf32>
      %mul3A_1011 = arith.mulf %get3A_1008, %add3A_1010 : vector<16xf32>
      %add3A_1012 = arith.addf %add3A_1001, %mul3A_1011 : vector<16xf32>
      %broadcast_in_dim3A_1013 = arith.constant 15 : i32
      %broadcast_in_dim3A_1014 = vector.broadcast %broadcast_in_dim3A_1013 : i32 to vector<16xi32>
      %gather3A_1015 = tpu.vector_load_idx %arg11[%broadcast_in_dim3A, %iota3A, %broadcast_in_dim3A_1014, %and3A_841] : memref<2x16x16x128xf32, #tpu.memory_space<vmem>>[vector<16xi32>, vector<16xi32>, vector<16xi32>, vector<16xi32>], vector<16xf32>,
      %get3A_1016 = arith.constant 15 : i32
      %get3A_1017 = arith.index_cast %get3A_1016 : i32 to index
      %get3A_1018 = arith.index_cast %mul3A_843 : i32 to index
      %get3A_1019 = tpu.vector_load %arg12[%get3A_1017, %get3A_1018] {strides = array<i32>} : memref<16x512xf32, #tpu.memory_space<vmem>>, vector<16xf32>,
      %add3A_1020 = vector.broadcast %scan3A_569 : f32 to vector<16xf32>
      %add3A_1021 = arith.addf %gather3A_1015, %add3A_1020 : vector<16xf32>
      %mul3A_1022 = arith.mulf %get3A_1019, %add3A_1021 : vector<16xf32>
      %add3A_1023 = arith.addf %add3A_1012, %mul3A_1022 : vector<16xf32>
      %neg3A = arith.constant 0.000000e+00 : f32
      %neg3A_1024 = vector.broadcast %neg3A : f32 to vector<16xf32>
      %neg3A_1025 = arith.subf %neg3A_1024, %add3A_1023 : vector<16xf32>
      %exp3A = math.exp %neg3A_1025 : vector<16xf32>
      %add3A_1026 = arith.constant 1.000000e+00 : f32
      %add3A_1027 = vector.broadcast %add3A_1026 : f32 to vector<16xf32>
      %add3A_1028 = arith.addf %add3A_1027, %exp3A : vector<16xf32>
      %div3A = arith.constant 1.000000e+00 : f32
      %div3A_1029 = vector.broadcast %div3A : f32 to vector<16xf32>
      %div3A_1030 = arith.divf %div3A_1029, %add3A_1028 : vector<16xf32>
      %swap3A = arith.index_cast %mul3A_843 : i32 to index
      %swap3A_1031 = tpu.vector_load %arg15[%swap3A] {strides = array<i32>} : memref<512xf32, #tpu.memory_space<vmem>>, vector<16xf32>,
      tpu.vector_store %arg15[%swap3A], %div3A_1030 {strides = array<i32>} : memref<512xf32, #tpu.memory_space<vmem>>, vector<16xf32>,
    }
    %scan3A_574 = arith.constant 32 : i32
    "tpu.region"() ({
      %run_scoped3A = tpu.sem_alloc : memref<!tpu.dma_semaphore, #tpu.memory_space<semaphore_mem>>
      %dma_start3A_575 = tpu.memref_slice %arg8[%mul3A_2] : memref<16384xf32, #tpu.memory_space<hbm>> -> memref<512xf32, #tpu.memory_space<hbm>>
      %dma_start3A_576 = tpu.memref_slice %arg8[%mul3A_2] : memref<16384xf32, #tpu.memory_space<hbm>> -> memref<512xf32, #tpu.memory_space<hbm>>
      tpu.enqueue_dma source(%arg15 : memref<512xf32, #tpu.memory_space<vmem>>) target(%dma_start3A_576 : memref<512xf32, #tpu.memory_space<hbm>>) target_semaphore(%run_scoped3A : memref<!tpu.dma_semaphore, #tpu.memory_space<semaphore_mem>>)
      %dma_wait3A_577 = tpu.memref_slice %arg8[%mul3A_2] : memref<16384xf32, #tpu.memory_space<hbm>> -> memref<512xf32, #tpu.memory_space<hbm>>
      %dma_wait3A_578 = tpu.memref_slice %arg8[%mul3A_2] : memref<16384xf32, #tpu.memory_space<hbm>> -> memref<512xf32, #tpu.memory_space<hbm>>
      tpu.wait_dma2 semaphore(%run_scoped3A : memref<!tpu.dma_semaphore, #tpu.memory_space<semaphore_mem>>) src(%arg15 : memref<512xf32, #tpu.memory_space<vmem>>) dst(%dma_wait3A_578 : memref<512xf32, #tpu.memory_space<hbm>>)
      tpu.yield
    }) : () -> ()
    return
  }
}

</mosaic_0001>

<sc_bundles>
// kernel: _svdpp.3.cloned.1.call-start
scs
__scs_entry_jumppad:
0x0: {  	(pc) =	sbr.rel $0x88, $3  }
0x1: {  	(tag) =	ssettag $0x0;
	lr =	simm.s32 $0x1  }
0x2: {  	[smem:$0x3F9B] =	sst lr;
	_ =	strace $0xD0000000  }
0x3: {  	_ = 	snop  }
0x4: {  	_ = 	snop  }
0x5: {  	_ = 	snop  }
0x6: {  	_ = 	snop  }
0x7: {  	_ = 	snop  }
__scs_overlays_trampoline_lowered:
0x8: {  	[smem:$0x3FAA] =	sst s0  }
0x9: {  	[smem:$0x3FAB] =	sst s1  }
0xa: {  	[smem:$0x3FAC] =	sst s2  }
0xb: {  	[smem:$0x3FAD] =	sst s3  }
0xc: {  	[smem:$0x3FAE] =	sst s4  }
0xd: {  	[smem:$0x3FAF] =	sst s5  }
0xe: {  	[smem:$0x3FB0] =	sst s6  }
0xf: {  	[smem:$0x3FB1] =	sst s7  }
0x10: {  	[smem:$0x3FB2] =	sst s8  }
0x11: {  	[smem:$0x3FB3] =	sst s9;
	s0 =	simm.s32 @!p0 $0x0  }
0x12: {  	s1 =	sld [smem:$0x3F99];
	s0 =	simm.s32 @p0 $0x1  }
0x13: {  	[smem:$0x3FB4] =	sst s0;
	s0 =	simm.s32 @!p1 $0x0  }
0x14: {  	s2 =	sld [smem:$0x3F98];
	s0 =	simm.s32 @p1 $0x1  }
0x15: {  	[smem:$0x3FB5] =	sst s0;
	s0 =	simm.s32 @!p2 $0x0  }
0x16: {  	s3 =	sld [smem:$0x3FDB];
	s0 =	simm.s32 @p2 $0x1  }
0x17: {  	s4 =	simm.s32 $0x1BF5;
	[smem:$0x3FB7] =	sst s0  }
0x18: {  	s0 =	sld [smem:$0x3F9A];
	_ =	swait.ge [sflag:s4], $0x0  }
0x19: {  	s7 =	sld [smem:$0x3F9B]  }
0x1a: {  	s8 =	sadd.s32 $0xFFFFE003, lr  }
0x1b: {  	s9 =	sadd.s32 $0xFFFFFEF7, lr;
	s5 =	simm.s32 $0xFFFFFFFF;
	p2 =	slt.u32 s8, $0xFFFFF086  }
0x1c: {  	p1 =	slt.u32 s9, $0xF7A;
	s5 =	simm.s32 @!p2 $0x0  }
0x1d: {  	s5 =	simm.s32 @p1 $0x1;
	p0 =	seq.s32 s7, s2  }
0x1e: {  	s7 =	smul.u32 @!p0 $0xF7A, s2;
	p2 =	seq.s32 @!p0 s5, $0x0  }
0x1f: {  	s9 =	smul.u32 $0xF7A, s1;
	s8 =	simm.s32 @!p0 $0x1BF5;
	p2 =	por !p2, p0  }
0x20: {  	[sflag:s8] =	ssyncset.s32 @!p0 $0xFFFFF086;
	s6 =	sadd.s32 @!p0 s3, s7;
	s7 =	simm.s32 @!p0 $0x108  }
0x21: {  	s3 =	sadd.s32 s3, s9;
	s6 =	sadd.s32 @!p0 $0x88, s6;
	s7 =	simm.s32 @p2 $0x1082  }
0x22: {  	[simem:s7], [sflag:s8] =	dma.local @!p0 [hbm:s6], $0xF7A  }
0x23: {  	s9 =	sor.u32 $0xD0000000, s2;
	s6 =	simm.s32 $0x108;
	_ =	swait.ge @!p0 [sflag:s8], $0x0  }
0x24: {  	s3 =	sadd.s32 $0x88, s3;
	s6 =	simm.s32 @!p1 $0x1082;
	[sflag:s4] =	ssyncset.s32 $0xFFFFF086  }
0x25: {  	[simem:s6], [sflag:s4] =	dma.local [hbm:s3], $0xF7A  }
0x26: {  	[smem:$0x3F9B] =	sst s1;
	(tag) =	ssettag s2;
	_ =	strace s9  }
0x27: {  	s1 =	sld [smem:$0x3FAB]  }
0x28: {  	s2 =	sld [smem:$0x3FAC]  }
0x29: {  	s4 =	sld [smem:$0x3FAE]  }
0x2a: {  	p0 =	seq.s32 s5, $0x0;
	s5 =	sld [smem:$0x3FAF]  }
0x2b: {  	s6 =	sld [smem:$0x3FB0]  }
0x2c: {  	s7 =	sld [smem:$0x3FB1]  }
0x2d: {  	s3 =	simm.s32 $0x108;
	s8 =	sld [smem:$0x3FB2]  }
0x2e: {  	s3 =	simm.s32 @!p0 $0x1082;
	s9 =	sld [smem:$0x3FB3]  }
0x2f: {  	lr =	sadd.s32 s0, s3;
	s0 =	sld [smem:$0x3FAA]  }
0x30: {  	s3 =	sld [smem:$0x3FAD]  }
0x31: {  	[smem:$0x3FB6] =	sst s10  }
0x32: {  	s10 =	sld [smem:$0x3FB4];
	_ =	sdelay $0x3  }
0x33: {  	p0 =	seq.s32 s10, $0x1;
	s10 =	sld [smem:$0x3FB6];
	_ =	sdelay $0x3  }
0x34: {  	[smem:$0x3FB6] =	sst s10  }
0x35: {  	s10 =	sld [smem:$0x3FB5];
	_ =	sdelay $0x3  }
0x36: {  	p1 =	seq.s32 s10, $0x1;
	s10 =	sld [smem:$0x3FB6];
	_ =	sdelay $0x3  }
0x37: {  	[smem:$0x3FB6] =	sst s10  }
0x38: {  	s10 =	sld [smem:$0x3FB7]  }
0x39: {  	_ = 	snop;
	(pc) =	sbr.ind lr, $3  }
0x3a: {  	_ = 	snop  }
0x3b: {  	_ = 	snop  }
0x3c: {  	p2 =	seq.s32 s10, $0x1;
	s10 =	sld [smem:$0x3FB6]  }
0x3d: {  	_ =	shalt  }
0x3e: {  	_ =	shalt  }
0x3f: {  	_ =	shalt  }
0x40: {  	_ =	shalt  }
0x41: {  	_ =	shalt  }
0x42: {  	_ =	shalt  }
0x43: {  	_ =	shalt  }
0x44: {  	_ =	shalt  }
0x45: {  	_ =	shalt  }
0x46: {  	_ =	shalt  }
0x47: {  	_ =	shalt  }
0x48: {  	_ =	shalt  }
0x49: {  	_ =	shalt  }
0x4a: {  	_ =	shalt  }
0x4b: {  	_ =	shalt  }
0x4c: {  	_ =	shalt  }
0x4d: {  	_ =	shalt  }
0x4e: {  	_ =	shalt  }
0x4f: {  	_ =	shalt  }
0x50: {  	_ =	shalt  }
0x51: {  	_ =	shalt  }
0x52: {  	_ =	shalt  }
0x53: {  	_ =	shalt  }
0x54: {  	_ =	shalt  }
0x55: {  	_ =	shalt  }
0x56: {  	_ =	shalt  }
0x57: {  	_ =	shalt  }
0x58: {  	_ =	shalt  }
0x59: {  	_ =	shalt  }
0x5a: {  	_ =	shalt  }
0x5b: {  	_ =	shalt  }
0x5c: {  	_ =	shalt  }
0x5d: {  	_ =	shalt  }
0x5e: {  	_ =	shalt  }
0x5f: {  	_ =	shalt  }
0x60: {  	_ =	shalt  }
0x61: {  	_ =	shalt  }
0x62: {  	_ =	shalt  }
0x63: {  	_ =	shalt  }
0x64: {  	_ =	shalt  }
0x65: {  	_ =	shalt  }
0x66: {  	_ =	shalt  }
0x67: {  	_ =	shalt  }
0x68: {  	_ =	shalt  }
0x69: {  	_ =	shalt  }
0x6a: {  	_ =	shalt  }
0x6b: {  	_ =	shalt  }
0x6c: {  	_ =	shalt  }
0x6d: {  	_ =	shalt  }
0x6e: {  	_ =	shalt  }
0x6f: {  	_ =	shalt  }
0x70: {  	_ =	shalt  }
0x71: {  	_ =	shalt  }
0x72: {  	_ =	shalt  }
0x73: {  	_ =	shalt  }
0x74: {  	_ =	shalt  }
0x75: {  	_ =	shalt  }
0x76: {  	_ =	shalt  }
0x77: {  	_ =	shalt  }
0x78: {  	_ =	shalt  }
0x79: {  	_ =	shalt  }
0x7a: {  	_ =	shalt  }
0x7b: {  	_ =	shalt  }
0x7c: {  	_ =	shalt  }
0x7d: {  	_ =	shalt  }
0x7e: {  	_ =	shalt  }
0x7f: {  	_ =	shalt  }
0x80: {  	_ =	shalt  }
0x81: {  	_ =	shalt  }
0x82: {  	_ =	shalt  }
0x83: {  	_ =	shalt  }
0x84: {  	_ =	shalt  }
0x85: {  	_ =	shalt  }
0x86: {  	_ =	shalt  }
0x87: {  	_ =	shalt  }
.Lfunc_end0:
.L_simem_size_0:
called_computation_lowered:
.L_overlay_start_0:
0x88: {  	s2 =	sld [smem:$0x3FD9]  }
0x89: {  	s3 =	sld [smem:$0x3FFE];
	_ =	sdelay $0x1  }
0x8a: {  	s1 =	srdreg.scid  }
0x8b: {  	s0 =	sand.u32 $0x1, s1  }
0x8c: {  	s18 =	sshll.u32 s0, $0xA;
	s2 =	sadd.s32 s3, s2  }
0x8d: {  	s2 =	sadd.s32 s2, s18  }
0x8e: {  	[smem:$0x3FC2] =	sst s2  }
0x8f: {  	_ = 	snop  }
0x90: {  	s2 =	sld [smem:$0x3FC9]  }
0x91: {  	s19 =	sld [smem:$0x3FC8]  }
0x92: {  	s4 =	sld [smem:$0x3FC7]  }
0x93: {  	s5 =	sld [smem:$0x3FC6]  }
0x94: {  	s6 =	sld [smem:$0x3FC5]  }
0x95: {  	s7 =	sld [smem:$0x3FC4]  }
0x96: {  	s8 =	sld [smem:$0x3FD0];
	(tm) =	ssettm $0x1  }
0x97: {  	s9 =	sld [smem:$0x3FFB];
	_ =	sdelay $0x3  }
0x98: {  	_ =	strace s9  }
0x99: {  	s9 =	sld [smem:$0x3FFC];
	_ =	sdelay $0x3  }
0x9a: {  	_ =	strace s9  }
0x9b: {  	s9 =	sld [smem:$0x3FFD];
	_ =	sdelay $0x3  }
0x9c: {  	_ =	strace s9  }
0x9d: {  	_ =	strace $0x8FFFFFFF  }
0x9e: {  	s20 =	sld [smem:$0x3FDB];
	_ =	sdelay $0x1  }
0x9f: {  	s10 =	simm.s32 $_scs_section_size  }
0xa0: {  	s11 =	simm.s32 $_size__tile_overlayer_lowered;
	s12 =	simm.s32 $_tile_overlayer_lowered  }
0xa1: {  	s23 =	simm.s32 $0x1BFF;
	s22 =	sshll.u32 s12, $0x1;
	s9 =	sadd.s32 s10, s20  }
0xa2: {  	s13 =	simm.s32 $0x0;
	s21 =	sshll.u32 s11, $0x1;
	s11 =	sadd.s32 s22, s9  }
0xa3: {  	[timem:s13], [sflag:s23] =	dma.local [hbm:s11], s21  }
0xa4: {  	_ =	swait.ge [sflag:s23], s21  }
0xa5: {  	s10 =	ssub.s32 $0x0, s21;
	[sflag:s23] =	ssyncset.done $0x0  }
0xa6: {  	[sflag:s23] =	ssyncadd.s32 s10;
	_ =	sdelay $0x1  }
0xa7: {  	s24 =	simm.s32 $0x1B8B  }
0xa8: {  	_ =	swait.ge [sflag:s24], $0x1  }
0xa9: {  	[sflag:s24] =	ssyncset.done $0x0  }
0xaa: {  	s25 =	simm.s32 $0x1B8E;
	[sflag:s24] =	ssyncadd.s32 $0xFFFFFFFF  }
0xab: {  	s26 =	simm.s32 $execute0_lowered;
	[smem:$0x3FD2] =	sst s25  }
0xac: {  	s10 =	sshll.u32 s26, $0x1;
	_ =	strace $0x80000046;
	[dreg:$0x1] =	wrdreg $0xFFFFFFFF  }
0xad: {  	s28 =	simm.s32 $_size_execute0_lowered;
	s9 =	sadd.s32 s9, s10;
	[dreg:$0x0] =	wrdreg $0x0  }
0xae: {  	s10 =	sshll.u32 s28, $0x1;
	[dreg:$0x2] =	wrdreg s9  }
0xaf: {  	[dreg:$0x3] =	wrdreg s10  }
0xb0: {  	[dreg:$0x4] =	wrdreg $0xC0  }
0xb1: {  	_ =	task [dreg:s13], $0x5FFFF  }
0xb2: {  	[dreg:$0x1] =	wrdreg $0xFFFFFFFF  }
0xb3: {  	[dreg:$0x0] =	wrdreg $0x60  }
0xb4: {  	[dreg:$0x2] =	wrdreg s2  }
0xb5: {  	[dreg:$0x3] =	wrdreg s19  }
0xb6: {  	[dreg:$0x4] =	wrdreg s4  }
0xb7: {  	[dreg:$0x5] =	wrdreg s5  }
0xb8: {  	[dreg:$0x6] =	wrdreg s6  }
0xb9: {  	[dreg:$0x7] =	wrdreg s7  }
0xba: {  	[dreg:$0x8] =	wrdreg s8  }
0xbb: {  	[dreg:$0x9] =	wrdreg $0x9  }
0xbc: {  	_ =	task.clear_ibuf [dreg:s13], $0xAFFFF;
	_ =	strace $0x90000046  }
0xbd: {  	s29 =	simm.s32 $0x9;
	_ =	strace $0x80000048  }
0xbe: {  	_ =	swait.ge [sflag:s29], $0x1  }
0xbf: {  	[sflag:s29] =	ssyncadd.s32 $0xFFFFFFFF  }
0xc0: {  	_ =	strace $0x90000048  }
0xc1: {  	_ =	sfence  }
0xc2: {  	s30 =	sld [smem:$0x0];
	_ =	sdelay $0x2  }
0xc3: {  	s31 =	sshll.u32 s1, $0xD;
	s1 =	sshrl.u32 s1, $0x2  }
0xc4: {  	s3 =	sand.u32 $0x4000, s31;
	s1 =	sadd.s32 s1, s30  }
0xc5: {  	s0 =	sor.u32 s3, s0;
	s1 =	sshll.u32 s1, $0x11  }
0xc6: {  	s0 =	sor.u32 s1, s0  }
0xc7: {  	s0 =	sadd.s32 $0x8F2B, s0  }
0xc8: {  	[sflag:s0] =	ssyncadd.remote.s32 $0x1  }
0xc9: {  	_ =	sfence.sel $0xFFFF  }
0xca: {  	[dreg:$0x0] =	wrdreg $0xFFFFFFFF;
	(pc) =	sbr.abs _section_cstart, $3  }
0xcb: {  	[dreg:$0x1] =	wrdreg $0xFFFFFFFF  }
0xcc: {  	_ =	task.clear_ibuf [dreg:s13], $0x2FFFF;
	_ =	strace $0x9FFFFFFF  }
0xcd: {  	(tm) =	ssettm $0x7FFFFFFF  }
tec
execute0_lowered:
.L_overlay_start_1:
0x0: {  	(tag) =	ssettag $0x1  }
0x1: {  	s0 =	rddreg [dreg:$0x0]  }
0x2: {  	s3 =	rddreg [dreg:$0x1]  }
0x3: {  	s1 =	rddreg [dreg:$0x2]  }
0x4: {  	s2 =	rddreg [dreg:$0x3]  }
0x5: {  	s4 =	rddreg [dreg:$0x6];
	s6 =	simm.s32 $0x0  }
0x6: {  	s5 =	srdreg.scid;
	s8 =	stileid.u32;
	s11 =	simm.s32 $0x3  }
0x7: {  	s12 =	simm.s32 $0x200;
	s15 =	simm.s32 $0x7A1400;
	s16 =	simm.s32 $0x400  }
0x8: {  	s18 =	simm.s32 $0x1400;
	s19 =	simm.s32 $0x1C00;
	s20 =	simm.s32 $0x2400  }
0x9: {  	s21 =	simm.s32 $0x2C00;
	s22 =	simm.s32 $0x3400;
	s23 =	simm.s32 $0x3C00  }
0xa: {  	s24 =	simm.s32 $0x4400;
	s25 =	simm.s32 $0x4C00;
	s28 =	simm.s32 $0x5C00  }
0xb: {  	v0 =	vlaneseq.u32;
	s29 =	simm.s32 $0x6400;
	s30 =	simm.s32 $0x6C00;
	s31 =	simm.s32 $0x7400  }
0xc: {  	s13 =	simm.s32 $0x0;
	[smem:$0x7FF] =	sst s6;
	s5 =	sand.u32 $0x1, s5;
	v0 =	vmul.u32 $0x800, v0  }
0xd: {  	s8 =	sshll.u32 s8, $0x7;
	s7 =	ssub.s32 $0x2, s5;
	s5 =	sshll.u32 s5, $0x6  }
.Ltmp0:
0xe: {  	s9 =	sshrl.u32 s7, $0x1;
	s5 =	sor.u32 s5, s8;
	v1 =	vor.u32 $0x80, v0;
	v2 =	vor.u32 $0x100, v0;
	v3 =	vor.u32 $0x180, v0;
	(pc) =	sbr.rel .LBB2_1-.Ltmp0, $4  }
0xf: {  	_ =	strace $0x80000047;
	v4 =	vor.u32 $0x200, v0;
	v5 =	vor.u32 $0x280, v0;
	v6 =	vor.u32 $0x300, v0;
	s7 =	ssub.s32 s7, s9;
	s0 =	sadd.s32 s0, s5  }
0x10: {  	v7 =	vor.u32 $0x380, v0;
	v8 =	vor.u32 $0x400, v0;
	v9 =	vor.u32 $0x480, v0;
	s26 =	sadd.s32 s3, s5;
	s9 =	sadd.s32 s4, s5;
	[dreg:$0x8] =	wrdreg s0  }
0x11: {  	v10 =	vor.u32 $0x500, v0;
	v11 =	vor.u32 $0x580, v0;
	v12 =	vor.u32 $0x600, v0;
	s5 =	simm.s32 $0x1;
	s3 =	simm.s32 $0x2;
	[dreg:$0x9] =	wrdreg s26  }
0x12: {  	v13 =	vor.u32 $0x680, v0;
	v14 =	vor.u32 $0x700, v0;
	v15 =	vor.u32 $0x780, v0;
	s10 =	smax.u32 s7, $0x1;
	s26 =	simm.s32 $0x5400;
	s0 =	simm.s32 $0x7C00  }
.LBB2_9:
0x13: {  	s13 =	sadd.s32 $0x1, s13  }
0x14: {  	p0 =	sne.s32 s13, s10  }
.Ltmp1:
0x15: {  	s4 =	simm.s32 $0x12800;
	(pc) =	sbr.rel @!p0 .LBB2_10-.Ltmp1, $4  }
0x16: {  	[hbm4b:s9+s6] =	stream.linear.scatter [tilespmem:s4], [sflag:$0x3], $0x200, $0x38;
	[tilespmem:$0x12A00] =	vst v63  }
0x17: {  	_ =	swait.ge [sflag:s11], $0x200  }
0x18: {  	[sflag:s11] =	ssyncset.done $0x0  }
0x19: {  	[sflag:s11] =	ssyncadd.s32 $0xFFFFFE00  }
.LBB2_1:
0x1a: {  	s4 =	rddreg [dreg:$0x8]  }
0x1b: {  	[tilespmem:s6], [sflag:$0x3] =	stream.linear.gather [hbm4b:s4+s6], $0x200, $0x38;
	[tilespmem:$0x12A00] =	vst v63  }
0x1c: {  	_ =	swait.ge [sflag:s11], $0x200  }
0x1d: {  	[sflag:s11] =	ssyncset.done $0x0  }
0x1e: {  	s14 =	rddreg [dreg:$0x9];
	[sflag:s11] =	ssyncadd.s32 $0xFFFFFE00  }
0x1f: {  	[tilespmem:s12], [sflag:$0x3] =	stream.linear.gather [hbm4b:s14+s6], $0x200, $0x38;
	[tilespmem:$0x12A00] =	vst v63  }
0x20: {  	_ =	swait.ge [sflag:s11], $0x200  }
0x21: {  	[sflag:s11] =	ssyncset.done $0x0  }
0x22: {  	[sflag:s11] =	ssyncadd.s32 $0xFFFFFE00  }
0x23: {  	s7 =	simm.s32 $0x12400;
	s17 =	rddreg [dreg:$0x4]  }
0x24: {  	[tilespmem:s7], [sflag:$0x2] =	stream.indirect.gather [hbm4b:s17+s12], $0x1, s6, s12, $0xb8;
	[tilespmem:$0x12A00] =	vst v63  }
0x25: {  	s14 =	simm.s32 $0x12600;
	s8 =	rddreg [dreg:$0x5]  }
0x26: {  	[tilespmem:s14], [sflag:$0x2] =	stream.indirect.gather [hbm4b:s8+s12], $0x1, s12, s12, $0xb8;
	[tilespmem:$0x12A00] =	vst v63  }
0x27: {  	v16 =	vld [tilespmem:$0x0];
	_ =	sdelay $0x4  }
0x28: {  	v16 =	vand.u32 $0xFFFFFF80, v16  }
0x29: {  	v16 =	vadd.s32 s1, v16  }
0x2a: {  	(v2sf) =	vpush v16, $0x0;
	_ =	sdelay $0x1  }
0x2b: {  	(v2sf) =	vpush v16, $0x1;
	_ =	sdelay $0x1  }
0x2c: {  	(v2sf) =	vpush v16, $0x2;
	_ =	sdelay $0x1  }
0x2d: {  	(v2sf) =	vpush v16, $0x3;
	_ =	sdelay $0x1  }
0x2e: {  	(v2sf) =	vpush v16, $0x4;
	_ =	sdelay $0x1  }
0x2f: {  	(v2sf) =	vpush v16, $0x5;
	_ =	sdelay $0x1  }
0x30: {  	(v2sf) =	vpush v16, $0x6;
	_ =	sdelay $0x1  }
0x31: {  	(v2sf) =	vpush v16, $0x7  }
0x32: {  	s17 =	spop (v2sf)  }
0x33: {  	(v2sf) =	vpush v16, $0x8;
	[tilespmem:s16], [sflag:$0x1] =	stream.strided.gather [hbm4b:s17+s16], $0x800, s15, s16, $0x38;
	[tilespmem:$0x12A00] =	vst v63  }
0x34: {  	s8 =	simm.s32 $0xC00;
	s7 =	spop (v2sf)  }
0x35: {  	(v2sf) =	vpush v16, $0x9;
	[tilespmem:s8], [sflag:$0x1] =	stream.strided.gather [hbm4b:s7+s16], $0x800, s15, s16, $0x38;
	[tilespmem:$0x12A00] =	vst v63  }
0x36: {  	s14 =	spop (v2sf)  }
0x37: {  	(v2sf) =	vpush v16, $0xA;
	[tilespmem:s18], [sflag:$0x1] =	stream.strided.gather [hbm4b:s14+s16], $0x800, s15, s16, $0x38;
	[tilespmem:$0x12A00] =	vst v63  }
0x38: {  	s17 =	spop (v2sf)  }
0x39: {  	(v2sf) =	vpush v16, $0xB;
	[tilespmem:s19], [sflag:$0x1] =	stream.strided.gather [hbm4b:s17+s16], $0x800, s15, s16, $0x38;
	[tilespmem:$0x12A00] =	vst v63  }
0x3a: {  	s7 =	spop (v2sf)  }
0x3b: {  	(v2sf) =	vpush v16, $0xC;
	[tilespmem:s20], [sflag:$0x1] =	stream.strided.gather [hbm4b:s7+s16], $0x800, s15, s16, $0x38;
	[tilespmem:$0x12A00] =	vst v63  }
0x3c: {  	s8 =	spop (v2sf)  }
0x3d: {  	(v2sf) =	vpush v16, $0xD;
	[tilespmem:s21], [sflag:$0x1] =	stream.strided.gather [hbm4b:s8+s16], $0x800, s15, s16, $0x38;
	[tilespmem:$0x12A00] =	vst v63  }
0x3e: {  	s14 =	spop (v2sf)  }
0x3f: {  	[tilespmem:s22], [sflag:$0x1] =	stream.strided.gather [hbm4b:s14+s16], $0x800, s15, s16, $0x38;
	[tilespmem:$0x12A00] =	vst v63  }
0x40: {  	(v2sf) =	vpush v16, $0xE;
	s17 =	spop (v2sf)  }
0x41: {  	[tilespmem:s23], [sflag:$0x1] =	stream.strided.gather [hbm4b:s17+s16], $0x800, s15, s16, $0x38;
	[tilespmem:$0x12A00] =	vst v63  }
0x42: {  	(v2sf) =	vpush v16, $0xF;
	s7 =	spop (v2sf)  }
0x43: {  	[tilespmem:s24], [sflag:$0x1] =	stream.strided.gather [hbm4b:s7+s16], $0x800, s15, s16, $0x38;
	[tilespmem:$0x12A00] =	vst v63  }
0x44: {  	s8 =	spop (v2sf)  }
0x45: {  	[tilespmem:s25], [sflag:$0x1] =	stream.strided.gather [hbm4b:s8+s16], $0x800, s15, s16, $0x38;
	[tilespmem:$0x12A00] =	vst v63  }
0x46: {  	s14 =	spop (v2sf)  }
0x47: {  	[tilespmem:s26], [sflag:$0x1] =	stream.strided.gather [hbm4b:s14+s16], $0x800, s15, s16, $0x38;
	[tilespmem:$0x12A00] =	vst v63  }
0x48: {  	s17 =	spop (v2sf)  }
0x49: {  	[tilespmem:s28], [sflag:$0x1] =	stream.strided.gather [hbm4b:s17+s16], $0x800, s15, s16, $0x38;
	[tilespmem:$0x12A00] =	vst v63  }
0x4a: {  	s7 =	spop (v2sf)  }
0x4b: {  	[tilespmem:s29], [sflag:$0x1] =	stream.strided.gather [hbm4b:s7+s16], $0x800, s15, s16, $0x38;
	[tilespmem:$0x12A00] =	vst v63  }
0x4c: {  	s8 =	spop (v2sf)  }
0x4d: {  	[tilespmem:s30], [sflag:$0x1] =	stream.strided.gather [hbm4b:s8+s16], $0x800, s15, s16, $0x38;
	[tilespmem:$0x12A00] =	vst v63  }
.Ltmp2:
0x4e: {  	_ = 	snop;
	(pc) =	sbr.rel .LBB2_2-.Ltmp2, $4  }
0x4f: {  	s14 =	spop (v2sf)  }
0x50: {  	[tilespmem:s31], [sflag:$0x1] =	stream.strided.gather [hbm4b:s14+s16], $0x800, s15, s16, $0x38;
	[tilespmem:$0x12A00] =	vst v63  }
0x51: {  	s17 =	spop (v2sf);
	s14 =	simm.s32 $0x0  }
0x52: {  	[tilespmem:s0], [sflag:$0x1] =	stream.strided.gather [hbm4b:s17+s16], $0x800, s15, s16, $0x38;
	[tilespmem:$0x12A00] =	vst v63  }
.LBB2_4:
0x53: {  	_ =	swait.ge [sflag:s5], $0x800  }
0x54: {  	[sflag:s5] =	ssyncset.done $0x0  }
0x55: {  	[sflag:s5] =	ssyncadd.s32 $0xFFFFF800  }
0x56: {  	_ =	swait.ge [sflag:s5], $0x800  }
0x57: {  	[sflag:s5] =	ssyncset.done $0x0  }
0x58: {  	[sflag:s5] =	ssyncadd.s32 $0xFFFFF800  }
0x59: {  	_ =	swait.ge [sflag:s5], $0x800  }
0x5a: {  	[sflag:s5] =	ssyncset.done $0x0  }
0x5b: {  	[sflag:s5] =	ssyncadd.s32 $0xFFFFF800  }
0x5c: {  	_ =	swait.ge [sflag:s5], $0x800  }
0x5d: {  	[sflag:s5] =	ssyncset.done $0x0  }
0x5e: {  	[sflag:s5] =	ssyncadd.s32 $0xFFFFF800  }
0x5f: {  	_ =	swait.ge [sflag:s5], $0x800  }
0x60: {  	[sflag:s5] =	ssyncset.done $0x0  }
0x61: {  	[sflag:s5] =	ssyncadd.s32 $0xFFFFF800  }
0x62: {  	_ =	swait.ge [sflag:s5], $0x800  }
0x63: {  	[sflag:s5] =	ssyncset.done $0x0  }
0x64: {  	[sflag:s5] =	ssyncadd.s32 $0xFFFFF800  }
0x65: {  	_ =	swait.ge [sflag:s5], $0x800  }
0x66: {  	[sflag:s5] =	ssyncset.done $0x0  }
0x67: {  	[sflag:s5] =	ssyncadd.s32 $0xFFFFF800  }
0x68: {  	_ =	swait.ge [sflag:s5], $0x800  }
0x69: {  	[sflag:s5] =	ssyncset.done $0x0  }
0x6a: {  	[sflag:s5] =	ssyncadd.s32 $0xFFFFF800  }
0x6b: {  	_ =	swait.ge [sflag:s5], $0x800  }
0x6c: {  	[sflag:s5] =	ssyncset.done $0x0  }
0x6d: {  	[sflag:s5] =	ssyncadd.s32 $0xFFFFF800  }
0x6e: {  	_ =	swait.ge [sflag:s5], $0x800  }
0x6f: {  	[sflag:s5] =	ssyncset.done $0x0  }
0x70: {  	[sflag:s5] =	ssyncadd.s32 $0xFFFFF800  }
0x71: {  	_ =	swait.ge [sflag:s5], $0x800  }
0x72: {  	[sflag:s5] =	ssyncset.done $0x0  }
0x73: {  	[sflag:s5] =	ssyncadd.s32 $0xFFFFF800  }
0x74: {  	_ =	swait.ge [sflag:s5], $0x800  }
0x75: {  	[sflag:s5] =	ssyncset.done $0x0  }
0x76: {  	[sflag:s5] =	ssyncadd.s32 $0xFFFFF800  }
0x77: {  	_ =	swait.ge [sflag:s5], $0x800  }
0x78: {  	[sflag:s5] =	ssyncset.done $0x0  }
0x79: {  	[sflag:s5] =	ssyncadd.s32 $0xFFFFF800  }
0x7a: {  	_ =	swait.ge [sflag:s5], $0x800  }
0x7b: {  	[sflag:s5] =	ssyncset.done $0x0  }
0x7c: {  	[sflag:s5] =	ssyncadd.s32 $0xFFFFF800  }
0x7d: {  	_ =	swait.ge [sflag:s5], $0x800  }
0x7e: {  	[sflag:s5] =	ssyncset.done $0x0  }
0x7f: {  	[sflag:s5] =	ssyncadd.s32 $0xFFFFF800  }
0x80: {  	_ =	swait.ge [sflag:s5], $0x800  }
0x81: {  	[sflag:s5] =	ssyncset.done $0x0  }
0x82: {  	s7 =	sshll.u32 s14, $0x4;
	[sflag:s5] =	ssyncadd.s32 $0xFFFFF800  }
0x83: {  	v16 =	vld [tilespmem:s7+$0x0];
	_ =	sdelay $0x3  }
0x84: {  	s8 =	sand.u32 $0x1, s14  }
0x85: {  	s8 =	sshll.u32 s8, $0xF;
	v16 =	vand.u32 $0x7F, v16  }
0x86: {  	v16 =	vor.u32 s8, v16  }
0x87: {  	v17 =	vor.u32 v0, v16;
	_ =	sdelay $0x4  }
0x88: {  	v17 =	vld.idx.msk [tilespmem:v17+s16+$0x0], $0xffff  }
0x89: {  	v18 =	vor.u32 v1, v16  }
0x8a: {  	s8 =	sshll.u32 s14, $0x7  }
0x8b: {  	s14 =	sand.u32 $0x70, s7;
	s17 =	sand.u32 $0xC00, s8  }
0x8c: {  	s14 =	sor.u32 s14, s17  }
0x8d: {  	[tilespmem:s14+$0x10400] =	vst v17  }
0x8e: {  	v17 =	vld.idx.msk [tilespmem:v18+s16+$0x0], $0xffff  }
0x8f: {  	v51 =	vor.u32 v2, v16;
	_ =	sdelay $0x2  }
0x90: {  	s17 =	sadd.s32 $0x10400, s14  }
0x91: {  	[tilespmem:s17+$0x80] =	vst v17  }
0x92: {  	v17 =	vld.idx.msk [tilespmem:v51+s16+$0x0], $0xffff  }
0x93: {  	v52 =	vor.u32 v3, v16;
	_ =	sdelay $0x3  }
0x94: {  	[tilespmem:s17+$0x100] =	vst v17  }
0x95: {  	v17 =	vld.idx.msk [tilespmem:v52+s16+$0x0], $0xffff  }
0x96: {  	v53 =	vor.u32 v4, v16;
	_ =	sdelay $0x3  }
0x97: {  	[tilespmem:s17+$0x180] =	vst v17  }
0x98: {  	v17 =	vld.idx.msk [tilespmem:v53+s16+$0x0], $0xffff  }
0x99: {  	v54 =	vor.u32 v5, v16;
	_ =	sdelay $0x3  }
0x9a: {  	[tilespmem:s17+$0x200] =	vst v17  }
0x9b: {  	v17 =	vld.idx.msk [tilespmem:v54+s16+$0x0], $0xffff  }
0x9c: {  	v55 =	vor.u32 v6, v16;
	_ =	sdelay $0x3  }
0x9d: {  	[tilespmem:s17+$0x280] =	vst v17  }
0x9e: {  	v17 =	vld.idx.msk [tilespmem:v55+s16+$0x0], $0xffff  }
0x9f: {  	v56 =	vor.u32 v7, v16;
	_ =	sdelay $0x3  }
0xa0: {  	[tilespmem:s17+$0x300] =	vst v17  }
0xa1: {  	v17 =	vld.idx.msk [tilespmem:v56+s16+$0x0], $0xffff  }
0xa2: {  	v57 =	vor.u32 v8, v16;
	_ =	sdelay $0x1  }
0xa3: {  	s7 =	sor.u32 s8, s7  }
0xa4: {  	s7 =	sor.u32 $0x380, s7  }
0xa5: {  	[tilespmem:s7+$0x10400] =	vst v17  }
0xa6: {  	v17 =	vld.idx.msk [tilespmem:v57+s16+$0x0], $0xffff  }
0xa7: {  	v58 =	vor.u32 v9, v16;
	_ =	sdelay $0x3  }
0xa8: {  	[tilespmem:s14+$0x11400] =	vst v17  }
0xa9: {  	v17 =	vld.idx.msk [tilespmem:v58+s16+$0x0], $0xffff  }
0xaa: {  	v59 =	vor.u32 v10, v16;
	_ =	sdelay $0x3  }
0xab: {  	[tilespmem:s14+$0x11480] =	vst v17  }
0xac: {  	v17 =	vld.idx.msk [tilespmem:v59+s16+$0x0], $0xffff  }
0xad: {  	v60 =	vor.u32 v11, v16;
	_ =	sdelay $0x3  }
0xae: {  	[tilespmem:s14+$0x11500] =	vst v17  }
0xaf: {  	v17 =	vld.idx.msk [tilespmem:v60+s16+$0x0], $0xffff  }
0xb0: {  	v61 =	vor.u32 v12, v16;
	_ =	sdelay $0x3  }
0xb1: {  	[tilespmem:s14+$0x11580] =	vst v17  }
0xb2: {  	v17 =	vld.idx.msk [tilespmem:v61+s16+$0x0], $0xffff  }
0xb3: {  	v62 =	vor.u32 v13, v16;
	_ =	sdelay $0x3  }
0xb4: {  	[tilespmem:s14+$0x11600] =	vst v17  }
0xb5: {  	v17 =	vld.idx.msk [tilespmem:v62+s16+$0x0], $0xffff  }
0xb6: {  	v63 =	vor.u32 v14, v16;
	_ =	sdelay $0x3  }
0xb7: {  	[tilespmem:s14+$0x11680] =	vst v17  }
0xb8: {  	v17 =	vld.idx.msk [tilespmem:v63+s16+$0x0], $0xffff  }
0xb9: {  	v16 =	vor.u32 v15, v16;
	_ =	sdelay $0x3  }
0xba: {  	[tilespmem:s14+$0x11700] =	vst v17  }
0xbb: {  	p0 =	sne.s32 s4, $0x20;
	v16 =	vld.idx.msk [tilespmem:v16+s16+$0x0], $0xffff  }
.Ltmp3:
0xbc: {  	_ = 	snop;
	(pc) =	sbr.rel @!p0 .LBB2_5-.Ltmp3, $2  }
0xbd: {  	_ =	sdelay $0x2  }
0xbe: {  	[tilespmem:s14+$0x11780] =	vst v16;
	s14 =	smov.u32 s4  }
.LBB2_2:
0xbf: {  	p0 =	seq.s32 s14, $0x1F  }
.Ltmp4:
0xc0: {  	_ = 	snop;
	(pc) =	sbr.rel @p0 .LBB2_4-.Ltmp4, $2  }
0xc1: {  	_ =	sdelay $0x2  }
0xc2: {  	s4 =	simm.s32 $0x20  }
0xc3: {  	s4 =	sadd.s32 $0x1, s14  }
0xc4: {  	s7 =	sshll.u32 s4, $0x4  }
0xc5: {  	s7 =	sand.u32 $0x3FFFFFF0, s7  }
0xc6: {  	v16 =	vld [tilespmem:s7+$0x0];
	_ =	sdelay $0x4  }
0xc7: {  	v16 =	vand.u32 $0xFFFFFF80, v16  }
0xc8: {  	v16 =	vadd.s32 s1, v16  }
0xc9: {  	(v2sf) =	vpush v16, $0x0;
	_ =	sdelay $0x1  }
0xca: {  	(v2sf) =	vpush v16, $0x1;
	_ =	sdelay $0x1  }
0xcb: {  	(v2sf) =	vpush v16, $0x2;
	_ =	sdelay $0x1  }
0xcc: {  	(v2sf) =	vpush v16, $0x3;
	_ =	sdelay $0x1  }
0xcd: {  	(v2sf) =	vpush v16, $0x4;
	_ =	sdelay $0x1  }
0xce: {  	(v2sf) =	vpush v16, $0x5;
	_ =	sdelay $0x1  }
0xcf: {  	(v2sf) =	vpush v16, $0x6  }
0xd0: {  	s8 =	sshll.u32 s4, $0xF  }
0xd1: {  	s7 =	sand.u32 $0x8000, s8;
	(v2sf) =	vpush v16, $0x7  }
0xd2: {  	s8 =	sor.u32 $0x400, s7;
	s17 =	spop (v2sf)  }
0xd3: {  	(v2sf) =	vpush v16, $0x8;
	[tilespmem:s8], [sflag:$0x1] =	stream.strided.gather [hbm4b:s17+s16], $0x800, s15, s16, $0x38;
	[tilespmem:$0x12A00] =	vst v63  }
0xd4: {  	s8 =	sor.u32 $0xC00, s7;
	s17 =	spop (v2sf)  }
0xd5: {  	(v2sf) =	vpush v16, $0x9;
	[tilespmem:s8], [sflag:$0x1] =	stream.strided.gather [hbm4b:s17+s16], $0x800, s15, s16, $0x38;
	[tilespmem:$0x12A00] =	vst v63  }
0xd6: {  	s8 =	sor.u32 $0x1400, s7;
	s17 =	spop (v2sf)  }
0xd7: {  	(v2sf) =	vpush v16, $0xA;
	[tilespmem:s8], [sflag:$0x1] =	stream.strided.gather [hbm4b:s17+s16], $0x800, s15, s16, $0x38;
	[tilespmem:$0x12A00] =	vst v63  }
0xd8: {  	s8 =	sor.u32 $0x1C00, s7;
	s17 =	spop (v2sf)  }
0xd9: {  	(v2sf) =	vpush v16, $0xB;
	[tilespmem:s8], [sflag:$0x1] =	stream.strided.gather [hbm4b:s17+s16], $0x800, s15, s16, $0x38;
	[tilespmem:$0x12A00] =	vst v63  }
0xda: {  	s8 =	sor.u32 $0x2400, s7;
	s17 =	spop (v2sf)  }
0xdb: {  	(v2sf) =	vpush v16, $0xC;
	[tilespmem:s8], [sflag:$0x1] =	stream.strided.gather [hbm4b:s17+s16], $0x800, s15, s16, $0x38;
	[tilespmem:$0x12A00] =	vst v63  }
0xdc: {  	s8 =	sor.u32 $0x2C00, s7;
	s17 =	spop (v2sf)  }
0xdd: {  	(v2sf) =	vpush v16, $0xD;
	[tilespmem:s8], [sflag:$0x1] =	stream.strided.gather [hbm4b:s17+s16], $0x800, s15, s16, $0x38;
	[tilespmem:$0x12A00] =	vst v63  }
0xde: {  	s8 =	sor.u32 $0x3400, s7;
	s17 =	spop (v2sf)  }
0xdf: {  	[tilespmem:s8], [sflag:$0x1] =	stream.strided.gather [hbm4b:s17+s16], $0x800, s15, s16, $0x38;
	[tilespmem:$0x12A00] =	vst v63  }
0xe0: {  	(v2sf) =	vpush v16, $0xE;
	s8 =	sor.u32 $0x3C00, s7;
	s17 =	spop (v2sf)  }
0xe1: {  	[tilespmem:s8], [sflag:$0x1] =	stream.strided.gather [hbm4b:s17+s16], $0x800, s15, s16, $0x38;
	[tilespmem:$0x12A00] =	vst v63  }
0xe2: {  	(v2sf) =	vpush v16, $0xF;
	s8 =	spop (v2sf);
	s17 =	sor.u32 $0x4400, s7  }
0xe3: {  	[tilespmem:s17], [sflag:$0x1] =	stream.strided.gather [hbm4b:s8+s16], $0x800, s15, s16, $0x38;
	[tilespmem:$0x12A00] =	vst v63  }
0xe4: {  	s8 =	spop (v2sf);
	s17 =	sor.u32 $0x4C00, s7  }
0xe5: {  	[tilespmem:s17], [sflag:$0x1] =	stream.strided.gather [hbm4b:s8+s16], $0x800, s15, s16, $0x38;
	[tilespmem:$0x12A00] =	vst v63  }
0xe6: {  	s8 =	spop (v2sf);
	s17 =	sor.u32 $0x5400, s7  }
0xe7: {  	[tilespmem:s17], [sflag:$0x1] =	stream.strided.gather [hbm4b:s8+s16], $0x800, s15, s16, $0x38;
	[tilespmem:$0x12A00] =	vst v63  }
0xe8: {  	s8 =	spop (v2sf);
	s17 =	sor.u32 $0x5C00, s7  }
0xe9: {  	[tilespmem:s17], [sflag:$0x1] =	stream.strided.gather [hbm4b:s8+s16], $0x800, s15, s16, $0x38;
	[tilespmem:$0x12A00] =	vst v63  }
0xea: {  	s8 =	spop (v2sf);
	s17 =	sor.u32 $0x6400, s7  }
0xeb: {  	[tilespmem:s17], [sflag:$0x1] =	stream.strided.gather [hbm4b:s8+s16], $0x800, s15, s16, $0x38;
	[tilespmem:$0x12A00] =	vst v63  }
0xec: {  	s8 =	spop (v2sf);
	s17 =	sor.u32 $0x6C00, s7  }
0xed: {  	[tilespmem:s17], [sflag:$0x1] =	stream.strided.gather [hbm4b:s8+s16], $0x800, s15, s16, $0x38;
	[tilespmem:$0x12A00] =	vst v63  }
.Ltmp5:
0xee: {  	_ = 	snop;
	(pc) =	sbr.rel .LBB2_4-.Ltmp5, $4  }
0xef: {  	s8 =	spop (v2sf);
	s17 =	sor.u32 $0x7400, s7  }
0xf0: {  	[tilespmem:s17], [sflag:$0x1] =	stream.strided.gather [hbm4b:s8+s16], $0x800, s15, s16, $0x38;
	[tilespmem:$0x12A00] =	vst v63  }
0xf1: {  	s7 =	sor.u32 $0x7C00, s7;
	s17 =	spop (v2sf)  }
0xf2: {  	[tilespmem:s7], [sflag:$0x1] =	stream.strided.gather [hbm4b:s17+s16], $0x800, s15, s16, $0x38;
	[tilespmem:$0x12A00] =	vst v63  }
.LBB2_5:
0xf3: {  	_ =	swait.ge [sflag:s3], $0x200  }
0xf4: {  	[sflag:s3] =	ssyncset.done $0x0  }
0xf5: {  	[sflag:s3] =	ssyncadd.s32 $0xFFFFFE00  }
0xf6: {  	_ =	swait.ge [sflag:s3], $0x200  }
0xf7: {  	[sflag:s3] =	ssyncset.done $0x0  }
0xf8: {  	[sflag:s3] =	ssyncadd.s32 $0xFFFFFE00  }
0xf9: {  	v16 =	vld [tilespmem:$0x200];
	_ =	sdelay $0x4  }
0xfa: {  	v16 =	vand.u32 $0xFFFFFF80, v16  }
0xfb: {  	v16 =	vadd.s32 s2, v16  }
0xfc: {  	(v2sf) =	vpush v16, $0x0;
	_ =	sdelay $0x1  }
0xfd: {  	(v2sf) =	vpush v16, $0x1;
	_ =	sdelay $0x1  }
0xfe: {  	(v2sf) =	vpush v16, $0x2;
	_ =	sdelay $0x1  }
0xff: {  	(v2sf) =	vpush v16, $0x3;
	_ =	sdelay $0x1  }
0x100: {  	(v2sf) =	vpush v16, $0x4;
	_ =	sdelay $0x1  }
0x101: {  	(v2sf) =	vpush v16, $0x5;
	_ =	sdelay $0x1  }
0x102: {  	(v2sf) =	vpush v16, $0x6;
	_ =	sdelay $0x1  }
0x103: {  	(v2sf) =	vpush v16, $0x7  }
0x104: {  	s4 =	spop (v2sf)  }
0x105: {  	(v2sf) =	vpush v16, $0x8;
	[tilespmem:s16], [sflag:$0x1] =	stream.strided.gather [hbm4b:s4+s16], $0x800, s15, s16, $0x38;
	[tilespmem:$0x12A00] =	vst v63  }
0x106: {  	s7 =	simm.s32 $0xC00;
	s8 =	spop (v2sf)  }
0x107: {  	(v2sf) =	vpush v16, $0x9;
	[tilespmem:s7], [sflag:$0x1] =	stream.strided.gather [hbm4b:s8+s16], $0x800, s15, s16, $0x38;
	[tilespmem:$0x12A00] =	vst v63  }
0x108: {  	s14 =	spop (v2sf)  }
0x109: {  	(v2sf) =	vpush v16, $0xA;
	[tilespmem:s18], [sflag:$0x1] =	stream.strided.gather [hbm4b:s14+s16], $0x800, s15, s16, $0x38;
	[tilespmem:$0x12A00] =	vst v63  }
0x10a: {  	s17 =	spop (v2sf)  }
0x10b: {  	(v2sf) =	vpush v16, $0xB;
	[tilespmem:s19], [sflag:$0x1] =	stream.strided.gather [hbm4b:s17+s16], $0x800, s15, s16, $0x38;
	[tilespmem:$0x12A00] =	vst v63  }
0x10c: {  	s7 =	spop (v2sf)  }
0x10d: {  	(v2sf) =	vpush v16, $0xC;
	[tilespmem:s20], [sflag:$0x1] =	stream.strided.gather [hbm4b:s7+s16], $0x800, s15, s16, $0x38;
	[tilespmem:$0x12A00] =	vst v63  }
0x10e: {  	s8 =	spop (v2sf)  }
0x10f: {  	(v2sf) =	vpush v16, $0xD;
	[tilespmem:s21], [sflag:$0x1] =	stream.strided.gather [hbm4b:s8+s16], $0x800, s15, s16, $0x38;
	[tilespmem:$0x12A00] =	vst v63  }
0x110: {  	s14 =	spop (v2sf)  }
0x111: {  	[tilespmem:s22], [sflag:$0x1] =	stream.strided.gather [hbm4b:s14+s16], $0x800, s15, s16, $0x38;
	[tilespmem:$0x12A00] =	vst v63  }
0x112: {  	(v2sf) =	vpush v16, $0xE;
	s17 =	spop (v2sf)  }
0x113: {  	[tilespmem:s23], [sflag:$0x1] =	stream.strided.gather [hbm4b:s17+s16], $0x800, s15, s16, $0x38;
	[tilespmem:$0x12A00] =	vst v63  }
0x114: {  	(v2sf) =	vpush v16, $0xF;
	s7 =	spop (v2sf)  }
0x115: {  	[tilespmem:s24], [sflag:$0x1] =	stream.strided.gather [hbm4b:s7+s16], $0x800, s15, s16, $0x38;
	[tilespmem:$0x12A00] =	vst v63  }
0x116: {  	s8 =	spop (v2sf)  }
0x117: {  	[tilespmem:s25], [sflag:$0x1] =	stream.strided.gather [hbm4b:s8+s16], $0x800, s15, s16, $0x38;
	[tilespmem:$0x12A00] =	vst v63  }
0x118: {  	s14 =	spop (v2sf)  }
0x119: {  	[tilespmem:s26], [sflag:$0x1] =	stream.strided.gather [hbm4b:s14+s16], $0x800, s15, s16, $0x38;
	[tilespmem:$0x12A00] =	vst v63  }
0x11a: {  	s17 =	spop (v2sf)  }
0x11b: {  	[tilespmem:s28], [sflag:$0x1] =	stream.strided.gather [hbm4b:s17+s16], $0x800, s15, s16, $0x38;
	[tilespmem:$0x12A00] =	vst v63  }
0x11c: {  	s7 =	spop (v2sf)  }
0x11d: {  	[tilespmem:s29], [sflag:$0x1] =	stream.strided.gather [hbm4b:s7+s16], $0x800, s15, s16, $0x38;
	[tilespmem:$0x12A00] =	vst v63  }
0x11e: {  	s8 =	spop (v2sf)  }
0x11f: {  	[tilespmem:s30], [sflag:$0x1] =	stream.strided.gather [hbm4b:s8+s16], $0x800, s15, s16, $0x38;
	[tilespmem:$0x12A00] =	vst v63  }
.Ltmp6:
0x120: {  	_ = 	snop;
	(pc) =	sbr.rel .LBB2_6-.Ltmp6, $4  }
0x121: {  	s14 =	spop (v2sf)  }
0x122: {  	[tilespmem:s31], [sflag:$0x1] =	stream.strided.gather [hbm4b:s14+s16], $0x800, s15, s16, $0x38;
	[tilespmem:$0x12A00] =	vst v63  }
0x123: {  	s4 =	simm.s32 $0x0;
	s17 =	spop (v2sf)  }
0x124: {  	[tilespmem:s0], [sflag:$0x1] =	stream.strided.gather [hbm4b:s17+s16], $0x800, s15, s16, $0x38;
	[tilespmem:$0x12A00] =	vst v63  }
.LBB2_8:
0x125: {  	_ =	swait.ge [sflag:s5], $0x800  }
0x126: {  	[sflag:s5] =	ssyncset.done $0x0  }
0x127: {  	[sflag:s5] =	ssyncadd.s32 $0xFFFFF800  }
0x128: {  	_ =	swait.ge [sflag:s5], $0x800  }
0x129: {  	[sflag:s5] =	ssyncset.done $0x0  }
0x12a: {  	[sflag:s5] =	ssyncadd.s32 $0xFFFFF800  }
0x12b: {  	_ =	swait.ge [sflag:s5], $0x800  }
0x12c: {  	[sflag:s5] =	ssyncset.done $0x0  }
0x12d: {  	[sflag:s5] =	ssyncadd.s32 $0xFFFFF800  }
0x12e: {  	_ =	swait.ge [sflag:s5], $0x800  }
0x12f: {  	[sflag:s5] =	ssyncset.done $0x0  }
0x130: {  	[sflag:s5] =	ssyncadd.s32 $0xFFFFF800  }
0x131: {  	_ =	swait.ge [sflag:s5], $0x800  }
0x132: {  	[sflag:s5] =	ssyncset.done $0x0  }
0x133: {  	[sflag:s5] =	ssyncadd.s32 $0xFFFFF800  }
0x134: {  	_ =	swait.ge [sflag:s5], $0x800  }
0x135: {  	[sflag:s5] =	ssyncset.done $0x0  }
0x136: {  	[sflag:s5] =	ssyncadd.s32 $0xFFFFF800  }
0x137: {  	_ =	swait.ge [sflag:s5], $0x800  }
0x138: {  	[sflag:s5] =	ssyncset.done $0x0  }
0x139: {  	[sflag:s5] =	ssyncadd.s32 $0xFFFFF800  }
0x13a: {  	_ =	swait.ge [sflag:s5], $0x800  }
0x13b: {  	[sflag:s5] =	ssyncset.done $0x0  }
0x13c: {  	[sflag:s5] =	ssyncadd.s32 $0xFFFFF800  }
0x13d: {  	_ =	swait.ge [sflag:s5], $0x800  }
0x13e: {  	[sflag:s5] =	ssyncset.done $0x0  }
0x13f: {  	[sflag:s5] =	ssyncadd.s32 $0xFFFFF800  }
0x140: {  	_ =	swait.ge [sflag:s5], $0x800  }
0x141: {  	[sflag:s5] =	ssyncset.done $0x0  }
0x142: {  	[sflag:s5] =	ssyncadd.s32 $0xFFFFF800  }
0x143: {  	_ =	swait.ge [sflag:s5], $0x800  }
0x144: {  	[sflag:s5] =	ssyncset.done $0x0  }
0x145: {  	[sflag:s5] =	ssyncadd.s32 $0xFFFFF800  }
0x146: {  	_ =	swait.ge [sflag:s5], $0x800  }
0x147: {  	[sflag:s5] =	ssyncset.done $0x0  }
0x148: {  	[sflag:s5] =	ssyncadd.s32 $0xFFFFF800  }
0x149: {  	_ =	swait.ge [sflag:s5], $0x800  }
0x14a: {  	[sflag:s5] =	ssyncset.done $0x0  }
0x14b: {  	[sflag:s5] =	ssyncadd.s32 $0xFFFFF800  }
0x14c: {  	_ =	swait.ge [sflag:s5], $0x800  }
0x14d: {  	[sflag:s5] =	ssyncset.done $0x0  }
0x14e: {  	[sflag:s5] =	ssyncadd.s32 $0xFFFFF800  }
0x14f: {  	_ =	swait.ge [sflag:s5], $0x800  }
0x150: {  	[sflag:s5] =	ssyncset.done $0x0  }
0x151: {  	[sflag:s5] =	ssyncadd.s32 $0xFFFFF800  }
0x152: {  	_ =	swait.ge [sflag:s5], $0x800  }
0x153: {  	[sflag:s5] =	ssyncset.done $0x0  }
0x154: {  	s7 =	sshll.u32 s4, $0x4;
	[sflag:s5] =	ssyncadd.s32 $0xFFFFF800  }
0x155: {  	v16 =	vld [tilespmem:s7+$0x200];
	_ =	sdelay $0x3  }
0x156: {  	s8 =	sand.u32 $0x1, s4  }
0x157: {  	s8 =	sshll.u32 s8, $0xF;
	v16 =	vand.u32 $0x7F, v16  }
0x158: {  	v16 =	vor.u32 s8, v16  }
0x159: {  	v17 =	vor.u32 v0, v16;
	_ =	sdelay $0x1  }
0x15a: {  	v18 =	vor.u32 v1, v16  }
0x15b: {  	v19 =	vld [tilespmem:s7+$0x12400];
	s8 =	sshll.u32 s4, $0x7  }
0x15c: {  	v20 =	vld [tilespmem:s7+$0x12600];
	s4 =	sand.u32 $0x70, s7;
	s17 =	sand.u32 $0xC00, s8;
	v21 =	vor.u32 v2, v16  }
0x15d: {  	s4 =	sor.u32 s4, s17;
	v17 =	vld.idx.msk [tilespmem:v17+s16+$0x0], $0xffff  }
0x15e: {  	v23 =	vor.u32 v3, v16;
	v22 =	vld [tilespmem:s4+$0x10400]  }
0x15f: {  	s17 =	sadd.s32 $0x10400, s4;
	v18 =	vld.idx.msk [tilespmem:v18+s16+$0x0], $0xffff  }
0x160: {  	v25 =	vor.u32 v4, v16;
	v24 =	vld [tilespmem:s17+$0x80]  }
0x161: {  	v21 =	vld.idx.msk [tilespmem:v21+s16+$0x0], $0xffff  }
0x162: {  	v27 =	vor.u32 v5, v16;
	v26 =	vld [tilespmem:s17+$0x100];
	v17 =	vadd.f32 $6.250000000e-02, v17  }
0x163: {  	v19 =	vadd.f32 v20, v19;
	v55 =	vld.idx.msk [tilespmem:v23+s16+$0x0], $0xffff  }
0x164: {  	v57 =	vor.u32 v6, v16;
	v56 =	vld [tilespmem:s17+$0x180];
	v18 =	vadd.f32 $6.250000000e-02, v18;
	v17 =	vmul.f32 v17, v22  }
0x165: {  	v60 =	vor.u32 v7, v16;
	v58 =	vld.idx.msk [tilespmem:v25+s16+$0x0], $0xffff  }
0x166: {  	v59 =	vld [tilespmem:s17+$0x200];
	v21 =	vadd.f32 $6.250000000e-02, v21;
	v18 =	vmul.f32 v18, v24;
	v17 =	vadd.f32 v17, v19  }
0x167: {  	v63 =	vor.u32 v8, v16;
	v61 =	vld.idx.msk [tilespmem:v27+s16+$0x0], $0xffff  }
0x168: {  	v62 =	vld [tilespmem:s17+$0x280];
	v20 =	vadd.f32 $6.250000000e-02, v55;
	v21 =	vmul.f32 v21, v26;
	v17 =	vadd.f32 v18, v17  }
0x169: {  	v32 =	vor.u32 v9, v16;
	v23 =	vld.idx.msk [tilespmem:v57+s16+$0x0], $0xffff  }
0x16a: {  	s8 =	sor.u32 s8, s7;
	v30 =	vld [tilespmem:s17+$0x300];
	v20 =	vmul.f32 v20, v56;
	v19 =	vadd.f32 $6.250000000e-02, v58;
	v17 =	vadd.f32 v21, v17  }
0x16b: {  	v35 =	vor.u32 v10, v16;
	s8 =	sor.u32 $0x380, s8;
	v31 =	vld.idx.msk [tilespmem:v60+s16+$0x0], $0xffff  }
0x16c: {  	v33 =	vld [tilespmem:s8+$0x10400];
	v19 =	vmul.f32 v19, v59;
	v18 =	vadd.f32 $6.250000000e-02, v61;
	v17 =	vadd.f32 v20, v17  }
0x16d: {  	v38 =	vor.u32 v11, v16;
	v34 =	vld.idx.msk [tilespmem:v63+s16+$0x0], $0xffff  }
0x16e: {  	v37 =	vld [tilespmem:s4+$0x11400];
	v36 =	vadd.f32 $6.250000000e-02, v23;
	v18 =	vmul.f32 v18, v62;
	v17 =	vadd.f32 v19, v17  }
0x16f: {  	v43 =	vor.u32 v12, v16;
	v41 =	vld.idx.msk [tilespmem:v32+s16+$0x0], $0xffff  }
0x170: {  	v42 =	vld [tilespmem:s4+$0x11480];
	v40 =	vadd.f32 $6.250000000e-02, v31;
	v39 =	vmul.f32 v36, v30;
	v17 =	vadd.f32 v18, v17  }
0x171: {  	v48 =	vor.u32 v13, v16;
	v46 =	vld.idx.msk [tilespmem:v35+s16+$0x0], $0xffff  }
0x172: {  	v47 =	vld [tilespmem:s4+$0x11500];
	v45 =	vadd.f32 $6.250000000e-02, v34;
	v44 =	vmul.f32 v40, v33;
	v17 =	vadd.f32 v39, v17  }
0x173: {  	v52 =	vor.u32 v14, v16;
	v50 =	vld.idx.msk [tilespmem:v38+s16+$0x0], $0xffff  }
0x174: {  	v51 =	vld [tilespmem:s4+$0x11580];
	v49 =	vmul.f32 v45, v37;
	v21 =	vadd.f32 $6.250000000e-02, v41;
	v17 =	vadd.f32 v44, v17  }
0x175: {  	v16 =	vor.u32 v15, v16;
	v53 =	vld.idx.msk [tilespmem:v43+s16+$0x0], $0xffff  }
0x176: {  	v54 =	vld [tilespmem:s4+$0x11600];
	v21 =	vmul.f32 v21, v42;
	v20 =	vadd.f32 $6.250000000e-02, v46;
	v17 =	vadd.f32 v49, v17  }
0x177: {  	v55 =	vld.idx.msk [tilespmem:v48+s16+$0x0], $0xffff  }
0x178: {  	v57 =	vld.idx.msk [tilespmem:v52+s16+$0x0], $0xffff;
	v20 =	vmul.f32 v20, v47;
	v19 =	vadd.f32 $6.250000000e-02, v50;
	v17 =	vadd.f32 v21, v17  }
0x179: {  	v56 =	vld [tilespmem:s4+$0x11680]  }
0x17a: {  	v16 =	vld.idx.msk [tilespmem:v16+s16+$0x0], $0xffff;
	v19 =	vmul.f32 v19, v51;
	v18 =	vadd.f32 $6.250000000e-02, v53;
	v17 =	vadd.f32 v20, v17  }
0x17b: {  	v58 =	vld [tilespmem:s4+$0x11700]  }
0x17c: {  	v59 =	vadd.f32 $6.250000000e-02, v55;
	v18 =	vmul.f32 v18, v54;
	v17 =	vadd.f32 v19, v17  }
0x17d: {  	v60 =	vld [tilespmem:s4+$0x11780]  }
0x17e: {  	v61 =	vmul.f32 v59, v56;
	v62 =	vadd.f32 $6.250000000e-02, v57;
	v17 =	vadd.f32 v18, v17;
	_ =	sdelay $0x1  }
0x17f: {  	v16 =	vadd.f32 $6.250000000e-02, v16;
	v63 =	vmul.f32 v62, v58;
	v17 =	vadd.f32 v61, v17;
	_ =	sdelay $0x1  }
0x180: {  	v16 =	vmul.f32 v16, v60;
	v17 =	vadd.f32 v63, v17;
	_ =	sdelay $0x1  }
0x181: {  	v16 =	vadd.f32 v16, v17;
	_ =	sdelay $0x1  }
0x182: {  	v16 =	vsub.f32 $0.0e+00, v16;
	_ =	sdelay $0x1  }
0x183: {  	v16 =	vmul.f32 $1.442695020e+00, v16;
	_ =	sdelay $0x1  }
0x184: {  	(erf) = vpow2.f32 v16;
	_ =	sdelay $0x8  }
0x185: {  	v16 =	vpop (erf)  }
0x186: {  	v16 =	vadd.f32 $1.000000000e+00, v16;
	_ =	sdelay $0x1  }
0x187: {  	(erf) = vrcp.f32 v16;
	_ =	sdelay $0x4  }
0x188: {  	p0 =	sne.s32 s14, $0x20  }
.Ltmp7:
0x189: {  	_ = 	snop;
	(pc) =	sbr.rel @!p0 .LBB2_9-.Ltmp7, $3  }
0x18a: {  	_ =	sdelay $0x1  }
0x18b: {  	v16 =	vpop (erf)  }
0x18c: {  	s4 =	smov.u32 s14;
	[tilespmem:s7+$0x12800] =	vst v16  }
.LBB2_6:
0x18d: {  	p0 =	seq.s32 s4, $0x1F  }
.Ltmp8:
0x18e: {  	_ = 	snop;
	(pc) =	sbr.rel @p0 .LBB2_8-.Ltmp8, $2  }
0x18f: {  	_ =	sdelay $0x2  }
0x190: {  	s14 =	simm.s32 $0x20  }
0x191: {  	s14 =	sadd.s32 $0x1, s4  }
0x192: {  	s7 =	sshll.u32 s14, $0x4  }
0x193: {  	s7 =	sand.u32 $0x3FFFFFF0, s7  }
0x194: {  	v16 =	vld [tilespmem:s7+$0x200];
	_ =	sdelay $0x4  }
0x195: {  	v16 =	vand.u32 $0xFFFFFF80, v16  }
0x196: {  	v16 =	vadd.s32 s2, v16  }
0x197: {  	(v2sf) =	vpush v16, $0x0;
	_ =	sdelay $0x1  }
0x198: {  	(v2sf) =	vpush v16, $0x1;
	_ =	sdelay $0x1  }
0x199: {  	(v2sf) =	vpush v16, $0x2;
	_ =	sdelay $0x1  }
0x19a: {  	(v2sf) =	vpush v16, $0x3;
	_ =	sdelay $0x1  }
0x19b: {  	(v2sf) =	vpush v16, $0x4;
	_ =	sdelay $0x1  }
0x19c: {  	(v2sf) =	vpush v16, $0x5;
	_ =	sdelay $0x1  }
0x19d: {  	(v2sf) =	vpush v16, $0x6  }
0x19e: {  	s8 =	sshll.u32 s14, $0xF  }
0x19f: {  	s7 =	sand.u32 $0x8000, s8;
	(v2sf) =	vpush v16, $0x7  }
0x1a0: {  	s8 =	sor.u32 $0x400, s7;
	s17 =	spop (v2sf)  }
0x1a1: {  	(v2sf) =	vpush v16, $0x8;
	[tilespmem:s8], [sflag:$0x1] =	stream.strided.gather [hbm4b:s17+s16], $0x800, s15, s16, $0x38;
	[tilespmem:$0x12A00] =	vst v63  }
0x1a2: {  	s8 =	sor.u32 $0xC00, s7;
	s17 =	spop (v2sf)  }
0x1a3: {  	(v2sf) =	vpush v16, $0x9;
	[tilespmem:s8], [sflag:$0x1] =	stream.strided.gather [hbm4b:s17+s16], $0x800, s15, s16, $0x38;
	[tilespmem:$0x12A00] =	vst v63  }
0x1a4: {  	s8 =	sor.u32 $0x1400, s7;
	s17 =	spop (v2sf)  }
0x1a5: {  	(v2sf) =	vpush v16, $0xA;
	[tilespmem:s8], [sflag:$0x1] =	stream.strided.gather [hbm4b:s17+s16], $0x800, s15, s16, $0x38;
	[tilespmem:$0x12A00] =	vst v63  }
0x1a6: {  	s8 =	sor.u32 $0x1C00, s7;
	s17 =	spop (v2sf)  }
0x1a7: {  	(v2sf) =	vpush v16, $0xB;
	[tilespmem:s8], [sflag:$0x1] =	stream.strided.gather [hbm4b:s17+s16], $0x800, s15, s16, $0x38;
	[tilespmem:$0x12A00] =	vst v63  }
0x1a8: {  	s8 =	sor.u32 $0x2400, s7;
	s17 =	spop (v2sf)  }
0x1a9: {  	(v2sf) =	vpush v16, $0xC;
	[tilespmem:s8], [sflag:$0x1] =	stream.strided.gather [hbm4b:s17+s16], $0x800, s15, s16, $0x38;
	[tilespmem:$0x12A00] =	vst v63  }
0x1aa: {  	s8 =	sor.u32 $0x2C00, s7;
	s17 =	spop (v2sf)  }
0x1ab: {  	(v2sf) =	vpush v16, $0xD;
	[tilespmem:s8], [sflag:$0x1] =	stream.strided.gather [hbm4b:s17+s16], $0x800, s15, s16, $0x38;
	[tilespmem:$0x12A00] =	vst v63  }
0x1ac: {  	s8 =	sor.u32 $0x3400, s7;
	s17 =	spop (v2sf)  }
0x1ad: {  	[tilespmem:s8], [sflag:$0x1] =	stream.strided.gather [hbm4b:s17+s16], $0x800, s15, s16, $0x38;
	[tilespmem:$0x12A00] =	vst v63  }
0x1ae: {  	(v2sf) =	vpush v16, $0xE;
	s8 =	sor.u32 $0x3C00, s7;
	s17 =	spop (v2sf)  }
0x1af: {  	[tilespmem:s8], [sflag:$0x1] =	stream.strided.gather [hbm4b:s17+s16], $0x800, s15, s16, $0x38;
	[tilespmem:$0x12A00] =	vst v63  }
0x1b0: {  	(v2sf) =	vpush v16, $0xF;
	s8 =	spop (v2sf);
	s17 =	sor.u32 $0x4400, s7  }
0x1b1: {  	[tilespmem:s17], [sflag:$0x1] =	stream.strided.gather [hbm4b:s8+s16], $0x800, s15, s16, $0x38;
	[tilespmem:$0x12A00] =	vst v63  }
0x1b2: {  	s8 =	spop (v2sf);
	s17 =	sor.u32 $0x4C00, s7  }
0x1b3: {  	[tilespmem:s17], [sflag:$0x1] =	stream.strided.gather [hbm4b:s8+s16], $0x800, s15, s16, $0x38;
	[tilespmem:$0x12A00] =	vst v63  }
0x1b4: {  	s8 =	spop (v2sf);
	s17 =	sor.u32 $0x5400, s7  }
0x1b5: {  	[tilespmem:s17], [sflag:$0x1] =	stream.strided.gather [hbm4b:s8+s16], $0x800, s15, s16, $0x38;
	[tilespmem:$0x12A00] =	vst v63  }
0x1b6: {  	s8 =	spop (v2sf);
	s17 =	sor.u32 $0x5C00, s7  }
0x1b7: {  	[tilespmem:s17], [sflag:$0x1] =	stream.strided.gather [hbm4b:s8+s16], $0x800, s15, s16, $0x38;
	[tilespmem:$0x12A00] =	vst v63  }
0x1b8: {  	s8 =	spop (v2sf);
	s17 =	sor.u32 $0x6400, s7  }
0x1b9: {  	[tilespmem:s17], [sflag:$0x1] =	stream.strided.gather [hbm4b:s8+s16], $0x800, s15, s16, $0x38;
	[tilespmem:$0x12A00] =	vst v63  }
0x1ba: {  	s8 =	spop (v2sf);
	s17 =	sor.u32 $0x6C00, s7  }
0x1bb: {  	[tilespmem:s17], [sflag:$0x1] =	stream.strided.gather [hbm4b:s8+s16], $0x800, s15, s16, $0x38;
	[tilespmem:$0x12A00] =	vst v63  }
.Ltmp9:
0x1bc: {  	_ = 	snop;
	(pc) =	sbr.rel .LBB2_8-.Ltmp9, $4  }
0x1bd: {  	s8 =	spop (v2sf);
	s17 =	sor.u32 $0x7400, s7  }
0x1be: {  	[tilespmem:s17], [sflag:$0x1] =	stream.strided.gather [hbm4b:s8+s16], $0x800, s15, s16, $0x38;
	[tilespmem:$0x12A00] =	vst v63  }
0x1bf: {  	s7 =	sor.u32 $0x7C00, s7;
	s17 =	spop (v2sf)  }
0x1c0: {  	[tilespmem:s7], [sflag:$0x1] =	stream.strided.gather [hbm4b:s17+s16], $0x800, s15, s16, $0x38;
	[tilespmem:$0x12A00] =	vst v63  }
.LBB2_10:
0x1c1: {  	_ =	sfence.sel $0x180000  }
0x1c2: {  	[bflag:$0x0] =	sbarrier.arrive $0xFFFF  }
0x1c3: {  	_ =	strace $0x90000047  }
0x1c4: {  	s0 =	stileid.u32;
	[bflag:$0x2] =	sbarrier.arrive $0xFFFF  }
0x1c5: {  	p0 =	sne.s32 s0, $0x0;
	s0 =	rddreg [dreg:$0x7]  }
0x1c6: {  	s0 =	sadd.s32 @!p0 $0x100000, s0  }
0x1c7: {  	[sflag:s0] =	ssyncadd.tile.s32 @!p0 $0x1;
	_ =	shalt  }
.Lfunc_end2:
_tile_overlayer_lowered:
.L_overlay_start_2:
0x1c8: {  	(tag) =	ssettag $0x2  }
0x1c9: {  	s0 =	rddreg [dreg:$0x0];
	s2 =	stileid.u32  }
0x1ca: {  	s1 =	rddreg [dreg:$0x1];
	p0 =	sne.s32 s2, $0x0  }
0x1cb: {  	s3 =	rddreg [dreg:$0x2];
	[bflag:$0x3] =	sbarrier.arrive $0xFFFF;
	s2 =	simm.s32 @!p0 $0x1C03  }
0x1cc: {  	[timem:s3], [sflag:s2] =	dma.local @!p0 [hbm:s0], s1  }
0x1cd: {  	s0 =	simm.s32 @!p0 $0x3  }
0x1ce: {  	_ =	swait.ge @!p0 [sflag:s0], s1  }
0x1cf: {  	s1 =	ssub.s32 @!p0 $0x0, s1;
	[sflag:s0] =	ssyncset.done @!p0 $0x0  }
0x1d0: {  	[sflag:s0] =	ssyncadd.s32 @!p0 s1  }
0x1d1: {  	[bflag:$0x3] =	sbarrier.arrive $0xFFFF  }
0x1d2: {  	_ =	shalt  }

</sc_bundles>
